<compile_context>
chip_gen: v7x
topology: tpu7x:2x2x1
jax: 0.10.2.dev20260603
libtpu: 0.0.44.dev20260713+nightly
codegen_flags: <defaults>
</compile_context>

<pallas_src>
import functools

import jax
import jax.numpy as jnp
from jax import lax
from jax.experimental import pallas as pl
from jax.experimental.pallas import tpu as pltpu
from jax.experimental.pallas import tpu_sc as plsc

N_POSITIONS = 512
N_EMBD = 128

_B = 4096 * 200
_NC = 2
_NS = 16
_NW = _NC * _NS
_BPW = _B // _NW
_IDXC = 64
_SUB = 1
_CHUNK = _IDXC * _SUB
_NCHUNK = _BPW // _CHUNK
_NBUF = 12
_NGROUP = _NCHUNK // _NBUF
_NTAIL = _NCHUNK - _NGROUP * _NBUF

_mesh = plsc.VectorSubcoreMesh(core_axis_name="c", subcore_axis_name="s")


@functools.partial(
    pl.kernel,
    mesh=_mesh,
    out_type=jax.ShapeDtypeStruct((_B, N_EMBD), jnp.float32),
    scratch_types=[
        pltpu.VMEM_SHARED((N_POSITIONS, N_EMBD), jnp.float32),
        pltpu.VMEM((_BPW,), jnp.int32),
        pltpu.VMEM((_NBUF, _CHUNK, N_EMBD), jnp.float32),
        pltpu.SemaphoreType.DMA,
        pltpu.SemaphoreType.DMA((_NBUF,)),
        pltpu.SemaphoreType.DMA((_NBUF,)),
    ],
)
def _gather_kernel(ids_hbm, table_hbm, out_hbm, tab_s, idx_v, rows_v,
                   isem, gsem, wsem):
    wid = lax.axis_index("s") * _NC + lax.axis_index("c")
    base = wid * _BPW

    def fire_gathers(c, b):
        for r in range(_SUB):
            pltpu.async_copy(
                tab_s.at[idx_v.at[pl.ds(c * _CHUNK + r * _IDXC, _IDXC)]],
                rows_v.at[b, pl.ds(r * _IDXC, _IDXC)],
                gsem.at[b])

    def wait_gathers(c, b):
        for r in range(_SUB):
            pltpu.make_async_copy(
                tab_s.at[idx_v.at[pl.ds(c * _CHUNK + r * _IDXC, _IDXC)]],
                rows_v.at[b, pl.ds(r * _IDXC, _IDXC)],
                gsem.at[b]).wait()

    def fire_write(c, b):
        pltpu.async_copy(
            rows_v.at[b], out_hbm.at[pl.ds(base + c * _CHUNK, _CHUNK)],
            wsem.at[b])

    def wait_write(c, b):
        pltpu.make_async_copy(
            rows_v.at[b], out_hbm.at[pl.ds(base + c * _CHUNK, _CHUNK)],
            wsem.at[b]).wait()

    pltpu.async_copy(ids_hbm.at[pl.ds(base, _BPW)], idx_v, isem)

    @pl.when(lax.axis_index("s") == 0)
    def _():
        pltpu.sync_copy(table_hbm, tab_s)

    plsc.subcore_barrier()
    pltpu.make_async_copy(ids_hbm.at[pl.ds(base, _BPW)], idx_v, isem).wait()

    for b in range(_NBUF):
        fire_gathers(b, b)

    def body(g, carry):
        c0 = g * _NBUF
        for b in range(_NBUF):
            wait_gathers(c0 + b, b)
            fire_write(c0 + b, b)

        @pl.when(g + 1 < _NGROUP)
        def _():
            for b in range(_NBUF):
                wait_write(c0 + b, b)
                fire_gathers(c0 + _NBUF + b, b)

        return carry

    lax.fori_loop(0, _NGROUP, body, 0)

    last0 = (_NGROUP - 1) * _NBUF
    for t in range(_NTAIL):
        wait_write(last0 + t, t)
        fire_gathers(_NGROUP * _NBUF + t, t)
    for t in range(_NTAIL):
        wait_gathers(_NGROUP * _NBUF + t, t)
        fire_write(_NGROUP * _NBUF + t, t)
    for b in range(_NTAIL, _NBUF):
        wait_write(last0 + b, b)
    for t in range(_NTAIL):
        wait_write(_NGROUP * _NBUF + t, t)


def kernel(position_ids, pe):
    ids_flat = jnp.reshape(position_ids, (_B,))
    out = _gather_kernel(ids_flat, pe)
    return jnp.reshape(out, (*position_ids.shape, N_EMBD))

# --- scband reference (transcript-rebuilt; emitter-appended) ---
"""Pipeline reference for scband-sinusoidal-position-embeddings-11295763989070 (READ-ONLY COPY).

The authoritative reference and input builder live on the scoring server;
editing this copy changes nothing except your own understanding.
"""

import jax, jax.numpy as jnp
import numpy as np

N_POSITIONS = 512
N_EMBD = 128


def _make_pe():
    position = np.arange(N_POSITIONS, dtype=np.float32)[:, None]
    div_term = np.exp(np.arange(0, N_EMBD, 2, dtype=np.float32) * -(np.log(10000.0) / N_EMBD))
    pe = np.zeros((N_POSITIONS, N_EMBD), dtype=np.float32)
    pe[:, 0::2] = np.sin(position * div_term)
    pe[:, 1::2] = np.cos(position * div_term)
    return jnp.asarray(pe)


def setup_inputs(seed: int = 0):
    key = jax.random.key(seed)
    position_ids = jax.random.randint(key, (4096, 200), 0, N_POSITIONS, dtype=jnp.int32)
    return {"position_ids": position_ids, "pe": _make_pe()}


def reference(position_ids, pe):
    # nn.Embedding lookup == row gather from the frozen sinusoidal table
    return jnp.take(pe, position_ids, axis=0)

if __name__ == "__main__":
    import jax
    _d = setup_inputs()
    print(jax.jit(kernel)(*tuple(_d.values())))

</pallas_src>

<mosaic_0001>
#map = affine_map<(d0, d1) -> (0)>
#map1 = affine_map<(d0, d1) -> (0, 0)>
module attributes {stable_mosaic.version = 14 : i64} {
  func.func @_gather_kernel(%arg0: i32, %arg1: i32, %arg2: memref<819200xi32, #tpu.memory_space<hbm>>, %arg3: memref<512x128xf32, #tpu.memory_space<hbm>>, %arg4: memref<819200x128xf32, #tpu.memory_space<hbm>>, %arg5: memref<512x128xf32, #tpu.memory_space<vmem_shared>>, %arg6: memref<25600xi32, #tpu.memory_space<vmem>>, %arg7: memref<12x64x128xf32, #tpu.memory_space<vmem>>, %arg8: memref<!tpu.dma_semaphore, #tpu.memory_space<semaphore_mem>>, %arg9: memref<12x!tpu.dma_semaphore, #tpu.memory_space<semaphore_mem>>, %arg10: memref<12x!tpu.dma_semaphore, #tpu.memory_space<semaphore_mem>>) attributes {dimension_semantics = [#tpu.dimension_semantics<core_parallel>, #tpu.dimension_semantics<subcore_parallel>], iteration_bounds = array<i64: 2, 16>, scalar_prefetch = 0 : i64, scratch_operands = 6 : i64, tpu.core_type = #tpu.core_type<sc_vector_subcore>, window_params = [{transform_indices = #map}, {transform_indices = #map1}, {transform_indices = #map1}]} {
    %mul3A = arith.constant 2 : i32
    %mul3A_0 = arith.muli %arg1, %mul3A : i32
    %add3A = arith.addi %mul3A_0, %arg0 : i32
    %mul3A_1 = arith.constant 25600 : i32
    %mul3A_2 = arith.muli %add3A, %mul3A_1 : i32
    %dma_start3A = tpu.memref_slice %arg2[%mul3A_2] : memref<819200xi32, #tpu.memory_space<hbm>> -> memref<25600xi32, #tpu.memory_space<hbm>>
    %dma_start3A_3 = tpu.memref_slice %arg2[%mul3A_2] : memref<819200xi32, #tpu.memory_space<hbm>> -> memref<25600xi32, #tpu.memory_space<hbm>>
    tpu.enqueue_dma source(%dma_start3A_3 : memref<25600xi32, #tpu.memory_space<hbm>>) target(%arg6 : memref<25600xi32, #tpu.memory_space<vmem>>) target_semaphore(%arg8 : memref<!tpu.dma_semaphore, #tpu.memory_space<semaphore_mem>>)
    %eq3A = arith.constant 0 : i32
    %eq3A_4 = arith.cmpi eq, %arg1, %eq3A : i32
    %convert_element_type3A = arith.extui %eq3A_4 : i1 to i32
    %cond3A = arith.constant 0 : i32
    %cond3A_5 = arith.cmpi ne, %convert_element_type3A, %cond3A : i32
    scf.if %cond3A_5 {
      "tpu.region"() ({
        %run_scoped3A = tpu.sem_alloc : memref<!tpu.dma_semaphore, #tpu.memory_space<semaphore_mem>>
        tpu.enqueue_dma source(%arg3 : memref<512x128xf32, #tpu.memory_space<hbm>>) target(%arg5 : memref<512x128xf32, #tpu.memory_space<vmem_shared>>) target_semaphore(%run_scoped3A : memref<!tpu.dma_semaphore, #tpu.memory_space<semaphore_mem>>)
        tpu.wait_dma2 semaphore(%run_scoped3A : memref<!tpu.dma_semaphore, #tpu.memory_space<semaphore_mem>>) src(%arg3 : memref<512x128xf32, #tpu.memory_space<hbm>>) dst(%arg5 : memref<512x128xf32, #tpu.memory_space<vmem_shared>>)
        tpu.yield
      }) : () -> ()
    } else {
    }
    %barrier3A = arith.constant 0 : index
    tpu.barrier barrier_id(%barrier3A)
    %dma_wait3A = tpu.memref_slice %arg2[%mul3A_2] : memref<819200xi32, #tpu.memory_space<hbm>> -> memref<25600xi32, #tpu.memory_space<hbm>>
    %dma_wait3A_6 = tpu.memref_slice %arg2[%mul3A_2] : memref<819200xi32, #tpu.memory_space<hbm>> -> memref<25600xi32, #tpu.memory_space<hbm>>
    tpu.wait_dma2 semaphore(%arg8 : memref<!tpu.dma_semaphore, #tpu.memory_space<semaphore_mem>>) src(%dma_wait3A_6 : memref<25600xi32, #tpu.memory_space<hbm>>) dst(%arg6 : memref<25600xi32, #tpu.memory_space<vmem>>)
    %dma_start3A_7 = arith.constant 0 : i32
    %dma_start3A_8 = arith.constant 0 : i32
    %dma_start3A_9 = arith.constant 0 : i32
    %dma_start3A_10 = arith.constant 0 : i32
    %dma_start3A_11 = tpu.memref_slice %arg7[%dma_start3A_7, %dma_start3A_9, %dma_start3A_10] : memref<12x64x128xf32, #tpu.memory_space<vmem>> -> memref<1x64x128xf32, #tpu.memory_space<vmem>>
    %dma_start3A_12 = tpu.memref_squeeze %dma_start3A_11 : memref<1x64x128xf32, #tpu.memory_space<vmem>> -> memref<64x128xf32, #tpu.memory_space<vmem>>
    %dma_start3A_13 = arith.constant 0 : i32
    %dma_start3A_14 = tpu.memref_slice %arg6[%dma_start3A_13] : memref<25600xi32, #tpu.memory_space<vmem>> -> memref<64xi32, #tpu.memory_space<vmem>>
    %dma_start3A_15 = arith.constant 0 : i32
    %dma_start3A_16 = arith.constant 0 : i32
    %dma_start3A_17 = tpu.memref_slice %arg5[%dma_start3A_15, %dma_start3A_16] : memref<512x128xf32, #tpu.memory_space<vmem_shared>> -> memref<512x128xf32, #tpu.memory_space<vmem_shared>>
    %dma_start3A_18 = tpu.memref_slice %arg9[%dma_start3A_8] : memref<12x!tpu.dma_semaphore, #tpu.memory_space<semaphore_mem>> -> memref<1x!tpu.dma_semaphore, #tpu.memory_space<semaphore_mem>>
    %dma_start3A_19 = tpu.memref_squeeze %dma_start3A_18 : memref<1x!tpu.dma_semaphore, #tpu.memory_space<semaphore_mem>> -> memref<!tpu.dma_semaphore, #tpu.memory_space<semaphore_mem>>
    tpu.enqueue_indirect_dma source(%dma_start3A_17 : memref<512x128xf32, #tpu.memory_space<vmem_shared>>) target(%dma_start3A_12 : memref<64x128xf32, #tpu.memory_space<vmem>>) offsets(%dma_start3A_14 : memref<64xi32, #tpu.memory_space<vmem>>) semaphore(%dma_start3A_19 : memref<!tpu.dma_semaphore, #tpu.memory_space<semaphore_mem>>)
    %dma_start3A_20 = arith.constant 1 : i32
    %dma_start3A_21 = arith.constant 1 : i32
    %dma_start3A_22 = arith.constant 0 : i32
    %dma_start3A_23 = arith.constant 0 : i32
    %dma_start3A_24 = tpu.memref_slice %arg7[%dma_start3A_20, %dma_start3A_22, %dma_start3A_23] : memref<12x64x128xf32, #tpu.memory_space<vmem>> -> memref<1x64x128xf32, #tpu.memory_space<vmem>>
    %dma_start3A_25 = tpu.memref_squeeze %dma_start3A_24 : memref<1x64x128xf32, #tpu.memory_space<vmem>> -> memref<64x128xf32, #tpu.memory_space<vmem>>
    %dma_start3A_26 = arith.constant 64 : i32
    %dma_start3A_27 = tpu.memref_slice %arg6[%dma_start3A_26] : memref<25600xi32, #tpu.memory_space<vmem>> -> memref<64xi32, #tpu.memory_space<vmem>>
    %dma_start3A_28 = arith.constant 0 : i32
    %dma_start3A_29 = arith.constant 0 : i32
    %dma_start3A_30 = tpu.memref_slice %arg5[%dma_start3A_28, %dma_start3A_29] : memref<512x128xf32, #tpu.memory_space<vmem_shared>> -> memref<512x128xf32, #tpu.memory_space<vmem_shared>>
    %dma_start3A_31 = tpu.memref_slice %arg9[%dma_start3A_21] : memref<12x!tpu.dma_semaphore, #tpu.memory_space<semaphore_mem>> -> memref<1x!tpu.dma_semaphore, #tpu.memory_space<semaphore_mem>>
    %dma_start3A_32 = tpu.memref_squeeze %dma_start3A_31 : memref<1x!tpu.dma_semaphore, #tpu.memory_space<semaphore_mem>> -> memref<!tpu.dma_semaphore, #tpu.memory_space<semaphore_mem>>
    tpu.enqueue_indirect_dma source(%dma_start3A_30 : memref<512x128xf32, #tpu.memory_space<vmem_shared>>) target(%dma_start3A_25 : memref<64x128xf32, #tpu.memory_space<vmem>>) offsets(%dma_start3A_27 : memref<64xi32, #tpu.memory_space<vmem>>) semaphore(%dma_start3A_32 : memref<!tpu.dma_semaphore, #tpu.memory_space<semaphore_mem>>)
    %dma_start3A_33 = arith.constant 2 : i32
    %dma_start3A_34 = arith.constant 2 : i32
    %dma_start3A_35 = arith.constant 0 : i32
    %dma_start3A_36 = arith.constant 0 : i32
    %dma_start3A_37 = tpu.memref_slice %arg7[%dma_start3A_33, %dma_start3A_35, %dma_start3A_36] : memref<12x64x128xf32, #tpu.memory_space<vmem>> -> memref<1x64x128xf32, #tpu.memory_space<vmem>>
    %dma_start3A_38 = tpu.memref_squeeze %dma_start3A_37 : memref<1x64x128xf32, #tpu.memory_space<vmem>> -> memref<64x128xf32, #tpu.memory_space<vmem>>
    %dma_start3A_39 = arith.constant 128 : i32
    %dma_start3A_40 = tpu.memref_slice %arg6[%dma_start3A_39] : memref<25600xi32, #tpu.memory_space<vmem>> -> memref<64xi32, #tpu.memory_space<vmem>>
    %dma_start3A_41 = arith.constant 0 : i32
    %dma_start3A_42 = arith.constant 0 : i32
    %dma_start3A_43 = tpu.memref_slice %arg5[%dma_start3A_41, %dma_start3A_42] : memref<512x128xf32, #tpu.memory_space<vmem_shared>> -> memref<512x128xf32, #tpu.memory_space<vmem_shared>>
    %dma_start3A_44 = tpu.memref_slice %arg9[%dma_start3A_34] : memref<12x!tpu.dma_semaphore, #tpu.memory_space<semaphore_mem>> -> memref<1x!tpu.dma_semaphore, #tpu.memory_space<semaphore_mem>>
    %dma_start3A_45 = tpu.memref_squeeze %dma_start3A_44 : memref<1x!tpu.dma_semaphore, #tpu.memory_space<semaphore_mem>> -> memref<!tpu.dma_semaphore, #tpu.memory_space<semaphore_mem>>
    tpu.enqueue_indirect_dma source(%dma_start3A_43 : memref<512x128xf32, #tpu.memory_space<vmem_shared>>) target(%dma_start3A_38 : memref<64x128xf32, #tpu.memory_space<vmem>>) offsets(%dma_start3A_40 : memref<64xi32, #tpu.memory_space<vmem>>) semaphore(%dma_start3A_45 : memref<!tpu.dma_semaphore, #tpu.memory_space<semaphore_mem>>)
    %dma_start3A_46 = arith.constant 3 : i32
    %dma_start3A_47 = arith.constant 3 : i32
    %dma_start3A_48 = arith.constant 0 : i32
    %dma_start3A_49 = arith.constant 0 : i32
    %dma_start3A_50 = tpu.memref_slice %arg7[%dma_start3A_46, %dma_start3A_48, %dma_start3A_49] : memref<12x64x128xf32, #tpu.memory_space<vmem>> -> memref<1x64x128xf32, #tpu.memory_space<vmem>>
    %dma_start3A_51 = tpu.memref_squeeze %dma_start3A_50 : memref<1x64x128xf32, #tpu.memory_space<vmem>> -> memref<64x128xf32, #tpu.memory_space<vmem>>
    %dma_start3A_52 = arith.constant 192 : i32
    %dma_start3A_53 = tpu.memref_slice %arg6[%dma_start3A_52] : memref<25600xi32, #tpu.memory_space<vmem>> -> memref<64xi32, #tpu.memory_space<vmem>>
    %dma_start3A_54 = arith.constant 0 : i32
    %dma_start3A_55 = arith.constant 0 : i32
    %dma_start3A_56 = tpu.memref_slice %arg5[%dma_start3A_54, %dma_start3A_55] : memref<512x128xf32, #tpu.memory_space<vmem_shared>> -> memref<512x128xf32, #tpu.memory_space<vmem_shared>>
    %dma_start3A_57 = tpu.memref_slice %arg9[%dma_start3A_47] : memref<12x!tpu.dma_semaphore, #tpu.memory_space<semaphore_mem>> -> memref<1x!tpu.dma_semaphore, #tpu.memory_space<semaphore_mem>>
    %dma_start3A_58 = tpu.memref_squeeze %dma_start3A_57 : memref<1x!tpu.dma_semaphore, #tpu.memory_space<semaphore_mem>> -> memref<!tpu.dma_semaphore, #tpu.memory_space<semaphore_mem>>
    tpu.enqueue_indirect_dma source(%dma_start3A_56 : memref<512x128xf32, #tpu.memory_space<vmem_shared>>) target(%dma_start3A_51 : memref<64x128xf32, #tpu.memory_space<vmem>>) offsets(%dma_start3A_53 : memref<64xi32, #tpu.memory_space<vmem>>) semaphore(%dma_start3A_58 : memref<!tpu.dma_semaphore, #tpu.memory_space<semaphore_mem>>)
    %dma_start3A_59 = arith.constant 4 : i32
    %dma_start3A_60 = arith.constant 4 : i32
    %dma_start3A_61 = arith.constant 0 : i32
    %dma_start3A_62 = arith.constant 0 : i32
    %dma_start3A_63 = tpu.memref_slice %arg7[%dma_start3A_59, %dma_start3A_61, %dma_start3A_62] : memref<12x64x128xf32, #tpu.memory_space<vmem>> -> memref<1x64x128xf32, #tpu.memory_space<vmem>>
    %dma_start3A_64 = tpu.memref_squeeze %dma_start3A_63 : memref<1x64x128xf32, #tpu.memory_space<vmem>> -> memref<64x128xf32, #tpu.memory_space<vmem>>
    %dma_start3A_65 = arith.constant 256 : i32
    %dma_start3A_66 = tpu.memref_slice %arg6[%dma_start3A_65] : memref<25600xi32, #tpu.memory_space<vmem>> -> memref<64xi32, #tpu.memory_space<vmem>>
    %dma_start3A_67 = arith.constant 0 : i32
    %dma_start3A_68 = arith.constant 0 : i32
    %dma_start3A_69 = tpu.memref_slice %arg5[%dma_start3A_67, %dma_start3A_68] : memref<512x128xf32, #tpu.memory_space<vmem_shared>> -> memref<512x128xf32, #tpu.memory_space<vmem_shared>>
    %dma_start3A_70 = tpu.memref_slice %arg9[%dma_start3A_60] : memref<12x!tpu.dma_semaphore, #tpu.memory_space<semaphore_mem>> -> memref<1x!tpu.dma_semaphore, #tpu.memory_space<semaphore_mem>>
    %dma_start3A_71 = tpu.memref_squeeze %dma_start3A_70 : memref<1x!tpu.dma_semaphore, #tpu.memory_space<semaphore_mem>> -> memref<!tpu.dma_semaphore, #tpu.memory_space<semaphore_mem>>
    tpu.enqueue_indirect_dma source(%dma_start3A_69 : memref<512x128xf32, #tpu.memory_space<vmem_shared>>) target(%dma_start3A_64 : memref<64x128xf32, #tpu.memory_space<vmem>>) offsets(%dma_start3A_66 : memref<64xi32, #tpu.memory_space<vmem>>) semaphore(%dma_start3A_71 : memref<!tpu.dma_semaphore, #tpu.memory_space<semaphore_mem>>)
    %dma_start3A_72 = arith.constant 5 : i32
    %dma_start3A_73 = arith.constant 5 : i32
    %dma_start3A_74 = arith.constant 0 : i32
    %dma_start3A_75 = arith.constant 0 : i32
    %dma_start3A_76 = tpu.memref_slice %arg7[%dma_start3A_72, %dma_start3A_74, %dma_start3A_75] : memref<12x64x128xf32, #tpu.memory_space<vmem>> -> memref<1x64x128xf32, #tpu.memory_space<vmem>>
    %dma_start3A_77 = tpu.memref_squeeze %dma_start3A_76 : memref<1x64x128xf32, #tpu.memory_space<vmem>> -> memref<64x128xf32, #tpu.memory_space<vmem>>
    %dma_start3A_78 = arith.constant 320 : i32
    %dma_start3A_79 = tpu.memref_slice %arg6[%dma_start3A_78] : memref<25600xi32, #tpu.memory_space<vmem>> -> memref<64xi32, #tpu.memory_space<vmem>>
    %dma_start3A_80 = arith.constant 0 : i32
    %dma_start3A_81 = arith.constant 0 : i32
    %dma_start3A_82 = tpu.memref_slice %arg5[%dma_start3A_80, %dma_start3A_81] : memref<512x128xf32, #tpu.memory_space<vmem_shared>> -> memref<512x128xf32, #tpu.memory_space<vmem_shared>>
    %dma_start3A_83 = tpu.memref_slice %arg9[%dma_start3A_73] : memref<12x!tpu.dma_semaphore, #tpu.memory_space<semaphore_mem>> -> memref<1x!tpu.dma_semaphore, #tpu.memory_space<semaphore_mem>>
    %dma_start3A_84 = tpu.memref_squeeze %dma_start3A_83 : memref<1x!tpu.dma_semaphore, #tpu.memory_space<semaphore_mem>> -> memref<!tpu.dma_semaphore, #tpu.memory_space<semaphore_mem>>
    tpu.enqueue_indirect_dma source(%dma_start3A_82 : memref<512x128xf32, #tpu.memory_space<vmem_shared>>) target(%dma_start3A_77 : memref<64x128xf32, #tpu.memory_space<vmem>>) offsets(%dma_start3A_79 : memref<64xi32, #tpu.memory_space<vmem>>) semaphore(%dma_start3A_84 : memref<!tpu.dma_semaphore, #tpu.memory_space<semaphore_mem>>)
    %dma_start3A_85 = arith.constant 6 : i32
    %dma_start3A_86 = arith.constant 6 : i32
    %dma_start3A_87 = arith.constant 0 : i32
    %dma_start3A_88 = arith.constant 0 : i32
    %dma_start3A_89 = tpu.memref_slice %arg7[%dma_start3A_85, %dma_start3A_87, %dma_start3A_88] : memref<12x64x128xf32, #tpu.memory_space<vmem>> -> memref<1x64x128xf32, #tpu.memory_space<vmem>>
    %dma_start3A_90 = tpu.memref_squeeze %dma_start3A_89 : memref<1x64x128xf32, #tpu.memory_space<vmem>> -> memref<64x128xf32, #tpu.memory_space<vmem>>
    %dma_start3A_91 = arith.constant 384 : i32
    %dma_start3A_92 = tpu.memref_slice %arg6[%dma_start3A_91] : memref<25600xi32, #tpu.memory_space<vmem>> -> memref<64xi32, #tpu.memory_space<vmem>>
    %dma_start3A_93 = arith.constant 0 : i32
    %dma_start3A_94 = arith.constant 0 : i32
    %dma_start3A_95 = tpu.memref_slice %arg5[%dma_start3A_93, %dma_start3A_94] : memref<512x128xf32, #tpu.memory_space<vmem_shared>> -> memref<512x128xf32, #tpu.memory_space<vmem_shared>>
    %dma_start3A_96 = tpu.memref_slice %arg9[%dma_start3A_86] : memref<12x!tpu.dma_semaphore, #tpu.memory_space<semaphore_mem>> -> memref<1x!tpu.dma_semaphore, #tpu.memory_space<semaphore_mem>>
    %dma_start3A_97 = tpu.memref_squeeze %dma_start3A_96 : memref<1x!tpu.dma_semaphore, #tpu.memory_space<semaphore_mem>> -> memref<!tpu.dma_semaphore, #tpu.memory_space<semaphore_mem>>
    tpu.enqueue_indirect_dma source(%dma_start3A_95 : memref<512x128xf32, #tpu.memory_space<vmem_shared>>) target(%dma_start3A_90 : memref<64x128xf32, #tpu.memory_space<vmem>>) offsets(%dma_start3A_92 : memref<64xi32, #tpu.memory_space<vmem>>) semaphore(%dma_start3A_97 : memref<!tpu.dma_semaphore, #tpu.memory_space<semaphore_mem>>)
    %dma_start3A_98 = arith.constant 7 : i32
    %dma_start3A_99 = arith.constant 7 : i32
    %dma_start3A_100 = arith.constant 0 : i32
    %dma_start3A_101 = arith.constant 0 : i32
    %dma_start3A_102 = tpu.memref_slice %arg7[%dma_start3A_98, %dma_start3A_100, %dma_start3A_101] : memref<12x64x128xf32, #tpu.memory_space<vmem>> -> memref<1x64x128xf32, #tpu.memory_space<vmem>>
    %dma_start3A_103 = tpu.memref_squeeze %dma_start3A_102 : memref<1x64x128xf32, #tpu.memory_space<vmem>> -> memref<64x128xf32, #tpu.memory_space<vmem>>
    %dma_start3A_104 = arith.constant 448 : i32
    %dma_start3A_105 = tpu.memref_slice %arg6[%dma_start3A_104] : memref<25600xi32, #tpu.memory_space<vmem>> -> memref<64xi32, #tpu.memory_space<vmem>>
    %dma_start3A_106 = arith.constant 0 : i32
    %dma_start3A_107 = arith.constant 0 : i32
    %dma_start3A_108 = tpu.memref_slice %arg5[%dma_start3A_106, %dma_start3A_107] : memref<512x128xf32, #tpu.memory_space<vmem_shared>> -> memref<512x128xf32, #tpu.memory_space<vmem_shared>>
    %dma_start3A_109 = tpu.memref_slice %arg9[%dma_start3A_99] : memref<12x!tpu.dma_semaphore, #tpu.memory_space<semaphore_mem>> -> memref<1x!tpu.dma_semaphore, #tpu.memory_space<semaphore_mem>>
    %dma_start3A_110 = tpu.memref_squeeze %dma_start3A_109 : memref<1x!tpu.dma_semaphore, #tpu.memory_space<semaphore_mem>> -> memref<!tpu.dma_semaphore, #tpu.memory_space<semaphore_mem>>
    tpu.enqueue_indirect_dma source(%dma_start3A_108 : memref<512x128xf32, #tpu.memory_space<vmem_shared>>) target(%dma_start3A_103 : memref<64x128xf32, #tpu.memory_space<vmem>>) offsets(%dma_start3A_105 : memref<64xi32, #tpu.memory_space<vmem>>) semaphore(%dma_start3A_110 : memref<!tpu.dma_semaphore, #tpu.memory_space<semaphore_mem>>)
    %dma_start3A_111 = arith.constant 8 : i32
    %dma_start3A_112 = arith.constant 8 : i32
    %dma_start3A_113 = arith.constant 0 : i32
    %dma_start3A_114 = arith.constant 0 : i32
    %dma_start3A_115 = tpu.memref_slice %arg7[%dma_start3A_111, %dma_start3A_113, %dma_start3A_114] : memref<12x64x128xf32, #tpu.memory_space<vmem>> -> memref<1x64x128xf32, #tpu.memory_space<vmem>>
    %dma_start3A_116 = tpu.memref_squeeze %dma_start3A_115 : memref<1x64x128xf32, #tpu.memory_space<vmem>> -> memref<64x128xf32, #tpu.memory_space<vmem>>
    %dma_start3A_117 = arith.constant 512 : i32
    %dma_start3A_118 = tpu.memref_slice %arg6[%dma_start3A_117] : memref<25600xi32, #tpu.memory_space<vmem>> -> memref<64xi32, #tpu.memory_space<vmem>>
    %dma_start3A_119 = arith.constant 0 : i32
    %dma_start3A_120 = arith.constant 0 : i32
    %dma_start3A_121 = tpu.memref_slice %arg5[%dma_start3A_119, %dma_start3A_120] : memref<512x128xf32, #tpu.memory_space<vmem_shared>> -> memref<512x128xf32, #tpu.memory_space<vmem_shared>>
    %dma_start3A_122 = tpu.memref_slice %arg9[%dma_start3A_112] : memref<12x!tpu.dma_semaphore, #tpu.memory_space<semaphore_mem>> -> memref<1x!tpu.dma_semaphore, #tpu.memory_space<semaphore_mem>>
    %dma_start3A_123 = tpu.memref_squeeze %dma_start3A_122 : memref<1x!tpu.dma_semaphore, #tpu.memory_space<semaphore_mem>> -> memref<!tpu.dma_semaphore, #tpu.memory_space<semaphore_mem>>
    tpu.enqueue_indirect_dma source(%dma_start3A_121 : memref<512x128xf32, #tpu.memory_space<vmem_shared>>) target(%dma_start3A_116 : memref<64x128xf32, #tpu.memory_space<vmem>>) offsets(%dma_start3A_118 : memref<64xi32, #tpu.memory_space<vmem>>) semaphore(%dma_start3A_123 : memref<!tpu.dma_semaphore, #tpu.memory_space<semaphore_mem>>)
    %dma_start3A_124 = arith.constant 9 : i32
    %dma_start3A_125 = arith.constant 9 : i32
    %dma_start3A_126 = arith.constant 0 : i32
    %dma_start3A_127 = arith.constant 0 : i32
    %dma_start3A_128 = tpu.memref_slice %arg7[%dma_start3A_124, %dma_start3A_126, %dma_start3A_127] : memref<12x64x128xf32, #tpu.memory_space<vmem>> -> memref<1x64x128xf32, #tpu.memory_space<vmem>>
    %dma_start3A_129 = tpu.memref_squeeze %dma_start3A_128 : memref<1x64x128xf32, #tpu.memory_space<vmem>> -> memref<64x128xf32, #tpu.memory_space<vmem>>
    %dma_start3A_130 = arith.constant 576 : i32
    %dma_start3A_131 = tpu.memref_slice %arg6[%dma_start3A_130] : memref<25600xi32, #tpu.memory_space<vmem>> -> memref<64xi32, #tpu.memory_space<vmem>>
    %dma_start3A_132 = arith.constant 0 : i32
    %dma_start3A_133 = arith.constant 0 : i32
    %dma_start3A_134 = tpu.memref_slice %arg5[%dma_start3A_132, %dma_start3A_133] : memref<512x128xf32, #tpu.memory_space<vmem_shared>> -> memref<512x128xf32, #tpu.memory_space<vmem_shared>>
    %dma_start3A_135 = tpu.memref_slice %arg9[%dma_start3A_125] : memref<12x!tpu.dma_semaphore, #tpu.memory_space<semaphore_mem>> -> memref<1x!tpu.dma_semaphore, #tpu.memory_space<semaphore_mem>>
    %dma_start3A_136 = tpu.memref_squeeze %dma_start3A_135 : memref<1x!tpu.dma_semaphore, #tpu.memory_space<semaphore_mem>> -> memref<!tpu.dma_semaphore, #tpu.memory_space<semaphore_mem>>
    tpu.enqueue_indirect_dma source(%dma_start3A_134 : memref<512x128xf32, #tpu.memory_space<vmem_shared>>) target(%dma_start3A_129 : memref<64x128xf32, #tpu.memory_space<vmem>>) offsets(%dma_start3A_131 : memref<64xi32, #tpu.memory_space<vmem>>) semaphore(%dma_start3A_136 : memref<!tpu.dma_semaphore, #tpu.memory_space<semaphore_mem>>)
    %dma_start3A_137 = arith.constant 10 : i32
    %dma_start3A_138 = arith.constant 10 : i32
    %dma_start3A_139 = arith.constant 0 : i32
    %dma_start3A_140 = arith.constant 0 : i32
    %dma_start3A_141 = tpu.memref_slice %arg7[%dma_start3A_137, %dma_start3A_139, %dma_start3A_140] : memref<12x64x128xf32, #tpu.memory_space<vmem>> -> memref<1x64x128xf32, #tpu.memory_space<vmem>>
    %dma_start3A_142 = tpu.memref_squeeze %dma_start3A_141 : memref<1x64x128xf32, #tpu.memory_space<vmem>> -> memref<64x128xf32, #tpu.memory_space<vmem>>
    %dma_start3A_143 = arith.constant 640 : i32
    %dma_start3A_144 = tpu.memref_slice %arg6[%dma_start3A_143] : memref<25600xi32, #tpu.memory_space<vmem>> -> memref<64xi32, #tpu.memory_space<vmem>>
    %dma_start3A_145 = arith.constant 0 : i32
    %dma_start3A_146 = arith.constant 0 : i32
    %dma_start3A_147 = tpu.memref_slice %arg5[%dma_start3A_145, %dma_start3A_146] : memref<512x128xf32, #tpu.memory_space<vmem_shared>> -> memref<512x128xf32, #tpu.memory_space<vmem_shared>>
    %dma_start3A_148 = tpu.memref_slice %arg9[%dma_start3A_138] : memref<12x!tpu.dma_semaphore, #tpu.memory_space<semaphore_mem>> -> memref<1x!tpu.dma_semaphore, #tpu.memory_space<semaphore_mem>>
    %dma_start3A_149 = tpu.memref_squeeze %dma_start3A_148 : memref<1x!tpu.dma_semaphore, #tpu.memory_space<semaphore_mem>> -> memref<!tpu.dma_semaphore, #tpu.memory_space<semaphore_mem>>
    tpu.enqueue_indirect_dma source(%dma_start3A_147 : memref<512x128xf32, #tpu.memory_space<vmem_shared>>) target(%dma_start3A_142 : memref<64x128xf32, #tpu.memory_space<vmem>>) offsets(%dma_start3A_144 : memref<64xi32, #tpu.memory_space<vmem>>) semaphore(%dma_start3A_149 : memref<!tpu.dma_semaphore, #tpu.memory_space<semaphore_mem>>)
    %dma_start3A_150 = arith.constant 11 : i32
    %dma_start3A_151 = arith.constant 11 : i32
    %dma_start3A_152 = arith.constant 0 : i32
    %dma_start3A_153 = arith.constant 0 : i32
    %dma_start3A_154 = tpu.memref_slice %arg7[%dma_start3A_150, %dma_start3A_152, %dma_start3A_153] : memref<12x64x128xf32, #tpu.memory_space<vmem>> -> memref<1x64x128xf32, #tpu.memory_space<vmem>>
    %dma_start3A_155 = tpu.memref_squeeze %dma_start3A_154 : memref<1x64x128xf32, #tpu.memory_space<vmem>> -> memref<64x128xf32, #tpu.memory_space<vmem>>
    %dma_start3A_156 = arith.constant 704 : i32
    %dma_start3A_157 = tpu.memref_slice %arg6[%dma_start3A_156] : memref<25600xi32, #tpu.memory_space<vmem>> -> memref<64xi32, #tpu.memory_space<vmem>>
    %dma_start3A_158 = arith.constant 0 : i32
    %dma_start3A_159 = arith.constant 0 : i32
    %dma_start3A_160 = tpu.memref_slice %arg5[%dma_start3A_158, %dma_start3A_159] : memref<512x128xf32, #tpu.memory_space<vmem_shared>> -> memref<512x128xf32, #tpu.memory_space<vmem_shared>>
    %dma_start3A_161 = tpu.memref_slice %arg9[%dma_start3A_151] : memref<12x!tpu.dma_semaphore, #tpu.memory_space<semaphore_mem>> -> memref<1x!tpu.dma_semaphore, #tpu.memory_space<semaphore_mem>>
    %dma_start3A_162 = tpu.memref_squeeze %dma_start3A_161 : memref<1x!tpu.dma_semaphore, #tpu.memory_space<semaphore_mem>> -> memref<!tpu.dma_semaphore, #tpu.memory_space<semaphore_mem>>
    tpu.enqueue_indirect_dma source(%dma_start3A_160 : memref<512x128xf32, #tpu.memory_space<vmem_shared>>) target(%dma_start3A_155 : memref<64x128xf32, #tpu.memory_space<vmem>>) offsets(%dma_start3A_157 : memref<64xi32, #tpu.memory_space<vmem>>) semaphore(%dma_start3A_162 : memref<!tpu.dma_semaphore, #tpu.memory_space<semaphore_mem>>)
    %scan3A = arith.constant 0 : i32
    %scan3A_163 = arith.constant 0 : i32
    %scan3A_164 = arith.constant 33 : i32
    %scan3A_165 = arith.addi %scan3A_163, %scan3A_164 : i32
    %scan3A_166 = arith.constant 1 : i32
    scf.for %scan3A_632 = %scan3A_163 to %scan3A_165 step %scan3A_166  : i32 {
      %mul3A_633 = arith.constant 12 : i32
      %mul3A_634 = arith.muli %scan3A_632, %mul3A_633 : i32
      %add3A_635 = arith.constant 0 : i32
      %add3A_636 = arith.addi %mul3A_634, %add3A_635 : i32
      %mul3A_637 = arith.constant 64 : i32
      %mul3A_638 = arith.muli %add3A_636, %mul3A_637 : i32
      %add3A_639 = arith.constant 0 : i32
      %add3A_640 = arith.addi %mul3A_638, %add3A_639 : i32
      %dma_wait3A_641 = arith.constant 0 : i32
      %dma_wait3A_642 = arith.constant 0 : i32
      %dma_wait3A_643 = arith.constant 0 : i32
      %dma_wait3A_644 = arith.constant 0 : i32
      %dma_wait3A_645 = tpu.memref_slice %arg7[%dma_wait3A_641, %dma_wait3A_643, %dma_wait3A_644] : memref<12x64x128xf32, #tpu.memory_space<vmem>> -> memref<1x64x128xf32, #tpu.memory_space<vmem>>
      %dma_wait3A_646 = tpu.memref_squeeze %dma_wait3A_645 : memref<1x64x128xf32, #tpu.memory_space<vmem>> -> memref<64x128xf32, #tpu.memory_space<vmem>>
      %dma_wait3A_647 = tpu.memref_slice %arg6[%add3A_640] : memref<25600xi32, #tpu.memory_space<vmem>> -> memref<64xi32, #tpu.memory_space<vmem>>
      %dma_wait3A_648 = arith.constant 0 : i32
      %dma_wait3A_649 = arith.constant 0 : i32
      %dma_wait3A_650 = tpu.memref_slice %arg5[%dma_wait3A_648, %dma_wait3A_649] : memref<512x128xf32, #tpu.memory_space<vmem_shared>> -> memref<512x128xf32, #tpu.memory_space<vmem_shared>>
      %dma_wait3A_651 = tpu.memref_slice %arg9[%dma_wait3A_642] : memref<12x!tpu.dma_semaphore, #tpu.memory_space<semaphore_mem>> -> memref<1x!tpu.dma_semaphore, #tpu.memory_space<semaphore_mem>>
      %dma_wait3A_652 = tpu.memref_squeeze %dma_wait3A_651 : memref<1x!tpu.dma_semaphore, #tpu.memory_space<semaphore_mem>> -> memref<!tpu.dma_semaphore, #tpu.memory_space<semaphore_mem>>
      tpu.wait_indirect_dma semaphore(%dma_wait3A_652 : memref<!tpu.dma_semaphore, #tpu.memory_space<semaphore_mem>>) src(%dma_wait3A_650 : memref<512x128xf32, #tpu.memory_space<vmem_shared>>) dst(%dma_wait3A_646 : memref<64x128xf32, #tpu.memory_space<vmem>>)
      %add3A_653 = arith.constant 0 : i32
      %add3A_654 = arith.addi %mul3A_634, %add3A_653 : i32
      %mul3A_655 = arith.constant 64 : i32
      %mul3A_656 = arith.muli %add3A_654, %mul3A_655 : i32
      %add3A_657 = arith.addi %mul3A_2, %mul3A_656 : i32
      %dma_start3A_658 = arith.constant 0 : i32
      %dma_start3A_659 = arith.constant 0 : i32
      %dma_start3A_660 = arith.constant 0 : i32
      %dma_start3A_661 = arith.constant 0 : i32
      %dma_start3A_662 = tpu.memref_slice %arg7[%dma_start3A_658, %dma_start3A_660, %dma_start3A_661] : memref<12x64x128xf32, #tpu.memory_space<vmem>> -> memref<1x64x128xf32, #tpu.memory_space<vmem>>
      %dma_start3A_663 = tpu.memref_squeeze %dma_start3A_662 : memref<1x64x128xf32, #tpu.memory_space<vmem>> -> memref<64x128xf32, #tpu.memory_space<vmem>>
      %dma_start3A_664 = arith.constant 0 : i32
      %dma_start3A_665 = tpu.memref_slice %arg4[%add3A_657, %dma_start3A_664] : memref<819200x128xf32, #tpu.memory_space<hbm>> -> memref<64x128xf32, #tpu.memory_space<hbm>>
      %dma_start3A_666 = tpu.memref_slice %arg10[%dma_start3A_659] : memref<12x!tpu.dma_semaphore, #tpu.memory_space<semaphore_mem>> -> memref<1x!tpu.dma_semaphore, #tpu.memory_space<semaphore_mem>>
      %dma_start3A_667 = tpu.memref_squeeze %dma_start3A_666 : memref<1x!tpu.dma_semaphore, #tpu.memory_space<semaphore_mem>> -> memref<!tpu.dma_semaphore, #tpu.memory_space<semaphore_mem>>
      %dma_start3A_668 = arith.constant 0 : i32
      %dma_start3A_669 = tpu.memref_slice %arg4[%add3A_657, %dma_start3A_668] : memref<819200x128xf32, #tpu.memory_space<hbm>> -> memref<64x128xf32, #tpu.memory_space<hbm>>
      %dma_start3A_670 = arith.constant 0 : i32
      %dma_start3A_671 = arith.constant 0 : i32
      %dma_start3A_672 = tpu.memref_slice %arg7[%dma_start3A_658, %dma_start3A_670, %dma_start3A_671] : memref<12x64x128xf32, #tpu.memory_space<vmem>> -> memref<1x64x128xf32, #tpu.memory_space<vmem>>
      %dma_start3A_673 = tpu.memref_squeeze %dma_start3A_672 : memref<1x64x128xf32, #tpu.memory_space<vmem>> -> memref<64x128xf32, #tpu.memory_space<vmem>>
      tpu.enqueue_dma source(%dma_start3A_673 : memref<64x128xf32, #tpu.memory_space<vmem>>) target(%dma_start3A_669 : memref<64x128xf32, #tpu.memory_space<hbm>>) target_semaphore(%dma_start3A_667 : memref<!tpu.dma_semaphore, #tpu.memory_space<semaphore_mem>>)
      %add3A_674 = arith.constant 1 : i32
      %add3A_675 = arith.addi %mul3A_634, %add3A_674 : i32
      %mul3A_676 = arith.constant 64 : i32
      %mul3A_677 = arith.muli %add3A_675, %mul3A_676 : i32
      %add3A_678 = arith.constant 0 : i32
      %add3A_679 = arith.addi %mul3A_677, %add3A_678 : i32
      %dma_wait3A_680 = arith.constant 1 : i32
      %dma_wait3A_681 = arith.constant 1 : i32
      %dma_wait3A_682 = arith.constant 0 : i32
      %dma_wait3A_683 = arith.constant 0 : i32
      %dma_wait3A_684 = tpu.memref_slice %arg7[%dma_wait3A_680, %dma_wait3A_682, %dma_wait3A_683] : memref<12x64x128xf32, #tpu.memory_space<vmem>> -> memref<1x64x128xf32, #tpu.memory_space<vmem>>
      %dma_wait3A_685 = tpu.memref_squeeze %dma_wait3A_684 : memref<1x64x128xf32, #tpu.memory_space<vmem>> -> memref<64x128xf32, #tpu.memory_space<vmem>>
      %dma_wait3A_686 = tpu.memref_slice %arg6[%add3A_679] : memref<25600xi32, #tpu.memory_space<vmem>> -> memref<64xi32, #tpu.memory_space<vmem>>
      %dma_wait3A_687 = arith.constant 0 : i32
      %dma_wait3A_688 = arith.constant 0 : i32
      %dma_wait3A_689 = tpu.memref_slice %arg5[%dma_wait3A_687, %dma_wait3A_688] : memref<512x128xf32, #tpu.memory_space<vmem_shared>> -> memref<512x128xf32, #tpu.memory_space<vmem_shared>>
      %dma_wait3A_690 = tpu.memref_slice %arg9[%dma_wait3A_681] : memref<12x!tpu.dma_semaphore, #tpu.memory_space<semaphore_mem>> -> memref<1x!tpu.dma_semaphore, #tpu.memory_space<semaphore_mem>>
      %dma_wait3A_691 = tpu.memref_squeeze %dma_wait3A_690 : memref<1x!tpu.dma_semaphore, #tpu.memory_space<semaphore_mem>> -> memref<!tpu.dma_semaphore, #tpu.memory_space<semaphore_mem>>
      tpu.wait_indirect_dma semaphore(%dma_wait3A_691 : memref<!tpu.dma_semaphore, #tpu.memory_space<semaphore_mem>>) src(%dma_wait3A_689 : memref<512x128xf32, #tpu.memory_space<vmem_shared>>) dst(%dma_wait3A_685 : memref<64x128xf32, #tpu.memory_space<vmem>>)
      %add3A_692 = arith.constant 1 : i32
      %add3A_693 = arith.addi %mul3A_634, %add3A_692 : i32
      %mul3A_694 = arith.constant 64 : i32
      %mul3A_695 = arith.muli %add3A_693, %mul3A_694 : i32
      %add3A_696 = arith.addi %mul3A_2, %mul3A_695 : i32
      %dma_start3A_697 = arith.constant 1 : i32
      %dma_start3A_698 = arith.constant 1 : i32
      %dma_start3A_699 = arith.constant 0 : i32
      %dma_start3A_700 = arith.constant 0 : i32
      %dma_start3A_701 = tpu.memref_slice %arg7[%dma_start3A_697, %dma_start3A_699, %dma_start3A_700] : memref<12x64x128xf32, #tpu.memory_space<vmem>> -> memref<1x64x128xf32, #tpu.memory_space<vmem>>
      %dma_start3A_702 = tpu.memref_squeeze %dma_start3A_701 : memref<1x64x128xf32, #tpu.memory_space<vmem>> -> memref<64x128xf32, #tpu.memory_space<vmem>>
      %dma_start3A_703 = arith.constant 0 : i32
      %dma_start3A_704 = tpu.memref_slice %arg4[%add3A_696, %dma_start3A_703] : memref<819200x128xf32, #tpu.memory_space<hbm>> -> memref<64x128xf32, #tpu.memory_space<hbm>>
      %dma_start3A_705 = tpu.memref_slice %arg10[%dma_start3A_698] : memref<12x!tpu.dma_semaphore, #tpu.memory_space<semaphore_mem>> -> memref<1x!tpu.dma_semaphore, #tpu.memory_space<semaphore_mem>>
      %dma_start3A_706 = tpu.memref_squeeze %dma_start3A_705 : memref<1x!tpu.dma_semaphore, #tpu.memory_space<semaphore_mem>> -> memref<!tpu.dma_semaphore, #tpu.memory_space<semaphore_mem>>
      %dma_start3A_707 = arith.constant 0 : i32
      %dma_start3A_708 = tpu.memref_slice %arg4[%add3A_696, %dma_start3A_707] : memref<819200x128xf32, #tpu.memory_space<hbm>> -> memref<64x128xf32, #tpu.memory_space<hbm>>
      %dma_start3A_709 = arith.constant 0 : i32
      %dma_start3A_710 = arith.constant 0 : i32
      %dma_start3A_711 = tpu.memref_slice %arg7[%dma_start3A_697, %dma_start3A_709, %dma_start3A_710] : memref<12x64x128xf32, #tpu.memory_space<vmem>> -> memref<1x64x128xf32, #tpu.memory_space<vmem>>
      %dma_start3A_712 = tpu.memref_squeeze %dma_start3A_711 : memref<1x64x128xf32, #tpu.memory_space<vmem>> -> memref<64x128xf32, #tpu.memory_space<vmem>>
      tpu.enqueue_dma source(%dma_start3A_712 : memref<64x128xf32, #tpu.memory_space<vmem>>) target(%dma_start3A_708 : memref<64x128xf32, #tpu.memory_space<hbm>>) target_semaphore(%dma_start3A_706 : memref<!tpu.dma_semaphore, #tpu.memory_space<semaphore_mem>>)
      %add3A_713 = arith.constant 2 : i32
      %add3A_714 = arith.addi %mul3A_634, %add3A_713 : i32
      %mul3A_715 = arith.constant 64 : i32
      %mul3A_716 = arith.muli %add3A_714, %mul3A_715 : i32
      %add3A_717 = arith.constant 0 : i32
      %add3A_718 = arith.addi %mul3A_716, %add3A_717 : i32
      %dma_wait3A_719 = arith.constant 2 : i32
      %dma_wait3A_720 = arith.constant 2 : i32
      %dma_wait3A_721 = arith.constant 0 : i32
      %dma_wait3A_722 = arith.constant 0 : i32
      %dma_wait3A_723 = tpu.memref_slice %arg7[%dma_wait3A_719, %dma_wait3A_721, %dma_wait3A_722] : memref<12x64x128xf32, #tpu.memory_space<vmem>> -> memref<1x64x128xf32, #tpu.memory_space<vmem>>
      %dma_wait3A_724 = tpu.memref_squeeze %dma_wait3A_723 : memref<1x64x128xf32, #tpu.memory_space<vmem>> -> memref<64x128xf32, #tpu.memory_space<vmem>>
      %dma_wait3A_725 = tpu.memref_slice %arg6[%add3A_718] : memref<25600xi32, #tpu.memory_space<vmem>> -> memref<64xi32, #tpu.memory_space<vmem>>
      %dma_wait3A_726 = arith.constant 0 : i32
      %dma_wait3A_727 = arith.constant 0 : i32
      %dma_wait3A_728 = tpu.memref_slice %arg5[%dma_wait3A_726, %dma_wait3A_727] : memref<512x128xf32, #tpu.memory_space<vmem_shared>> -> memref<512x128xf32, #tpu.memory_space<vmem_shared>>
      %dma_wait3A_729 = tpu.memref_slice %arg9[%dma_wait3A_720] : memref<12x!tpu.dma_semaphore, #tpu.memory_space<semaphore_mem>> -> memref<1x!tpu.dma_semaphore, #tpu.memory_space<semaphore_mem>>
      %dma_wait3A_730 = tpu.memref_squeeze %dma_wait3A_729 : memref<1x!tpu.dma_semaphore, #tpu.memory_space<semaphore_mem>> -> memref<!tpu.dma_semaphore, #tpu.memory_space<semaphore_mem>>
      tpu.wait_indirect_dma semaphore(%dma_wait3A_730 : memref<!tpu.dma_semaphore, #tpu.memory_space<semaphore_mem>>) src(%dma_wait3A_728 : memref<512x128xf32, #tpu.memory_space<vmem_shared>>) dst(%dma_wait3A_724 : memref<64x128xf32, #tpu.memory_space<vmem>>)
      %add3A_731 = arith.constant 2 : i32
      %add3A_732 = arith.addi %mul3A_634, %add3A_731 : i32
      %mul3A_733 = arith.constant 64 : i32
      %mul3A_734 = arith.muli %add3A_732, %mul3A_733 : i32
      %add3A_735 = arith.addi %mul3A_2, %mul3A_734 : i32
      %dma_start3A_736 = arith.constant 2 : i32
      %dma_start3A_737 = arith.constant 2 : i32
      %dma_start3A_738 = arith.constant 0 : i32
      %dma_start3A_739 = arith.constant 0 : i32
      %dma_start3A_740 = tpu.memref_slice %arg7[%dma_start3A_736, %dma_start3A_738, %dma_start3A_739] : memref<12x64x128xf32, #tpu.memory_space<vmem>> -> memref<1x64x128xf32, #tpu.memory_space<vmem>>
      %dma_start3A_741 = tpu.memref_squeeze %dma_start3A_740 : memref<1x64x128xf32, #tpu.memory_space<vmem>> -> memref<64x128xf32, #tpu.memory_space<vmem>>
      %dma_start3A_742 = arith.constant 0 : i32
      %dma_start3A_743 = tpu.memref_slice %arg4[%add3A_735, %dma_start3A_742] : memref<819200x128xf32, #tpu.memory_space<hbm>> -> memref<64x128xf32, #tpu.memory_space<hbm>>
      %dma_start3A_744 = tpu.memref_slice %arg10[%dma_start3A_737] : memref<12x!tpu.dma_semaphore, #tpu.memory_space<semaphore_mem>> -> memref<1x!tpu.dma_semaphore, #tpu.memory_space<semaphore_mem>>
      %dma_start3A_745 = tpu.memref_squeeze %dma_start3A_744 : memref<1x!tpu.dma_semaphore, #tpu.memory_space<semaphore_mem>> -> memref<!tpu.dma_semaphore, #tpu.memory_space<semaphore_mem>>
      %dma_start3A_746 = arith.constant 0 : i32
      %dma_start3A_747 = tpu.memref_slice %arg4[%add3A_735, %dma_start3A_746] : memref<819200x128xf32, #tpu.memory_space<hbm>> -> memref<64x128xf32, #tpu.memory_space<hbm>>
      %dma_start3A_748 = arith.constant 0 : i32
      %dma_start3A_749 = arith.constant 0 : i32
      %dma_start3A_750 = tpu.memref_slice %arg7[%dma_start3A_736, %dma_start3A_748, %dma_start3A_749] : memref<12x64x128xf32, #tpu.memory_space<vmem>> -> memref<1x64x128xf32, #tpu.memory_space<vmem>>
      %dma_start3A_751 = tpu.memref_squeeze %dma_start3A_750 : memref<1x64x128xf32, #tpu.memory_space<vmem>> -> memref<64x128xf32, #tpu.memory_space<vmem>>
      tpu.enqueue_dma source(%dma_start3A_751 : memref<64x128xf32, #tpu.memory_space<vmem>>) target(%dma_start3A_747 : memref<64x128xf32, #tpu.memory_space<hbm>>) target_semaphore(%dma_start3A_745 : memref<!tpu.dma_semaphore, #tpu.memory_space<semaphore_mem>>)
      %add3A_752 = arith.constant 3 : i32
      %add3A_753 = arith.addi %mul3A_634, %add3A_752 : i32
      %mul3A_754 = arith.constant 64 : i32
      %mul3A_755 = arith.muli %add3A_753, %mul3A_754 : i32
      %add3A_756 = arith.constant 0 : i32
      %add3A_757 = arith.addi %mul3A_755, %add3A_756 : i32
      %dma_wait3A_758 = arith.constant 3 : i32
      %dma_wait3A_759 = arith.constant 3 : i32
      %dma_wait3A_760 = arith.constant 0 : i32
      %dma_wait3A_761 = arith.constant 0 : i32
      %dma_wait3A_762 = tpu.memref_slice %arg7[%dma_wait3A_758, %dma_wait3A_760, %dma_wait3A_761] : memref<12x64x128xf32, #tpu.memory_space<vmem>> -> memref<1x64x128xf32, #tpu.memory_space<vmem>>
      %dma_wait3A_763 = tpu.memref_squeeze %dma_wait3A_762 : memref<1x64x128xf32, #tpu.memory_space<vmem>> -> memref<64x128xf32, #tpu.memory_space<vmem>>
      %dma_wait3A_764 = tpu.memref_slice %arg6[%add3A_757] : memref<25600xi32, #tpu.memory_space<vmem>> -> memref<64xi32, #tpu.memory_space<vmem>>
      %dma_wait3A_765 = arith.constant 0 : i32
      %dma_wait3A_766 = arith.constant 0 : i32
      %dma_wait3A_767 = tpu.memref_slice %arg5[%dma_wait3A_765, %dma_wait3A_766] : memref<512x128xf32, #tpu.memory_space<vmem_shared>> -> memref<512x128xf32, #tpu.memory_space<vmem_shared>>
      %dma_wait3A_768 = tpu.memref_slice %arg9[%dma_wait3A_759] : memref<12x!tpu.dma_semaphore, #tpu.memory_space<semaphore_mem>> -> memref<1x!tpu.dma_semaphore, #tpu.memory_space<semaphore_mem>>
      %dma_wait3A_769 = tpu.memref_squeeze %dma_wait3A_768 : memref<1x!tpu.dma_semaphore, #tpu.memory_space<semaphore_mem>> -> memref<!tpu.dma_semaphore, #tpu.memory_space<semaphore_mem>>
      tpu.wait_indirect_dma semaphore(%dma_wait3A_769 : memref<!tpu.dma_semaphore, #tpu.memory_space<semaphore_mem>>) src(%dma_wait3A_767 : memref<512x128xf32, #tpu.memory_space<vmem_shared>>) dst(%dma_wait3A_763 : memref<64x128xf32, #tpu.memory_space<vmem>>)
      %add3A_770 = arith.constant 3 : i32
      %add3A_771 = arith.addi %mul3A_634, %add3A_770 : i32
      %mul3A_772 = arith.constant 64 : i32
      %mul3A_773 = arith.muli %add3A_771, %mul3A_772 : i32
      %add3A_774 = arith.addi %mul3A_2, %mul3A_773 : i32
      %dma_start3A_775 = arith.constant 3 : i32
      %dma_start3A_776 = arith.constant 3 : i32
      %dma_start3A_777 = arith.constant 0 : i32
      %dma_start3A_778 = arith.constant 0 : i32
      %dma_start3A_779 = tpu.memref_slice %arg7[%dma_start3A_775, %dma_start3A_777, %dma_start3A_778] : memref<12x64x128xf32, #tpu.memory_space<vmem>> -> memref<1x64x128xf32, #tpu.memory_space<vmem>>
      %dma_start3A_780 = tpu.memref_squeeze %dma_start3A_779 : memref<1x64x128xf32, #tpu.memory_space<vmem>> -> memref<64x128xf32, #tpu.memory_space<vmem>>
      %dma_start3A_781 = arith.constant 0 : i32
      %dma_start3A_782 = tpu.memref_slice %arg4[%add3A_774, %dma_start3A_781] : memref<819200x128xf32, #tpu.memory_space<hbm>> -> memref<64x128xf32, #tpu.memory_space<hbm>>
      %dma_start3A_783 = tpu.memref_slice %arg10[%dma_start3A_776] : memref<12x!tpu.dma_semaphore, #tpu.memory_space<semaphore_mem>> -> memref<1x!tpu.dma_semaphore, #tpu.memory_space<semaphore_mem>>
      %dma_start3A_784 = tpu.memref_squeeze %dma_start3A_783 : memref<1x!tpu.dma_semaphore, #tpu.memory_space<semaphore_mem>> -> memref<!tpu.dma_semaphore, #tpu.memory_space<semaphore_mem>>
      %dma_start3A_785 = arith.constant 0 : i32
      %dma_start3A_786 = tpu.memref_slice %arg4[%add3A_774, %dma_start3A_785] : memref<819200x128xf32, #tpu.memory_space<hbm>> -> memref<64x128xf32, #tpu.memory_space<hbm>>
      %dma_start3A_787 = arith.constant 0 : i32
      %dma_start3A_788 = arith.constant 0 : i32
      %dma_start3A_789 = tpu.memref_slice %arg7[%dma_start3A_775, %dma_start3A_787, %dma_start3A_788] : memref<12x64x128xf32, #tpu.memory_space<vmem>> -> memref<1x64x128xf32, #tpu.memory_space<vmem>>
      %dma_start3A_790 = tpu.memref_squeeze %dma_start3A_789 : memref<1x64x128xf32, #tpu.memory_space<vmem>> -> memref<64x128xf32, #tpu.memory_space<vmem>>
      tpu.enqueue_dma source(%dma_start3A_790 : memref<64x128xf32, #tpu.memory_space<vmem>>) target(%dma_start3A_786 : memref<64x128xf32, #tpu.memory_space<hbm>>) target_semaphore(%dma_start3A_784 : memref<!tpu.dma_semaphore, #tpu.memory_space<semaphore_mem>>)
      %add3A_791 = arith.constant 4 : i32
      %add3A_792 = arith.addi %mul3A_634, %add3A_791 : i32
      %mul3A_793 = arith.constant 64 : i32
      %mul3A_794 = arith.muli %add3A_792, %mul3A_793 : i32
      %add3A_795 = arith.constant 0 : i32
      %add3A_796 = arith.addi %mul3A_794, %add3A_795 : i32
      %dma_wait3A_797 = arith.constant 4 : i32
      %dma_wait3A_798 = arith.constant 4 : i32
      %dma_wait3A_799 = arith.constant 0 : i32
      %dma_wait3A_800 = arith.constant 0 : i32
      %dma_wait3A_801 = tpu.memref_slice %arg7[%dma_wait3A_797, %dma_wait3A_799, %dma_wait3A_800] : memref<12x64x128xf32, #tpu.memory_space<vmem>> -> memref<1x64x128xf32, #tpu.memory_space<vmem>>
      %dma_wait3A_802 = tpu.memref_squeeze %dma_wait3A_801 : memref<1x64x128xf32, #tpu.memory_space<vmem>> -> memref<64x128xf32, #tpu.memory_space<vmem>>
      %dma_wait3A_803 = tpu.memref_slice %arg6[%add3A_796] : memref<25600xi32, #tpu.memory_space<vmem>> -> memref<64xi32, #tpu.memory_space<vmem>>
      %dma_wait3A_804 = arith.constant 0 : i32
      %dma_wait3A_805 = arith.constant 0 : i32
      %dma_wait3A_806 = tpu.memref_slice %arg5[%dma_wait3A_804, %dma_wait3A_805] : memref<512x128xf32, #tpu.memory_space<vmem_shared>> -> memref<512x128xf32, #tpu.memory_space<vmem_shared>>
      %dma_wait3A_807 = tpu.memref_slice %arg9[%dma_wait3A_798] : memref<12x!tpu.dma_semaphore, #tpu.memory_space<semaphore_mem>> -> memref<1x!tpu.dma_semaphore, #tpu.memory_space<semaphore_mem>>
      %dma_wait3A_808 = tpu.memref_squeeze %dma_wait3A_807 : memref<1x!tpu.dma_semaphore, #tpu.memory_space<semaphore_mem>> -> memref<!tpu.dma_semaphore, #tpu.memory_space<semaphore_mem>>
      tpu.wait_indirect_dma semaphore(%dma_wait3A_808 : memref<!tpu.dma_semaphore, #tpu.memory_space<semaphore_mem>>) src(%dma_wait3A_806 : memref<512x128xf32, #tpu.memory_space<vmem_shared>>) dst(%dma_wait3A_802 : memref<64x128xf32, #tpu.memory_space<vmem>>)
      %add3A_809 = arith.constant 4 : i32
      %add3A_810 = arith.addi %mul3A_634, %add3A_809 : i32
      %mul3A_811 = arith.constant 64 : i32
      %mul3A_812 = arith.muli %add3A_810, %mul3A_811 : i32
      %add3A_813 = arith.addi %mul3A_2, %mul3A_812 : i32
      %dma_start3A_814 = arith.constant 4 : i32
      %dma_start3A_815 = arith.constant 4 : i32
      %dma_start3A_816 = arith.constant 0 : i32
      %dma_start3A_817 = arith.constant 0 : i32
      %dma_start3A_818 = tpu.memref_slice %arg7[%dma_start3A_814, %dma_start3A_816, %dma_start3A_817] : memref<12x64x128xf32, #tpu.memory_space<vmem>> -> memref<1x64x128xf32, #tpu.memory_space<vmem>>
      %dma_start3A_819 = tpu.memref_squeeze %dma_start3A_818 : memref<1x64x128xf32, #tpu.memory_space<vmem>> -> memref<64x128xf32, #tpu.memory_space<vmem>>
      %dma_start3A_820 = arith.constant 0 : i32
      %dma_start3A_821 = tpu.memref_slice %arg4[%add3A_813, %dma_start3A_820] : memref<819200x128xf32, #tpu.memory_space<hbm>> -> memref<64x128xf32, #tpu.memory_space<hbm>>
      %dma_start3A_822 = tpu.memref_slice %arg10[%dma_start3A_815] : memref<12x!tpu.dma_semaphore, #tpu.memory_space<semaphore_mem>> -> memref<1x!tpu.dma_semaphore, #tpu.memory_space<semaphore_mem>>
      %dma_start3A_823 = tpu.memref_squeeze %dma_start3A_822 : memref<1x!tpu.dma_semaphore, #tpu.memory_space<semaphore_mem>> -> memref<!tpu.dma_semaphore, #tpu.memory_space<semaphore_mem>>
      %dma_start3A_824 = arith.constant 0 : i32
      %dma_start3A_825 = tpu.memref_slice %arg4[%add3A_813, %dma_start3A_824] : memref<819200x128xf32, #tpu.memory_space<hbm>> -> memref<64x128xf32, #tpu.memory_space<hbm>>
      %dma_start3A_826 = arith.constant 0 : i32
      %dma_start3A_827 = arith.constant 0 : i32
      %dma_start3A_828 = tpu.memref_slice %arg7[%dma_start3A_814, %dma_start3A_826, %dma_start3A_827] : memref<12x64x128xf32, #tpu.memory_space<vmem>> -> memref<1x64x128xf32, #tpu.memory_space<vmem>>
      %dma_start3A_829 = tpu.memref_squeeze %dma_start3A_828 : memref<1x64x128xf32, #tpu.memory_space<vmem>> -> memref<64x128xf32, #tpu.memory_space<vmem>>
      tpu.enqueue_dma source(%dma_start3A_829 : memref<64x128xf32, #tpu.memory_space<vmem>>) target(%dma_start3A_825 : memref<64x128xf32, #tpu.memory_space<hbm>>) target_semaphore(%dma_start3A_823 : memref<!tpu.dma_semaphore, #tpu.memory_space<semaphore_mem>>)
      %add3A_830 = arith.constant 5 : i32
      %add3A_831 = arith.addi %mul3A_634, %add3A_830 : i32
      %mul3A_832 = arith.constant 64 : i32
      %mul3A_833 = arith.muli %add3A_831, %mul3A_832 : i32
      %add3A_834 = arith.constant 0 : i32
      %add3A_835 = arith.addi %mul3A_833, %add3A_834 : i32
      %dma_wait3A_836 = arith.constant 5 : i32
      %dma_wait3A_837 = arith.constant 5 : i32
      %dma_wait3A_838 = arith.constant 0 : i32
      %dma_wait3A_839 = arith.constant 0 : i32
      %dma_wait3A_840 = tpu.memref_slice %arg7[%dma_wait3A_836, %dma_wait3A_838, %dma_wait3A_839] : memref<12x64x128xf32, #tpu.memory_space<vmem>> -> memref<1x64x128xf32, #tpu.memory_space<vmem>>
      %dma_wait3A_841 = tpu.memref_squeeze %dma_wait3A_840 : memref<1x64x128xf32, #tpu.memory_space<vmem>> -> memref<64x128xf32, #tpu.memory_space<vmem>>
      %dma_wait3A_842 = tpu.memref_slice %arg6[%add3A_835] : memref<25600xi32, #tpu.memory_space<vmem>> -> memref<64xi32, #tpu.memory_space<vmem>>
      %dma_wait3A_843 = arith.constant 0 : i32
      %dma_wait3A_844 = arith.constant 0 : i32
      %dma_wait3A_845 = tpu.memref_slice %arg5[%dma_wait3A_843, %dma_wait3A_844] : memref<512x128xf32, #tpu.memory_space<vmem_shared>> -> memref<512x128xf32, #tpu.memory_space<vmem_shared>>
      %dma_wait3A_846 = tpu.memref_slice %arg9[%dma_wait3A_837] : memref<12x!tpu.dma_semaphore, #tpu.memory_space<semaphore_mem>> -> memref<1x!tpu.dma_semaphore, #tpu.memory_space<semaphore_mem>>
      %dma_wait3A_847 = tpu.memref_squeeze %dma_wait3A_846 : memref<1x!tpu.dma_semaphore, #tpu.memory_space<semaphore_mem>> -> memref<!tpu.dma_semaphore, #tpu.memory_space<semaphore_mem>>
      tpu.wait_indirect_dma semaphore(%dma_wait3A_847 : memref<!tpu.dma_semaphore, #tpu.memory_space<semaphore_mem>>) src(%dma_wait3A_845 : memref<512x128xf32, #tpu.memory_space<vmem_shared>>) dst(%dma_wait3A_841 : memref<64x128xf32, #tpu.memory_space<vmem>>)
      %add3A_848 = arith.constant 5 : i32
      %add3A_849 = arith.addi %mul3A_634, %add3A_848 : i32
      %mul3A_850 = arith.constant 64 : i32
      %mul3A_851 = arith.muli %add3A_849, %mul3A_850 : i32
      %add3A_852 = arith.addi %mul3A_2, %mul3A_851 : i32
      %dma_start3A_853 = arith.constant 5 : i32
      %dma_start3A_854 = arith.constant 5 : i32
      %dma_start3A_855 = arith.constant 0 : i32
      %dma_start3A_856 = arith.constant 0 : i32
      %dma_start3A_857 = tpu.memref_slice %arg7[%dma_start3A_853, %dma_start3A_855, %dma_start3A_856] : memref<12x64x128xf32, #tpu.memory_space<vmem>> -> memref<1x64x128xf32, #tpu.memory_space<vmem>>
      %dma_start3A_858 = tpu.memref_squeeze %dma_start3A_857 : memref<1x64x128xf32, #tpu.memory_space<vmem>> -> memref<64x128xf32, #tpu.memory_space<vmem>>
      %dma_start3A_859 = arith.constant 0 : i32
      %dma_start3A_860 = tpu.memref_slice %arg4[%add3A_852, %dma_start3A_859] : memref<819200x128xf32, #tpu.memory_space<hbm>> -> memref<64x128xf32, #tpu.memory_space<hbm>>
      %dma_start3A_861 = tpu.memref_slice %arg10[%dma_start3A_854] : memref<12x!tpu.dma_semaphore, #tpu.memory_space<semaphore_mem>> -> memref<1x!tpu.dma_semaphore, #tpu.memory_space<semaphore_mem>>
      %dma_start3A_862 = tpu.memref_squeeze %dma_start3A_861 : memref<1x!tpu.dma_semaphore, #tpu.memory_space<semaphore_mem>> -> memref<!tpu.dma_semaphore, #tpu.memory_space<semaphore_mem>>
      %dma_start3A_863 = arith.constant 0 : i32
      %dma_start3A_864 = tpu.memref_slice %arg4[%add3A_852, %dma_start3A_863] : memref<819200x128xf32, #tpu.memory_space<hbm>> -> memref<64x128xf32, #tpu.memory_space<hbm>>
      %dma_start3A_865 = arith.constant 0 : i32
      %dma_start3A_866 = arith.constant 0 : i32
      %dma_start3A_867 = tpu.memref_slice %arg7[%dma_start3A_853, %dma_start3A_865, %dma_start3A_866] : memref<12x64x128xf32, #tpu.memory_space<vmem>> -> memref<1x64x128xf32, #tpu.memory_space<vmem>>
      %dma_start3A_868 = tpu.memref_squeeze %dma_start3A_867 : memref<1x64x128xf32, #tpu.memory_space<vmem>> -> memref<64x128xf32, #tpu.memory_space<vmem>>
      tpu.enqueue_dma source(%dma_start3A_868 : memref<64x128xf32, #tpu.memory_space<vmem>>) target(%dma_start3A_864 : memref<64x128xf32, #tpu.memory_space<hbm>>) target_semaphore(%dma_start3A_862 : memref<!tpu.dma_semaphore, #tpu.memory_space<semaphore_mem>>)
      %add3A_869 = arith.constant 6 : i32
      %add3A_870 = arith.addi %mul3A_634, %add3A_869 : i32
      %mul3A_871 = arith.constant 64 : i32
      %mul3A_872 = arith.muli %add3A_870, %mul3A_871 : i32
      %add3A_873 = arith.constant 0 : i32
      %add3A_874 = arith.addi %mul3A_872, %add3A_873 : i32
      %dma_wait3A_875 = arith.constant 6 : i32
      %dma_wait3A_876 = arith.constant 6 : i32
      %dma_wait3A_877 = arith.constant 0 : i32
      %dma_wait3A_878 = arith.constant 0 : i32
      %dma_wait3A_879 = tpu.memref_slice %arg7[%dma_wait3A_875, %dma_wait3A_877, %dma_wait3A_878] : memref<12x64x128xf32, #tpu.memory_space<vmem>> -> memref<1x64x128xf32, #tpu.memory_space<vmem>>
      %dma_wait3A_880 = tpu.memref_squeeze %dma_wait3A_879 : memref<1x64x128xf32, #tpu.memory_space<vmem>> -> memref<64x128xf32, #tpu.memory_space<vmem>>
      %dma_wait3A_881 = tpu.memref_slice %arg6[%add3A_874] : memref<25600xi32, #tpu.memory_space<vmem>> -> memref<64xi32, #tpu.memory_space<vmem>>
      %dma_wait3A_882 = arith.constant 0 : i32
      %dma_wait3A_883 = arith.constant 0 : i32
      %dma_wait3A_884 = tpu.memref_slice %arg5[%dma_wait3A_882, %dma_wait3A_883] : memref<512x128xf32, #tpu.memory_space<vmem_shared>> -> memref<512x128xf32, #tpu.memory_space<vmem_shared>>
      %dma_wait3A_885 = tpu.memref_slice %arg9[%dma_wait3A_876] : memref<12x!tpu.dma_semaphore, #tpu.memory_space<semaphore_mem>> -> memref<1x!tpu.dma_semaphore, #tpu.memory_space<semaphore_mem>>
      %dma_wait3A_886 = tpu.memref_squeeze %dma_wait3A_885 : memref<1x!tpu.dma_semaphore, #tpu.memory_space<semaphore_mem>> -> memref<!tpu.dma_semaphore, #tpu.memory_space<semaphore_mem>>
      tpu.wait_indirect_dma semaphore(%dma_wait3A_886 : memref<!tpu.dma_semaphore, #tpu.memory_space<semaphore_mem>>) src(%dma_wait3A_884 : memref<512x128xf32, #tpu.memory_space<vmem_shared>>) dst(%dma_wait3A_880 : memref<64x128xf32, #tpu.memory_space<vmem>>)
      %add3A_887 = arith.constant 6 : i32
      %add3A_888 = arith.addi %mul3A_634, %add3A_887 : i32
      %mul3A_889 = arith.constant 64 : i32
      %mul3A_890 = arith.muli %add3A_888, %mul3A_889 : i32
      %add3A_891 = arith.addi %mul3A_2, %mul3A_890 : i32
      %dma_start3A_892 = arith.constant 6 : i32
      %dma_start3A_893 = arith.constant 6 : i32
      %dma_start3A_894 = arith.constant 0 : i32
      %dma_start3A_895 = arith.constant 0 : i32
      %dma_start3A_896 = tpu.memref_slice %arg7[%dma_start3A_892, %dma_start3A_894, %dma_start3A_895] : memref<12x64x128xf32, #tpu.memory_space<vmem>> -> memref<1x64x128xf32, #tpu.memory_space<vmem>>
      %dma_start3A_897 = tpu.memref_squeeze %dma_start3A_896 : memref<1x64x128xf32, #tpu.memory_space<vmem>> -> memref<64x128xf32, #tpu.memory_space<vmem>>
      %dma_start3A_898 = arith.constant 0 : i32
      %dma_start3A_899 = tpu.memref_slice %arg4[%add3A_891, %dma_start3A_898] : memref<819200x128xf32, #tpu.memory_space<hbm>> -> memref<64x128xf32, #tpu.memory_space<hbm>>
      %dma_start3A_900 = tpu.memref_slice %arg10[%dma_start3A_893] : memref<12x!tpu.dma_semaphore, #tpu.memory_space<semaphore_mem>> -> memref<1x!tpu.dma_semaphore, #tpu.memory_space<semaphore_mem>>
      %dma_start3A_901 = tpu.memref_squeeze %dma_start3A_900 : memref<1x!tpu.dma_semaphore, #tpu.memory_space<semaphore_mem>> -> memref<!tpu.dma_semaphore, #tpu.memory_space<semaphore_mem>>
      %dma_start3A_902 = arith.constant 0 : i32
      %dma_start3A_903 = tpu.memref_slice %arg4[%add3A_891, %dma_start3A_902] : memref<819200x128xf32, #tpu.memory_space<hbm>> -> memref<64x128xf32, #tpu.memory_space<hbm>>
      %dma_start3A_904 = arith.constant 0 : i32
      %dma_start3A_905 = arith.constant 0 : i32
      %dma_start3A_906 = tpu.memref_slice %arg7[%dma_start3A_892, %dma_start3A_904, %dma_start3A_905] : memref<12x64x128xf32, #tpu.memory_space<vmem>> -> memref<1x64x128xf32, #tpu.memory_space<vmem>>
      %dma_start3A_907 = tpu.memref_squeeze %dma_start3A_906 : memref<1x64x128xf32, #tpu.memory_space<vmem>> -> memref<64x128xf32, #tpu.memory_space<vmem>>
      tpu.enqueue_dma source(%dma_start3A_907 : memref<64x128xf32, #tpu.memory_space<vmem>>) target(%dma_start3A_903 : memref<64x128xf32, #tpu.memory_space<hbm>>) target_semaphore(%dma_start3A_901 : memref<!tpu.dma_semaphore, #tpu.memory_space<semaphore_mem>>)
      %add3A_908 = arith.constant 7 : i32
      %add3A_909 = arith.addi %mul3A_634, %add3A_908 : i32
      %mul3A_910 = arith.constant 64 : i32
      %mul3A_911 = arith.muli %add3A_909, %mul3A_910 : i32
      %add3A_912 = arith.constant 0 : i32
      %add3A_913 = arith.addi %mul3A_911, %add3A_912 : i32
      %dma_wait3A_914 = arith.constant 7 : i32
      %dma_wait3A_915 = arith.constant 7 : i32
      %dma_wait3A_916 = arith.constant 0 : i32
      %dma_wait3A_917 = arith.constant 0 : i32
      %dma_wait3A_918 = tpu.memref_slice %arg7[%dma_wait3A_914, %dma_wait3A_916, %dma_wait3A_917] : memref<12x64x128xf32, #tpu.memory_space<vmem>> -> memref<1x64x128xf32, #tpu.memory_space<vmem>>
      %dma_wait3A_919 = tpu.memref_squeeze %dma_wait3A_918 : memref<1x64x128xf32, #tpu.memory_space<vmem>> -> memref<64x128xf32, #tpu.memory_space<vmem>>
      %dma_wait3A_920 = tpu.memref_slice %arg6[%add3A_913] : memref<25600xi32, #tpu.memory_space<vmem>> -> memref<64xi32, #tpu.memory_space<vmem>>
      %dma_wait3A_921 = arith.constant 0 : i32
      %dma_wait3A_922 = arith.constant 0 : i32
      %dma_wait3A_923 = tpu.memref_slice %arg5[%dma_wait3A_921, %dma_wait3A_922] : memref<512x128xf32, #tpu.memory_space<vmem_shared>> -> memref<512x128xf32, #tpu.memory_space<vmem_shared>>
      %dma_wait3A_924 = tpu.memref_slice %arg9[%dma_wait3A_915] : memref<12x!tpu.dma_semaphore, #tpu.memory_space<semaphore_mem>> -> memref<1x!tpu.dma_semaphore, #tpu.memory_space<semaphore_mem>>
      %dma_wait3A_925 = tpu.memref_squeeze %dma_wait3A_924 : memref<1x!tpu.dma_semaphore, #tpu.memory_space<semaphore_mem>> -> memref<!tpu.dma_semaphore, #tpu.memory_space<semaphore_mem>>
      tpu.wait_indirect_dma semaphore(%dma_wait3A_925 : memref<!tpu.dma_semaphore, #tpu.memory_space<semaphore_mem>>) src(%dma_wait3A_923 : memref<512x128xf32, #tpu.memory_space<vmem_shared>>) dst(%dma_wait3A_919 : memref<64x128xf32, #tpu.memory_space<vmem>>)
      %add3A_926 = arith.constant 7 : i32
      %add3A_927 = arith.addi %mul3A_634, %add3A_926 : i32
      %mul3A_928 = arith.constant 64 : i32
      %mul3A_929 = arith.muli %add3A_927, %mul3A_928 : i32
      %add3A_930 = arith.addi %mul3A_2, %mul3A_929 : i32
      %dma_start3A_931 = arith.constant 7 : i32
      %dma_start3A_932 = arith.constant 7 : i32
      %dma_start3A_933 = arith.constant 0 : i32
      %dma_start3A_934 = arith.constant 0 : i32
      %dma_start3A_935 = tpu.memref_slice %arg7[%dma_start3A_931, %dma_start3A_933, %dma_start3A_934] : memref<12x64x128xf32, #tpu.memory_space<vmem>> -> memref<1x64x128xf32, #tpu.memory_space<vmem>>
      %dma_start3A_936 = tpu.memref_squeeze %dma_start3A_935 : memref<1x64x128xf32, #tpu.memory_space<vmem>> -> memref<64x128xf32, #tpu.memory_space<vmem>>
      %dma_start3A_937 = arith.constant 0 : i32
      %dma_start3A_938 = tpu.memref_slice %arg4[%add3A_930, %dma_start3A_937] : memref<819200x128xf32, #tpu.memory_space<hbm>> -> memref<64x128xf32, #tpu.memory_space<hbm>>
      %dma_start3A_939 = tpu.memref_slice %arg10[%dma_start3A_932] : memref<12x!tpu.dma_semaphore, #tpu.memory_space<semaphore_mem>> -> memref<1x!tpu.dma_semaphore, #tpu.memory_space<semaphore_mem>>
      %dma_start3A_940 = tpu.memref_squeeze %dma_start3A_939 : memref<1x!tpu.dma_semaphore, #tpu.memory_space<semaphore_mem>> -> memref<!tpu.dma_semaphore, #tpu.memory_space<semaphore_mem>>
      %dma_start3A_941 = arith.constant 0 : i32
      %dma_start3A_942 = tpu.memref_slice %arg4[%add3A_930, %dma_start3A_941] : memref<819200x128xf32, #tpu.memory_space<hbm>> -> memref<64x128xf32, #tpu.memory_space<hbm>>
      %dma_start3A_943 = arith.constant 0 : i32
      %dma_start3A_944 = arith.constant 0 : i32
      %dma_start3A_945 = tpu.memref_slice %arg7[%dma_start3A_931, %dma_start3A_943, %dma_start3A_944] : memref<12x64x128xf32, #tpu.memory_space<vmem>> -> memref<1x64x128xf32, #tpu.memory_space<vmem>>
      %dma_start3A_946 = tpu.memref_squeeze %dma_start3A_945 : memref<1x64x128xf32, #tpu.memory_space<vmem>> -> memref<64x128xf32, #tpu.memory_space<vmem>>
      tpu.enqueue_dma source(%dma_start3A_946 : memref<64x128xf32, #tpu.memory_space<vmem>>) target(%dma_start3A_942 : memref<64x128xf32, #tpu.memory_space<hbm>>) target_semaphore(%dma_start3A_940 : memref<!tpu.dma_semaphore, #tpu.memory_space<semaphore_mem>>)
      %add3A_947 = arith.constant 8 : i32
      %add3A_948 = arith.addi %mul3A_634, %add3A_947 : i32
      %mul3A_949 = arith.constant 64 : i32
      %mul3A_950 = arith.muli %add3A_948, %mul3A_949 : i32
      %add3A_951 = arith.constant 0 : i32
      %add3A_952 = arith.addi %mul3A_950, %add3A_951 : i32
      %dma_wait3A_953 = arith.constant 8 : i32
      %dma_wait3A_954 = arith.constant 8 : i32
      %dma_wait3A_955 = arith.constant 0 : i32
      %dma_wait3A_956 = arith.constant 0 : i32
      %dma_wait3A_957 = tpu.memref_slice %arg7[%dma_wait3A_953, %dma_wait3A_955, %dma_wait3A_956] : memref<12x64x128xf32, #tpu.memory_space<vmem>> -> memref<1x64x128xf32, #tpu.memory_space<vmem>>
      %dma_wait3A_958 = tpu.memref_squeeze %dma_wait3A_957 : memref<1x64x128xf32, #tpu.memory_space<vmem>> -> memref<64x128xf32, #tpu.memory_space<vmem>>
      %dma_wait3A_959 = tpu.memref_slice %arg6[%add3A_952] : memref<25600xi32, #tpu.memory_space<vmem>> -> memref<64xi32, #tpu.memory_space<vmem>>
      %dma_wait3A_960 = arith.constant 0 : i32
      %dma_wait3A_961 = arith.constant 0 : i32
      %dma_wait3A_962 = tpu.memref_slice %arg5[%dma_wait3A_960, %dma_wait3A_961] : memref<512x128xf32, #tpu.memory_space<vmem_shared>> -> memref<512x128xf32, #tpu.memory_space<vmem_shared>>
      %dma_wait3A_963 = tpu.memref_slice %arg9[%dma_wait3A_954] : memref<12x!tpu.dma_semaphore, #tpu.memory_space<semaphore_mem>> -> memref<1x!tpu.dma_semaphore, #tpu.memory_space<semaphore_mem>>
      %dma_wait3A_964 = tpu.memref_squeeze %dma_wait3A_963 : memref<1x!tpu.dma_semaphore, #tpu.memory_space<semaphore_mem>> -> memref<!tpu.dma_semaphore, #tpu.memory_space<semaphore_mem>>
      tpu.wait_indirect_dma semaphore(%dma_wait3A_964 : memref<!tpu.dma_semaphore, #tpu.memory_space<semaphore_mem>>) src(%dma_wait3A_962 : memref<512x128xf32, #tpu.memory_space<vmem_shared>>) dst(%dma_wait3A_958 : memref<64x128xf32, #tpu.memory_space<vmem>>)
      %add3A_965 = arith.constant 8 : i32
      %add3A_966 = arith.addi %mul3A_634, %add3A_965 : i32
      %mul3A_967 = arith.constant 64 : i32
      %mul3A_968 = arith.muli %add3A_966, %mul3A_967 : i32
      %add3A_969 = arith.addi %mul3A_2, %mul3A_968 : i32
      %dma_start3A_970 = arith.constant 8 : i32
      %dma_start3A_971 = arith.constant 8 : i32
      %dma_start3A_972 = arith.constant 0 : i32
      %dma_start3A_973 = arith.constant 0 : i32
      %dma_start3A_974 = tpu.memref_slice %arg7[%dma_start3A_970, %dma_start3A_972, %dma_start3A_973] : memref<12x64x128xf32, #tpu.memory_space<vmem>> -> memref<1x64x128xf32, #tpu.memory_space<vmem>>
      %dma_start3A_975 = tpu.memref_squeeze %dma_start3A_974 : memref<1x64x128xf32, #tpu.memory_space<vmem>> -> memref<64x128xf32, #tpu.memory_space<vmem>>
      %dma_start3A_976 = arith.constant 0 : i32
      %dma_start3A_977 = tpu.memref_slice %arg4[%add3A_969, %dma_start3A_976] : memref<819200x128xf32, #tpu.memory_space<hbm>> -> memref<64x128xf32, #tpu.memory_space<hbm>>
      %dma_start3A_978 = tpu.memref_slice %arg10[%dma_start3A_971] : memref<12x!tpu.dma_semaphore, #tpu.memory_space<semaphore_mem>> -> memref<1x!tpu.dma_semaphore, #tpu.memory_space<semaphore_mem>>
      %dma_start3A_979 = tpu.memref_squeeze %dma_start3A_978 : memref<1x!tpu.dma_semaphore, #tpu.memory_space<semaphore_mem>> -> memref<!tpu.dma_semaphore, #tpu.memory_space<semaphore_mem>>
      %dma_start3A_980 = arith.constant 0 : i32
      %dma_start3A_981 = tpu.memref_slice %arg4[%add3A_969, %dma_start3A_980] : memref<819200x128xf32, #tpu.memory_space<hbm>> -> memref<64x128xf32, #tpu.memory_space<hbm>>
      %dma_start3A_982 = arith.constant 0 : i32
      %dma_start3A_983 = arith.constant 0 : i32
      %dma_start3A_984 = tpu.memref_slice %arg7[%dma_start3A_970, %dma_start3A_982, %dma_start3A_983] : memref<12x64x128xf32, #tpu.memory_space<vmem>> -> memref<1x64x128xf32, #tpu.memory_space<vmem>>
      %dma_start3A_985 = tpu.memref_squeeze %dma_start3A_984 : memref<1x64x128xf32, #tpu.memory_space<vmem>> -> memref<64x128xf32, #tpu.memory_space<vmem>>
      tpu.enqueue_dma source(%dma_start3A_985 : memref<64x128xf32, #tpu.memory_space<vmem>>) target(%dma_start3A_981 : memref<64x128xf32, #tpu.memory_space<hbm>>) target_semaphore(%dma_start3A_979 : memref<!tpu.dma_semaphore, #tpu.memory_space<semaphore_mem>>)
      %add3A_986 = arith.constant 9 : i32
      %add3A_987 = arith.addi %mul3A_634, %add3A_986 : i32
      %mul3A_988 = arith.constant 64 : i32
      %mul3A_989 = arith.muli %add3A_987, %mul3A_988 : i32
      %add3A_990 = arith.constant 0 : i32
      %add3A_991 = arith.addi %mul3A_989, %add3A_990 : i32
      %dma_wait3A_992 = arith.constant 9 : i32
      %dma_wait3A_993 = arith.constant 9 : i32
      %dma_wait3A_994 = arith.constant 0 : i32
      %dma_wait3A_995 = arith.constant 0 : i32
      %dma_wait3A_996 = tpu.memref_slice %arg7[%dma_wait3A_992, %dma_wait3A_994, %dma_wait3A_995] : memref<12x64x128xf32, #tpu.memory_space<vmem>> -> memref<1x64x128xf32, #tpu.memory_space<vmem>>
      %dma_wait3A_997 = tpu.memref_squeeze %dma_wait3A_996 : memref<1x64x128xf32, #tpu.memory_space<vmem>> -> memref<64x128xf32, #tpu.memory_space<vmem>>
      %dma_wait3A_998 = tpu.memref_slice %arg6[%add3A_991] : memref<25600xi32, #tpu.memory_space<vmem>> -> memref<64xi32, #tpu.memory_space<vmem>>
      %dma_wait3A_999 = arith.constant 0 : i32
      %dma_wait3A_1000 = arith.constant 0 : i32
      %dma_wait3A_1001 = tpu.memref_slice %arg5[%dma_wait3A_999, %dma_wait3A_1000] : memref<512x128xf32, #tpu.memory_space<vmem_shared>> -> memref<512x128xf32, #tpu.memory_space<vmem_shared>>
      %dma_wait3A_1002 = tpu.memref_slice %arg9[%dma_wait3A_993] : memref<12x!tpu.dma_semaphore, #tpu.memory_space<semaphore_mem>> -> memref<1x!tpu.dma_semaphore, #tpu.memory_space<semaphore_mem>>
      %dma_wait3A_1003 = tpu.memref_squeeze %dma_wait3A_1002 : memref<1x!tpu.dma_semaphore, #tpu.memory_space<semaphore_mem>> -> memref<!tpu.dma_semaphore, #tpu.memory_space<semaphore_mem>>
      tpu.wait_indirect_dma semaphore(%dma_wait3A_1003 : memref<!tpu.dma_semaphore, #tpu.memory_space<semaphore_mem>>) src(%dma_wait3A_1001 : memref<512x128xf32, #tpu.memory_space<vmem_shared>>) dst(%dma_wait3A_997 : memref<64x128xf32, #tpu.memory_space<vmem>>)
      %add3A_1004 = arith.constant 9 : i32
      %add3A_1005 = arith.addi %mul3A_634, %add3A_1004 : i32
      %mul3A_1006 = arith.constant 64 : i32
      %mul3A_1007 = arith.muli %add3A_1005, %mul3A_1006 : i32
      %add3A_1008 = arith.addi %mul3A_2, %mul3A_1007 : i32
      %dma_start3A_1009 = arith.constant 9 : i32
      %dma_start3A_1010 = arith.constant 9 : i32
      %dma_start3A_1011 = arith.constant 0 : i32
      %dma_start3A_1012 = arith.constant 0 : i32
      %dma_start3A_1013 = tpu.memref_slice %arg7[%dma_start3A_1009, %dma_start3A_1011, %dma_start3A_1012] : memref<12x64x128xf32, #tpu.memory_space<vmem>> -> memref<1x64x128xf32, #tpu.memory_space<vmem>>
      %dma_start3A_1014 = tpu.memref_squeeze %dma_start3A_1013 : memref<1x64x128xf32, #tpu.memory_space<vmem>> -> memref<64x128xf32, #tpu.memory_space<vmem>>
      %dma_start3A_1015 = arith.constant 0 : i32
      %dma_start3A_1016 = tpu.memref_slice %arg4[%add3A_1008, %dma_start3A_1015] : memref<819200x128xf32, #tpu.memory_space<hbm>> -> memref<64x128xf32, #tpu.memory_space<hbm>>
      %dma_start3A_1017 = tpu.memref_slice %arg10[%dma_start3A_1010] : memref<12x!tpu.dma_semaphore, #tpu.memory_space<semaphore_mem>> -> memref<1x!tpu.dma_semaphore, #tpu.memory_space<semaphore_mem>>
      %dma_start3A_1018 = tpu.memref_squeeze %dma_start3A_1017 : memref<1x!tpu.dma_semaphore, #tpu.memory_space<semaphore_mem>> -> memref<!tpu.dma_semaphore, #tpu.memory_space<semaphore_mem>>
      %dma_start3A_1019 = arith.constant 0 : i32
      %dma_start3A_1020 = tpu.memref_slice %arg4[%add3A_1008, %dma_start3A_1019] : memref<819200x128xf32, #tpu.memory_space<hbm>> -> memref<64x128xf32, #tpu.memory_space<hbm>>
      %dma_start3A_1021 = arith.constant 0 : i32
      %dma_start3A_1022 = arith.constant 0 : i32
      %dma_start3A_1023 = tpu.memref_slice %arg7[%dma_start3A_1009, %dma_start3A_1021, %dma_start3A_1022] : memref<12x64x128xf32, #tpu.memory_space<vmem>> -> memref<1x64x128xf32, #tpu.memory_space<vmem>>
      %dma_start3A_1024 = tpu.memref_squeeze %dma_start3A_1023 : memref<1x64x128xf32, #tpu.memory_space<vmem>> -> memref<64x128xf32, #tpu.memory_space<vmem>>
      tpu.enqueue_dma source(%dma_start3A_1024 : memref<64x128xf32, #tpu.memory_space<vmem>>) target(%dma_start3A_1020 : memref<64x128xf32, #tpu.memory_space<hbm>>) target_semaphore(%dma_start3A_1018 : memref<!tpu.dma_semaphore, #tpu.memory_space<semaphore_mem>>)
      %add3A_1025 = arith.constant 10 : i32
      %add3A_1026 = arith.addi %mul3A_634, %add3A_1025 : i32
      %mul3A_1027 = arith.constant 64 : i32
      %mul3A_1028 = arith.muli %add3A_1026, %mul3A_1027 : i32
      %add3A_1029 = arith.constant 0 : i32
      %add3A_1030 = arith.addi %mul3A_1028, %add3A_1029 : i32
      %dma_wait3A_1031 = arith.constant 10 : i32
      %dma_wait3A_1032 = arith.constant 10 : i32
      %dma_wait3A_1033 = arith.constant 0 : i32
      %dma_wait3A_1034 = arith.constant 0 : i32
      %dma_wait3A_1035 = tpu.memref_slice %arg7[%dma_wait3A_1031, %dma_wait3A_1033, %dma_wait3A_1034] : memref<12x64x128xf32, #tpu.memory_space<vmem>> -> memref<1x64x128xf32, #tpu.memory_space<vmem>>
      %dma_wait3A_1036 = tpu.memref_squeeze %dma_wait3A_1035 : memref<1x64x128xf32, #tpu.memory_space<vmem>> -> memref<64x128xf32, #tpu.memory_space<vmem>>
      %dma_wait3A_1037 = tpu.memref_slice %arg6[%add3A_1030] : memref<25600xi32, #tpu.memory_space<vmem>> -> memref<64xi32, #tpu.memory_space<vmem>>
      %dma_wait3A_1038 = arith.constant 0 : i32
      %dma_wait3A_1039 = arith.constant 0 : i32
      %dma_wait3A_1040 = tpu.memref_slice %arg5[%dma_wait3A_1038, %dma_wait3A_1039] : memref<512x128xf32, #tpu.memory_space<vmem_shared>> -> memref<512x128xf32, #tpu.memory_space<vmem_shared>>
      %dma_wait3A_1041 = tpu.memref_slice %arg9[%dma_wait3A_1032] : memref<12x!tpu.dma_semaphore, #tpu.memory_space<semaphore_mem>> -> memref<1x!tpu.dma_semaphore, #tpu.memory_space<semaphore_mem>>
      %dma_wait3A_1042 = tpu.memref_squeeze %dma_wait3A_1041 : memref<1x!tpu.dma_semaphore, #tpu.memory_space<semaphore_mem>> -> memref<!tpu.dma_semaphore, #tpu.memory_space<semaphore_mem>>
      tpu.wait_indirect_dma semaphore(%dma_wait3A_1042 : memref<!tpu.dma_semaphore, #tpu.memory_space<semaphore_mem>>) src(%dma_wait3A_1040 : memref<512x128xf32, #tpu.memory_space<vmem_shared>>) dst(%dma_wait3A_1036 : memref<64x128xf32, #tpu.memory_space<vmem>>)
      %add3A_1043 = arith.constant 10 : i32
      %add3A_1044 = arith.addi %mul3A_634, %add3A_1043 : i32
      %mul3A_1045 = arith.constant 64 : i32
      %mul3A_1046 = arith.muli %add3A_1044, %mul3A_1045 : i32
      %add3A_1047 = arith.addi %mul3A_2, %mul3A_1046 : i32
      %dma_start3A_1048 = arith.constant 10 : i32
      %dma_start3A_1049 = arith.constant 10 : i32
      %dma_start3A_1050 = arith.constant 0 : i32
      %dma_start3A_1051 = arith.constant 0 : i32
      %dma_start3A_1052 = tpu.memref_slice %arg7[%dma_start3A_1048, %dma_start3A_1050, %dma_start3A_1051] : memref<12x64x128xf32, #tpu.memory_space<vmem>> -> memref<1x64x128xf32, #tpu.memory_space<vmem>>
      %dma_start3A_1053 = tpu.memref_squeeze %dma_start3A_1052 : memref<1x64x128xf32, #tpu.memory_space<vmem>> -> memref<64x128xf32, #tpu.memory_space<vmem>>
      %dma_start3A_1054 = arith.constant 0 : i32
      %dma_start3A_1055 = tpu.memref_slice %arg4[%add3A_1047, %dma_start3A_1054] : memref<819200x128xf32, #tpu.memory_space<hbm>> -> memref<64x128xf32, #tpu.memory_space<hbm>>
      %dma_start3A_1056 = tpu.memref_slice %arg10[%dma_start3A_1049] : memref<12x!tpu.dma_semaphore, #tpu.memory_space<semaphore_mem>> -> memref<1x!tpu.dma_semaphore, #tpu.memory_space<semaphore_mem>>
      %dma_start3A_1057 = tpu.memref_squeeze %dma_start3A_1056 : memref<1x!tpu.dma_semaphore, #tpu.memory_space<semaphore_mem>> -> memref<!tpu.dma_semaphore, #tpu.memory_space<semaphore_mem>>
      %dma_start3A_1058 = arith.constant 0 : i32
      %dma_start3A_1059 = tpu.memref_slice %arg4[%add3A_1047, %dma_start3A_1058] : memref<819200x128xf32, #tpu.memory_space<hbm>> -> memref<64x128xf32, #tpu.memory_space<hbm>>
      %dma_start3A_1060 = arith.constant 0 : i32
      %dma_start3A_1061 = arith.constant 0 : i32
      %dma_start3A_1062 = tpu.memref_slice %arg7[%dma_start3A_1048, %dma_start3A_1060, %dma_start3A_1061] : memref<12x64x128xf32, #tpu.memory_space<vmem>> -> memref<1x64x128xf32, #tpu.memory_space<vmem>>
      %dma_start3A_1063 = tpu.memref_squeeze %dma_start3A_1062 : memref<1x64x128xf32, #tpu.memory_space<vmem>> -> memref<64x128xf32, #tpu.memory_space<vmem>>
      tpu.enqueue_dma source(%dma_start3A_1063 : memref<64x128xf32, #tpu.memory_space<vmem>>) target(%dma_start3A_1059 : memref<64x128xf32, #tpu.memory_space<hbm>>) target_semaphore(%dma_start3A_1057 : memref<!tpu.dma_semaphore, #tpu.memory_space<semaphore_mem>>)
      %add3A_1064 = arith.constant 11 : i32
      %add3A_1065 = arith.addi %mul3A_634, %add3A_1064 : i32
      %mul3A_1066 = arith.constant 64 : i32
      %mul3A_1067 = arith.muli %add3A_1065, %mul3A_1066 : i32
      %add3A_1068 = arith.constant 0 : i32
      %add3A_1069 = arith.addi %mul3A_1067, %add3A_1068 : i32
      %dma_wait3A_1070 = arith.constant 11 : i32
      %dma_wait3A_1071 = arith.constant 11 : i32
      %dma_wait3A_1072 = arith.constant 0 : i32
      %dma_wait3A_1073 = arith.constant 0 : i32
      %dma_wait3A_1074 = tpu.memref_slice %arg7[%dma_wait3A_1070, %dma_wait3A_1072, %dma_wait3A_1073] : memref<12x64x128xf32, #tpu.memory_space<vmem>> -> memref<1x64x128xf32, #tpu.memory_space<vmem>>
      %dma_wait3A_1075 = tpu.memref_squeeze %dma_wait3A_1074 : memref<1x64x128xf32, #tpu.memory_space<vmem>> -> memref<64x128xf32, #tpu.memory_space<vmem>>
      %dma_wait3A_1076 = tpu.memref_slice %arg6[%add3A_1069] : memref<25600xi32, #tpu.memory_space<vmem>> -> memref<64xi32, #tpu.memory_space<vmem>>
      %dma_wait3A_1077 = arith.constant 0 : i32
      %dma_wait3A_1078 = arith.constant 0 : i32
      %dma_wait3A_1079 = tpu.memref_slice %arg5[%dma_wait3A_1077, %dma_wait3A_1078] : memref<512x128xf32, #tpu.memory_space<vmem_shared>> -> memref<512x128xf32, #tpu.memory_space<vmem_shared>>
      %dma_wait3A_1080 = tpu.memref_slice %arg9[%dma_wait3A_1071] : memref<12x!tpu.dma_semaphore, #tpu.memory_space<semaphore_mem>> -> memref<1x!tpu.dma_semaphore, #tpu.memory_space<semaphore_mem>>
      %dma_wait3A_1081 = tpu.memref_squeeze %dma_wait3A_1080 : memref<1x!tpu.dma_semaphore, #tpu.memory_space<semaphore_mem>> -> memref<!tpu.dma_semaphore, #tpu.memory_space<semaphore_mem>>
      tpu.wait_indirect_dma semaphore(%dma_wait3A_1081 : memref<!tpu.dma_semaphore, #tpu.memory_space<semaphore_mem>>) src(%dma_wait3A_1079 : memref<512x128xf32, #tpu.memory_space<vmem_shared>>) dst(%dma_wait3A_1075 : memref<64x128xf32, #tpu.memory_space<vmem>>)
      %add3A_1082 = arith.constant 11 : i32
      %add3A_1083 = arith.addi %mul3A_634, %add3A_1082 : i32
      %mul3A_1084 = arith.constant 64 : i32
      %mul3A_1085 = arith.muli %add3A_1083, %mul3A_1084 : i32
      %add3A_1086 = arith.addi %mul3A_2, %mul3A_1085 : i32
      %dma_start3A_1087 = arith.constant 11 : i32
      %dma_start3A_1088 = arith.constant 11 : i32
      %dma_start3A_1089 = arith.constant 0 : i32
      %dma_start3A_1090 = arith.constant 0 : i32
      %dma_start3A_1091 = tpu.memref_slice %arg7[%dma_start3A_1087, %dma_start3A_1089, %dma_start3A_1090] : memref<12x64x128xf32, #tpu.memory_space<vmem>> -> memref<1x64x128xf32, #tpu.memory_space<vmem>>
      %dma_start3A_1092 = tpu.memref_squeeze %dma_start3A_1091 : memref<1x64x128xf32, #tpu.memory_space<vmem>> -> memref<64x128xf32, #tpu.memory_space<vmem>>
      %dma_start3A_1093 = arith.constant 0 : i32
      %dma_start3A_1094 = tpu.memref_slice %arg4[%add3A_1086, %dma_start3A_1093] : memref<819200x128xf32, #tpu.memory_space<hbm>> -> memref<64x128xf32, #tpu.memory_space<hbm>>
      %dma_start3A_1095 = tpu.memref_slice %arg10[%dma_start3A_1088] : memref<12x!tpu.dma_semaphore, #tpu.memory_space<semaphore_mem>> -> memref<1x!tpu.dma_semaphore, #tpu.memory_space<semaphore_mem>>
      %dma_start3A_1096 = tpu.memref_squeeze %dma_start3A_1095 : memref<1x!tpu.dma_semaphore, #tpu.memory_space<semaphore_mem>> -> memref<!tpu.dma_semaphore, #tpu.memory_space<semaphore_mem>>
      %dma_start3A_1097 = arith.constant 0 : i32
      %dma_start3A_1098 = tpu.memref_slice %arg4[%add3A_1086, %dma_start3A_1097] : memref<819200x128xf32, #tpu.memory_space<hbm>> -> memref<64x128xf32, #tpu.memory_space<hbm>>
      %dma_start3A_1099 = arith.constant 0 : i32
      %dma_start3A_1100 = arith.constant 0 : i32
      %dma_start3A_1101 = tpu.memref_slice %arg7[%dma_start3A_1087, %dma_start3A_1099, %dma_start3A_1100] : memref<12x64x128xf32, #tpu.memory_space<vmem>> -> memref<1x64x128xf32, #tpu.memory_space<vmem>>
      %dma_start3A_1102 = tpu.memref_squeeze %dma_start3A_1101 : memref<1x64x128xf32, #tpu.memory_space<vmem>> -> memref<64x128xf32, #tpu.memory_space<vmem>>
      tpu.enqueue_dma source(%dma_start3A_1102 : memref<64x128xf32, #tpu.memory_space<vmem>>) target(%dma_start3A_1098 : memref<64x128xf32, #tpu.memory_space<hbm>>) target_semaphore(%dma_start3A_1096 : memref<!tpu.dma_semaphore, #tpu.memory_space<semaphore_mem>>)
      %add3A_1103 = arith.constant 1 : i32
      %add3A_1104 = arith.addi %scan3A_632, %add3A_1103 : i32
      %lt3A = arith.constant 33 : i32
      %lt3A_1105 = arith.cmpi slt, %add3A_1104, %lt3A : i32
      %convert_element_type3A_1106 = arith.extui %lt3A_1105 : i1 to i32
      %cond3A_1107 = arith.constant 0 : i32
      %cond3A_1108 = arith.cmpi ne, %convert_element_type3A_1106, %cond3A_1107 : i32
      scf.if %cond3A_1108 {
        %add3A_1109 = arith.constant 0 : i32
        %add3A_1110 = arith.addi %mul3A_634, %add3A_1109 : i32
        %mul3A_1111 = arith.constant 64 : i32
        %mul3A_1112 = arith.muli %add3A_1110, %mul3A_1111 : i32
        %add3A_1113 = arith.addi %mul3A_2, %mul3A_1112 : i32
        %dma_wait3A_1114 = arith.constant 0 : i32
        %dma_wait3A_1115 = arith.constant 0 : i32
        %dma_wait3A_1116 = arith.constant 0 : i32
        %dma_wait3A_1117 = arith.constant 0 : i32
        %dma_wait3A_1118 = tpu.memref_slice %arg7[%dma_wait3A_1114, %dma_wait3A_1116, %dma_wait3A_1117] : memref<12x64x128xf32, #tpu.memory_space<vmem>> -> memref<1x64x128xf32, #tpu.memory_space<vmem>>
        %dma_wait3A_1119 = tpu.memref_squeeze %dma_wait3A_1118 : memref<1x64x128xf32, #tpu.memory_space<vmem>> -> memref<64x128xf32, #tpu.memory_space<vmem>>
        %dma_wait3A_1120 = arith.constant 0 : i32
        %dma_wait3A_1121 = tpu.memref_slice %arg4[%add3A_1113, %dma_wait3A_1120] : memref<819200x128xf32, #tpu.memory_space<hbm>> -> memref<64x128xf32, #tpu.memory_space<hbm>>
        %dma_wait3A_1122 = tpu.memref_slice %arg10[%dma_wait3A_1115] : memref<12x!tpu.dma_semaphore, #tpu.memory_space<semaphore_mem>> -> memref<1x!tpu.dma_semaphore, #tpu.memory_space<semaphore_mem>>
        %dma_wait3A_1123 = tpu.memref_squeeze %dma_wait3A_1122 : memref<1x!tpu.dma_semaphore, #tpu.memory_space<semaphore_mem>> -> memref<!tpu.dma_semaphore, #tpu.memory_space<semaphore_mem>>
        %dma_wait3A_1124 = arith.constant 0 : i32
        %dma_wait3A_1125 = tpu.memref_slice %arg4[%add3A_1113, %dma_wait3A_1124] : memref<819200x128xf32, #tpu.memory_space<hbm>> -> memref<64x128xf32, #tpu.memory_space<hbm>>
        %dma_wait3A_1126 = arith.constant 0 : i32
        %dma_wait3A_1127 = arith.constant 0 : i32
        %dma_wait3A_1128 = tpu.memref_slice %arg7[%dma_wait3A_1114, %dma_wait3A_1126, %dma_wait3A_1127] : memref<12x64x128xf32, #tpu.memory_space<vmem>> -> memref<1x64x128xf32, #tpu.memory_space<vmem>>
        %dma_wait3A_1129 = tpu.memref_squeeze %dma_wait3A_1128 : memref<1x64x128xf32, #tpu.memory_space<vmem>> -> memref<64x128xf32, #tpu.memory_space<vmem>>
        tpu.wait_dma2 semaphore(%dma_wait3A_1123 : memref<!tpu.dma_semaphore, #tpu.memory_space<semaphore_mem>>) src(%dma_wait3A_1129 : memref<64x128xf32, #tpu.memory_space<vmem>>) dst(%dma_wait3A_1125 : memref<64x128xf32, #tpu.memory_space<hbm>>)
        %add3A_1130 = arith.constant 12 : i32
        %add3A_1131 = arith.addi %mul3A_634, %add3A_1130 : i32
        %add3A_1132 = arith.constant 0 : i32
        %add3A_1133 = arith.addi %add3A_1131, %add3A_1132 : i32
        %mul3A_1134 = arith.constant 64 : i32
        %mul3A_1135 = arith.muli %add3A_1133, %mul3A_1134 : i32
        %add3A_1136 = arith.constant 0 : i32
        %add3A_1137 = arith.addi %mul3A_1135, %add3A_1136 : i32
        %dma_start3A_1138 = arith.constant 0 : i32
        %dma_start3A_1139 = arith.constant 0 : i32
        %dma_start3A_1140 = arith.constant 0 : i32
        %dma_start3A_1141 = arith.constant 0 : i32
        %dma_start3A_1142 = tpu.memref_slice %arg7[%dma_start3A_1138, %dma_start3A_1140, %dma_start3A_1141] : memref<12x64x128xf32, #tpu.memory_space<vmem>> -> memref<1x64x128xf32, #tpu.memory_space<vmem>>
        %dma_start3A_1143 = tpu.memref_squeeze %dma_start3A_1142 : memref<1x64x128xf32, #tpu.memory_space<vmem>> -> memref<64x128xf32, #tpu.memory_space<vmem>>
        %dma_start3A_1144 = tpu.memref_slice %arg6[%add3A_1137] : memref<25600xi32, #tpu.memory_space<vmem>> -> memref<64xi32, #tpu.memory_space<vmem>>
        %dma_start3A_1145 = arith.constant 0 : i32
        %dma_start3A_1146 = arith.constant 0 : i32
        %dma_start3A_1147 = tpu.memref_slice %arg5[%dma_start3A_1145, %dma_start3A_1146] : memref<512x128xf32, #tpu.memory_space<vmem_shared>> -> memref<512x128xf32, #tpu.memory_space<vmem_shared>>
        %dma_start3A_1148 = tpu.memref_slice %arg9[%dma_start3A_1139] : memref<12x!tpu.dma_semaphore, #tpu.memory_space<semaphore_mem>> -> memref<1x!tpu.dma_semaphore, #tpu.memory_space<semaphore_mem>>
        %dma_start3A_1149 = tpu.memref_squeeze %dma_start3A_1148 : memref<1x!tpu.dma_semaphore, #tpu.memory_space<semaphore_mem>> -> memref<!tpu.dma_semaphore, #tpu.memory_space<semaphore_mem>>
        tpu.enqueue_indirect_dma source(%dma_start3A_1147 : memref<512x128xf32, #tpu.memory_space<vmem_shared>>) target(%dma_start3A_1143 : memref<64x128xf32, #tpu.memory_space<vmem>>) offsets(%dma_start3A_1144 : memref<64xi32, #tpu.memory_space<vmem>>) semaphore(%dma_start3A_1149 : memref<!tpu.dma_semaphore, #tpu.memory_space<semaphore_mem>>)
        %add3A_1150 = arith.constant 1 : i32
        %add3A_1151 = arith.addi %mul3A_634, %add3A_1150 : i32
        %mul3A_1152 = arith.constant 64 : i32
        %mul3A_1153 = arith.muli %add3A_1151, %mul3A_1152 : i32
        %add3A_1154 = arith.addi %mul3A_2, %mul3A_1153 : i32
        %dma_wait3A_1155 = arith.constant 1 : i32
        %dma_wait3A_1156 = arith.constant 1 : i32
        %dma_wait3A_1157 = arith.constant 0 : i32
        %dma_wait3A_1158 = arith.constant 0 : i32
        %dma_wait3A_1159 = tpu.memref_slice %arg7[%dma_wait3A_1155, %dma_wait3A_1157, %dma_wait3A_1158] : memref<12x64x128xf32, #tpu.memory_space<vmem>> -> memref<1x64x128xf32, #tpu.memory_space<vmem>>
        %dma_wait3A_1160 = tpu.memref_squeeze %dma_wait3A_1159 : memref<1x64x128xf32, #tpu.memory_space<vmem>> -> memref<64x128xf32, #tpu.memory_space<vmem>>
        %dma_wait3A_1161 = arith.constant 0 : i32
        %dma_wait3A_1162 = tpu.memref_slice %arg4[%add3A_1154, %dma_wait3A_1161] : memref<819200x128xf32, #tpu.memory_space<hbm>> -> memref<64x128xf32, #tpu.memory_space<hbm>>
        %dma_wait3A_1163 = tpu.memref_slice %arg10[%dma_wait3A_1156] : memref<12x!tpu.dma_semaphore, #tpu.memory_space<semaphore_mem>> -> memref<1x!tpu.dma_semaphore, #tpu.memory_space<semaphore_mem>>
        %dma_wait3A_1164 = tpu.memref_squeeze %dma_wait3A_1163 : memref<1x!tpu.dma_semaphore, #tpu.memory_space<semaphore_mem>> -> memref<!tpu.dma_semaphore, #tpu.memory_space<semaphore_mem>>
        %dma_wait3A_1165 = arith.constant 0 : i32
        %dma_wait3A_1166 = tpu.memref_slice %arg4[%add3A_1154, %dma_wait3A_1165] : memref<819200x128xf32, #tpu.memory_space<hbm>> -> memref<64x128xf32, #tpu.memory_space<hbm>>
        %dma_wait3A_1167 = arith.constant 0 : i32
        %dma_wait3A_1168 = arith.constant 0 : i32
        %dma_wait3A_1169 = tpu.memref_slice %arg7[%dma_wait3A_1155, %dma_wait3A_1167, %dma_wait3A_1168] : memref<12x64x128xf32, #tpu.memory_space<vmem>> -> memref<1x64x128xf32, #tpu.memory_space<vmem>>
        %dma_wait3A_1170 = tpu.memref_squeeze %dma_wait3A_1169 : memref<1x64x128xf32, #tpu.memory_space<vmem>> -> memref<64x128xf32, #tpu.memory_space<vmem>>
        tpu.wait_dma2 semaphore(%dma_wait3A_1164 : memref<!tpu.dma_semaphore, #tpu.memory_space<semaphore_mem>>) src(%dma_wait3A_1170 : memref<64x128xf32, #tpu.memory_space<vmem>>) dst(%dma_wait3A_1166 : memref<64x128xf32, #tpu.memory_space<hbm>>)
        %add3A_1171 = arith.constant 12 : i32
        %add3A_1172 = arith.addi %mul3A_634, %add3A_1171 : i32
        %add3A_1173 = arith.constant 1 : i32
        %add3A_1174 = arith.addi %add3A_1172, %add3A_1173 : i32
        %mul3A_1175 = arith.constant 64 : i32
        %mul3A_1176 = arith.muli %add3A_1174, %mul3A_1175 : i32
        %add3A_1177 = arith.constant 0 : i32
        %add3A_1178 = arith.addi %mul3A_1176, %add3A_1177 : i32
        %dma_start3A_1179 = arith.constant 1 : i32
        %dma_start3A_1180 = arith.constant 1 : i32
        %dma_start3A_1181 = arith.constant 0 : i32
        %dma_start3A_1182 = arith.constant 0 : i32
        %dma_start3A_1183 = tpu.memref_slice %arg7[%dma_start3A_1179, %dma_start3A_1181, %dma_start3A_1182] : memref<12x64x128xf32, #tpu.memory_space<vmem>> -> memref<1x64x128xf32, #tpu.memory_space<vmem>>
        %dma_start3A_1184 = tpu.memref_squeeze %dma_start3A_1183 : memref<1x64x128xf32, #tpu.memory_space<vmem>> -> memref<64x128xf32, #tpu.memory_space<vmem>>
        %dma_start3A_1185 = tpu.memref_slice %arg6[%add3A_1178] : memref<25600xi32, #tpu.memory_space<vmem>> -> memref<64xi32, #tpu.memory_space<vmem>>
        %dma_start3A_1186 = arith.constant 0 : i32
        %dma_start3A_1187 = arith.constant 0 : i32
        %dma_start3A_1188 = tpu.memref_slice %arg5[%dma_start3A_1186, %dma_start3A_1187] : memref<512x128xf32, #tpu.memory_space<vmem_shared>> -> memref<512x128xf32, #tpu.memory_space<vmem_shared>>
        %dma_start3A_1189 = tpu.memref_slice %arg9[%dma_start3A_1180] : memref<12x!tpu.dma_semaphore, #tpu.memory_space<semaphore_mem>> -> memref<1x!tpu.dma_semaphore, #tpu.memory_space<semaphore_mem>>
        %dma_start3A_1190 = tpu.memref_squeeze %dma_start3A_1189 : memref<1x!tpu.dma_semaphore, #tpu.memory_space<semaphore_mem>> -> memref<!tpu.dma_semaphore, #tpu.memory_space<semaphore_mem>>
        tpu.enqueue_indirect_dma source(%dma_start3A_1188 : memref<512x128xf32, #tpu.memory_space<vmem_shared>>) target(%dma_start3A_1184 : memref<64x128xf32, #tpu.memory_space<vmem>>) offsets(%dma_start3A_1185 : memref<64xi32, #tpu.memory_space<vmem>>) semaphore(%dma_start3A_1190 : memref<!tpu.dma_semaphore, #tpu.memory_space<semaphore_mem>>)
        %add3A_1191 = arith.constant 2 : i32
        %add3A_1192 = arith.addi %mul3A_634, %add3A_1191 : i32
        %mul3A_1193 = arith.constant 64 : i32
        %mul3A_1194 = arith.muli %add3A_1192, %mul3A_1193 : i32
        %add3A_1195 = arith.addi %mul3A_2, %mul3A_1194 : i32
        %dma_wait3A_1196 = arith.constant 2 : i32
        %dma_wait3A_1197 = arith.constant 2 : i32
        %dma_wait3A_1198 = arith.constant 0 : i32
        %dma_wait3A_1199 = arith.constant 0 : i32
        %dma_wait3A_1200 = tpu.memref_slice %arg7[%dma_wait3A_1196, %dma_wait3A_1198, %dma_wait3A_1199] : memref<12x64x128xf32, #tpu.memory_space<vmem>> -> memref<1x64x128xf32, #tpu.memory_space<vmem>>
        %dma_wait3A_1201 = tpu.memref_squeeze %dma_wait3A_1200 : memref<1x64x128xf32, #tpu.memory_space<vmem>> -> memref<64x128xf32, #tpu.memory_space<vmem>>
        %dma_wait3A_1202 = arith.constant 0 : i32
        %dma_wait3A_1203 = tpu.memref_slice %arg4[%add3A_1195, %dma_wait3A_1202] : memref<819200x128xf32, #tpu.memory_space<hbm>> -> memref<64x128xf32, #tpu.memory_space<hbm>>
        %dma_wait3A_1204 = tpu.memref_slice %arg10[%dma_wait3A_1197] : memref<12x!tpu.dma_semaphore, #tpu.memory_space<semaphore_mem>> -> memref<1x!tpu.dma_semaphore, #tpu.memory_space<semaphore_mem>>
        %dma_wait3A_1205 = tpu.memref_squeeze %dma_wait3A_1204 : memref<1x!tpu.dma_semaphore, #tpu.memory_space<semaphore_mem>> -> memref<!tpu.dma_semaphore, #tpu.memory_space<semaphore_mem>>
        %dma_wait3A_1206 = arith.constant 0 : i32
        %dma_wait3A_1207 = tpu.memref_slice %arg4[%add3A_1195, %dma_wait3A_1206] : memref<819200x128xf32, #tpu.memory_space<hbm>> -> memref<64x128xf32, #tpu.memory_space<hbm>>
        %dma_wait3A_1208 = arith.constant 0 : i32
        %dma_wait3A_1209 = arith.constant 0 : i32
        %dma_wait3A_1210 = tpu.memref_slice %arg7[%dma_wait3A_1196, %dma_wait3A_1208, %dma_wait3A_1209] : memref<12x64x128xf32, #tpu.memory_space<vmem>> -> memref<1x64x128xf32, #tpu.memory_space<vmem>>
        %dma_wait3A_1211 = tpu.memref_squeeze %dma_wait3A_1210 : memref<1x64x128xf32, #tpu.memory_space<vmem>> -> memref<64x128xf32, #tpu.memory_space<vmem>>
        tpu.wait_dma2 semaphore(%dma_wait3A_1205 : memref<!tpu.dma_semaphore, #tpu.memory_space<semaphore_mem>>) src(%dma_wait3A_1211 : memref<64x128xf32, #tpu.memory_space<vmem>>) dst(%dma_wait3A_1207 : memref<64x128xf32, #tpu.memory_space<hbm>>)
        %add3A_1212 = arith.constant 12 : i32
        %add3A_1213 = arith.addi %mul3A_634, %add3A_1212 : i32
        %add3A_1214 = arith.constant 2 : i32
        %add3A_1215 = arith.addi %add3A_1213, %add3A_1214 : i32
        %mul3A_1216 = arith.constant 64 : i32
        %mul3A_1217 = arith.muli %add3A_1215, %mul3A_1216 : i32
        %add3A_1218 = arith.constant 0 : i32
        %add3A_1219 = arith.addi %mul3A_1217, %add3A_1218 : i32
        %dma_start3A_1220 = arith.constant 2 : i32
        %dma_start3A_1221 = arith.constant 2 : i32
        %dma_start3A_1222 = arith.constant 0 : i32
        %dma_start3A_1223 = arith.constant 0 : i32
        %dma_start3A_1224 = tpu.memref_slice %arg7[%dma_start3A_1220, %dma_start3A_1222, %dma_start3A_1223] : memref<12x64x128xf32, #tpu.memory_space<vmem>> -> memref<1x64x128xf32, #tpu.memory_space<vmem>>
        %dma_start3A_1225 = tpu.memref_squeeze %dma_start3A_1224 : memref<1x64x128xf32, #tpu.memory_space<vmem>> -> memref<64x128xf32, #tpu.memory_space<vmem>>
        %dma_start3A_1226 = tpu.memref_slice %arg6[%add3A_1219] : memref<25600xi32, #tpu.memory_space<vmem>> -> memref<64xi32, #tpu.memory_space<vmem>>
        %dma_start3A_1227 = arith.constant 0 : i32
        %dma_start3A_1228 = arith.constant 0 : i32
        %dma_start3A_1229 = tpu.memref_slice %arg5[%dma_start3A_1227, %dma_start3A_1228] : memref<512x128xf32, #tpu.memory_space<vmem_shared>> -> memref<512x128xf32, #tpu.memory_space<vmem_shared>>
        %dma_start3A_1230 = tpu.memref_slice %arg9[%dma_start3A_1221] : memref<12x!tpu.dma_semaphore, #tpu.memory_space<semaphore_mem>> -> memref<1x!tpu.dma_semaphore, #tpu.memory_space<semaphore_mem>>
        %dma_start3A_1231 = tpu.memref_squeeze %dma_start3A_1230 : memref<1x!tpu.dma_semaphore, #tpu.memory_space<semaphore_mem>> -> memref<!tpu.dma_semaphore, #tpu.memory_space<semaphore_mem>>
        tpu.enqueue_indirect_dma source(%dma_start3A_1229 : memref<512x128xf32, #tpu.memory_space<vmem_shared>>) target(%dma_start3A_1225 : memref<64x128xf32, #tpu.memory_space<vmem>>) offsets(%dma_start3A_1226 : memref<64xi32, #tpu.memory_space<vmem>>) semaphore(%dma_start3A_1231 : memref<!tpu.dma_semaphore, #tpu.memory_space<semaphore_mem>>)
        %add3A_1232 = arith.constant 3 : i32
        %add3A_1233 = arith.addi %mul3A_634, %add3A_1232 : i32
        %mul3A_1234 = arith.constant 64 : i32
        %mul3A_1235 = arith.muli %add3A_1233, %mul3A_1234 : i32
        %add3A_1236 = arith.addi %mul3A_2, %mul3A_1235 : i32
        %dma_wait3A_1237 = arith.constant 3 : i32
        %dma_wait3A_1238 = arith.constant 3 : i32
        %dma_wait3A_1239 = arith.constant 0 : i32
        %dma_wait3A_1240 = arith.constant 0 : i32
        %dma_wait3A_1241 = tpu.memref_slice %arg7[%dma_wait3A_1237, %dma_wait3A_1239, %dma_wait3A_1240] : memref<12x64x128xf32, #tpu.memory_space<vmem>> -> memref<1x64x128xf32, #tpu.memory_space<vmem>>
        %dma_wait3A_1242 = tpu.memref_squeeze %dma_wait3A_1241 : memref<1x64x128xf32, #tpu.memory_space<vmem>> -> memref<64x128xf32, #tpu.memory_space<vmem>>
        %dma_wait3A_1243 = arith.constant 0 : i32
        %dma_wait3A_1244 = tpu.memref_slice %arg4[%add3A_1236, %dma_wait3A_1243] : memref<819200x128xf32, #tpu.memory_space<hbm>> -> memref<64x128xf32, #tpu.memory_space<hbm>>
        %dma_wait3A_1245 = tpu.memref_slice %arg10[%dma_wait3A_1238] : memref<12x!tpu.dma_semaphore, #tpu.memory_space<semaphore_mem>> -> memref<1x!tpu.dma_semaphore, #tpu.memory_space<semaphore_mem>>
        %dma_wait3A_1246 = tpu.memref_squeeze %dma_wait3A_1245 : memref<1x!tpu.dma_semaphore, #tpu.memory_space<semaphore_mem>> -> memref<!tpu.dma_semaphore, #tpu.memory_space<semaphore_mem>>
        %dma_wait3A_1247 = arith.constant 0 : i32
        %dma_wait3A_1248 = tpu.memref_slice %arg4[%add3A_1236, %dma_wait3A_1247] : memref<819200x128xf32, #tpu.memory_space<hbm>> -> memref<64x128xf32, #tpu.memory_space<hbm>>
        %dma_wait3A_1249 = arith.constant 0 : i32
        %dma_wait3A_1250 = arith.constant 0 : i32
        %dma_wait3A_1251 = tpu.memref_slice %arg7[%dma_wait3A_1237, %dma_wait3A_1249, %dma_wait3A_1250] : memref<12x64x128xf32, #tpu.memory_space<vmem>> -> memref<1x64x128xf32, #tpu.memory_space<vmem>>
        %dma_wait3A_1252 = tpu.memref_squeeze %dma_wait3A_1251 : memref<1x64x128xf32, #tpu.memory_space<vmem>> -> memref<64x128xf32, #tpu.memory_space<vmem>>
        tpu.wait_dma2 semaphore(%dma_wait3A_1246 : memref<!tpu.dma_semaphore, #tpu.memory_space<semaphore_mem>>) src(%dma_wait3A_1252 : memref<64x128xf32, #tpu.memory_space<vmem>>) dst(%dma_wait3A_1248 : memref<64x128xf32, #tpu.memory_space<hbm>>)
        %add3A_1253 = arith.constant 12 : i32
        %add3A_1254 = arith.addi %mul3A_634, %add3A_1253 : i32
        %add3A_1255 = arith.constant 3 : i32
        %add3A_1256 = arith.addi %add3A_1254, %add3A_1255 : i32
        %mul3A_1257 = arith.constant 64 : i32
        %mul3A_1258 = arith.muli %add3A_1256, %mul3A_1257 : i32
        %add3A_1259 = arith.constant 0 : i32
        %add3A_1260 = arith.addi %mul3A_1258, %add3A_1259 : i32
        %dma_start3A_1261 = arith.constant 3 : i32
        %dma_start3A_1262 = arith.constant 3 : i32
        %dma_start3A_1263 = arith.constant 0 : i32
        %dma_start3A_1264 = arith.constant 0 : i32
        %dma_start3A_1265 = tpu.memref_slice %arg7[%dma_start3A_1261, %dma_start3A_1263, %dma_start3A_1264] : memref<12x64x128xf32, #tpu.memory_space<vmem>> -> memref<1x64x128xf32, #tpu.memory_space<vmem>>
        %dma_start3A_1266 = tpu.memref_squeeze %dma_start3A_1265 : memref<1x64x128xf32, #tpu.memory_space<vmem>> -> memref<64x128xf32, #tpu.memory_space<vmem>>
        %dma_start3A_1267 = tpu.memref_slice %arg6[%add3A_1260] : memref<25600xi32, #tpu.memory_space<vmem>> -> memref<64xi32, #tpu.memory_space<vmem>>
        %dma_start3A_1268 = arith.constant 0 : i32
        %dma_start3A_1269 = arith.constant 0 : i32
        %dma_start3A_1270 = tpu.memref_slice %arg5[%dma_start3A_1268, %dma_start3A_1269] : memref<512x128xf32, #tpu.memory_space<vmem_shared>> -> memref<512x128xf32, #tpu.memory_space<vmem_shared>>
        %dma_start3A_1271 = tpu.memref_slice %arg9[%dma_start3A_1262] : memref<12x!tpu.dma_semaphore, #tpu.memory_space<semaphore_mem>> -> memref<1x!tpu.dma_semaphore, #tpu.memory_space<semaphore_mem>>
        %dma_start3A_1272 = tpu.memref_squeeze %dma_start3A_1271 : memref<1x!tpu.dma_semaphore, #tpu.memory_space<semaphore_mem>> -> memref<!tpu.dma_semaphore, #tpu.memory_space<semaphore_mem>>
        tpu.enqueue_indirect_dma source(%dma_start3A_1270 : memref<512x128xf32, #tpu.memory_space<vmem_shared>>) target(%dma_start3A_1266 : memref<64x128xf32, #tpu.memory_space<vmem>>) offsets(%dma_start3A_1267 : memref<64xi32, #tpu.memory_space<vmem>>) semaphore(%dma_start3A_1272 : memref<!tpu.dma_semaphore, #tpu.memory_space<semaphore_mem>>)
        %add3A_1273 = arith.constant 4 : i32
        %add3A_1274 = arith.addi %mul3A_634, %add3A_1273 : i32
        %mul3A_1275 = arith.constant 64 : i32
        %mul3A_1276 = arith.muli %add3A_1274, %mul3A_1275 : i32
        %add3A_1277 = arith.addi %mul3A_2, %mul3A_1276 : i32
        %dma_wait3A_1278 = arith.constant 4 : i32
        %dma_wait3A_1279 = arith.constant 4 : i32
        %dma_wait3A_1280 = arith.constant 0 : i32
        %dma_wait3A_1281 = arith.constant 0 : i32
        %dma_wait3A_1282 = tpu.memref_slice %arg7[%dma_wait3A_1278, %dma_wait3A_1280, %dma_wait3A_1281] : memref<12x64x128xf32, #tpu.memory_space<vmem>> -> memref<1x64x128xf32, #tpu.memory_space<vmem>>
        %dma_wait3A_1283 = tpu.memref_squeeze %dma_wait3A_1282 : memref<1x64x128xf32, #tpu.memory_space<vmem>> -> memref<64x128xf32, #tpu.memory_space<vmem>>
        %dma_wait3A_1284 = arith.constant 0 : i32
        %dma_wait3A_1285 = tpu.memref_slice %arg4[%add3A_1277, %dma_wait3A_1284] : memref<819200x128xf32, #tpu.memory_space<hbm>> -> memref<64x128xf32, #tpu.memory_space<hbm>>
        %dma_wait3A_1286 = tpu.memref_slice %arg10[%dma_wait3A_1279] : memref<12x!tpu.dma_semaphore, #tpu.memory_space<semaphore_mem>> -> memref<1x!tpu.dma_semaphore, #tpu.memory_space<semaphore_mem>>
        %dma_wait3A_1287 = tpu.memref_squeeze %dma_wait3A_1286 : memref<1x!tpu.dma_semaphore, #tpu.memory_space<semaphore_mem>> -> memref<!tpu.dma_semaphore, #tpu.memory_space<semaphore_mem>>
        %dma_wait3A_1288 = arith.constant 0 : i32
        %dma_wait3A_1289 = tpu.memref_slice %arg4[%add3A_1277, %dma_wait3A_1288] : memref<819200x128xf32, #tpu.memory_space<hbm>> -> memref<64x128xf32, #tpu.memory_space<hbm>>
        %dma_wait3A_1290 = arith.constant 0 : i32
        %dma_wait3A_1291 = arith.constant 0 : i32
        %dma_wait3A_1292 = tpu.memref_slice %arg7[%dma_wait3A_1278, %dma_wait3A_1290, %dma_wait3A_1291] : memref<12x64x128xf32, #tpu.memory_space<vmem>> -> memref<1x64x128xf32, #tpu.memory_space<vmem>>
        %dma_wait3A_1293 = tpu.memref_squeeze %dma_wait3A_1292 : memref<1x64x128xf32, #tpu.memory_space<vmem>> -> memref<64x128xf32, #tpu.memory_space<vmem>>
        tpu.wait_dma2 semaphore(%dma_wait3A_1287 : memref<!tpu.dma_semaphore, #tpu.memory_space<semaphore_mem>>) src(%dma_wait3A_1293 : memref<64x128xf32, #tpu.memory_space<vmem>>) dst(%dma_wait3A_1289 : memref<64x128xf32, #tpu.memory_space<hbm>>)
        %add3A_1294 = arith.constant 12 : i32
        %add3A_1295 = arith.addi %mul3A_634, %add3A_1294 : i32
        %add3A_1296 = arith.constant 4 : i32
        %add3A_1297 = arith.addi %add3A_1295, %add3A_1296 : i32
        %mul3A_1298 = arith.constant 64 : i32
        %mul3A_1299 = arith.muli %add3A_1297, %mul3A_1298 : i32
        %add3A_1300 = arith.constant 0 : i32
        %add3A_1301 = arith.addi %mul3A_1299, %add3A_1300 : i32
        %dma_start3A_1302 = arith.constant 4 : i32
        %dma_start3A_1303 = arith.constant 4 : i32
        %dma_start3A_1304 = arith.constant 0 : i32
        %dma_start3A_1305 = arith.constant 0 : i32
        %dma_start3A_1306 = tpu.memref_slice %arg7[%dma_start3A_1302, %dma_start3A_1304, %dma_start3A_1305] : memref<12x64x128xf32, #tpu.memory_space<vmem>> -> memref<1x64x128xf32, #tpu.memory_space<vmem>>
        %dma_start3A_1307 = tpu.memref_squeeze %dma_start3A_1306 : memref<1x64x128xf32, #tpu.memory_space<vmem>> -> memref<64x128xf32, #tpu.memory_space<vmem>>
        %dma_start3A_1308 = tpu.memref_slice %arg6[%add3A_1301] : memref<25600xi32, #tpu.memory_space<vmem>> -> memref<64xi32, #tpu.memory_space<vmem>>
        %dma_start3A_1309 = arith.constant 0 : i32
        %dma_start3A_1310 = arith.constant 0 : i32
        %dma_start3A_1311 = tpu.memref_slice %arg5[%dma_start3A_1309, %dma_start3A_1310] : memref<512x128xf32, #tpu.memory_space<vmem_shared>> -> memref<512x128xf32, #tpu.memory_space<vmem_shared>>
        %dma_start3A_1312 = tpu.memref_slice %arg9[%dma_start3A_1303] : memref<12x!tpu.dma_semaphore, #tpu.memory_space<semaphore_mem>> -> memref<1x!tpu.dma_semaphore, #tpu.memory_space<semaphore_mem>>
        %dma_start3A_1313 = tpu.memref_squeeze %dma_start3A_1312 : memref<1x!tpu.dma_semaphore, #tpu.memory_space<semaphore_mem>> -> memref<!tpu.dma_semaphore, #tpu.memory_space<semaphore_mem>>
        tpu.enqueue_indirect_dma source(%dma_start3A_1311 : memref<512x128xf32, #tpu.memory_space<vmem_shared>>) target(%dma_start3A_1307 : memref<64x128xf32, #tpu.memory_space<vmem>>) offsets(%dma_start3A_1308 : memref<64xi32, #tpu.memory_space<vmem>>) semaphore(%dma_start3A_1313 : memref<!tpu.dma_semaphore, #tpu.memory_space<semaphore_mem>>)
        %add3A_1314 = arith.constant 5 : i32
        %add3A_1315 = arith.addi %mul3A_634, %add3A_1314 : i32
        %mul3A_1316 = arith.constant 64 : i32
        %mul3A_1317 = arith.muli %add3A_1315, %mul3A_1316 : i32
        %add3A_1318 = arith.addi %mul3A_2, %mul3A_1317 : i32
        %dma_wait3A_1319 = arith.constant 5 : i32
        %dma_wait3A_1320 = arith.constant 5 : i32
        %dma_wait3A_1321 = arith.constant 0 : i32
        %dma_wait3A_1322 = arith.constant 0 : i32
        %dma_wait3A_1323 = tpu.memref_slice %arg7[%dma_wait3A_1319, %dma_wait3A_1321, %dma_wait3A_1322] : memref<12x64x128xf32, #tpu.memory_space<vmem>> -> memref<1x64x128xf32, #tpu.memory_space<vmem>>
        %dma_wait3A_1324 = tpu.memref_squeeze %dma_wait3A_1323 : memref<1x64x128xf32, #tpu.memory_space<vmem>> -> memref<64x128xf32, #tpu.memory_space<vmem>>
        %dma_wait3A_1325 = arith.constant 0 : i32
        %dma_wait3A_1326 = tpu.memref_slice %arg4[%add3A_1318, %dma_wait3A_1325] : memref<819200x128xf32, #tpu.memory_space<hbm>> -> memref<64x128xf32, #tpu.memory_space<hbm>>
        %dma_wait3A_1327 = tpu.memref_slice %arg10[%dma_wait3A_1320] : memref<12x!tpu.dma_semaphore, #tpu.memory_space<semaphore_mem>> -> memref<1x!tpu.dma_semaphore, #tpu.memory_space<semaphore_mem>>
        %dma_wait3A_1328 = tpu.memref_squeeze %dma_wait3A_1327 : memref<1x!tpu.dma_semaphore, #tpu.memory_space<semaphore_mem>> -> memref<!tpu.dma_semaphore, #tpu.memory_space<semaphore_mem>>
        %dma_wait3A_1329 = arith.constant 0 : i32
        %dma_wait3A_1330 = tpu.memref_slice %arg4[%add3A_1318, %dma_wait3A_1329] : memref<819200x128xf32, #tpu.memory_space<hbm>> -> memref<64x128xf32, #tpu.memory_space<hbm>>
        %dma_wait3A_1331 = arith.constant 0 : i32
        %dma_wait3A_1332 = arith.constant 0 : i32
        %dma_wait3A_1333 = tpu.memref_slice %arg7[%dma_wait3A_1319, %dma_wait3A_1331, %dma_wait3A_1332] : memref<12x64x128xf32, #tpu.memory_space<vmem>> -> memref<1x64x128xf32, #tpu.memory_space<vmem>>
        %dma_wait3A_1334 = tpu.memref_squeeze %dma_wait3A_1333 : memref<1x64x128xf32, #tpu.memory_space<vmem>> -> memref<64x128xf32, #tpu.memory_space<vmem>>
        tpu.wait_dma2 semaphore(%dma_wait3A_1328 : memref<!tpu.dma_semaphore, #tpu.memory_space<semaphore_mem>>) src(%dma_wait3A_1334 : memref<64x128xf32, #tpu.memory_space<vmem>>) dst(%dma_wait3A_1330 : memref<64x128xf32, #tpu.memory_space<hbm>>)
        %add3A_1335 = arith.constant 12 : i32
        %add3A_1336 = arith.addi %mul3A_634, %add3A_1335 : i32
        %add3A_1337 = arith.constant 5 : i32
        %add3A_1338 = arith.addi %add3A_1336, %add3A_1337 : i32
        %mul3A_1339 = arith.constant 64 : i32
        %mul3A_1340 = arith.muli %add3A_1338, %mul3A_1339 : i32
        %add3A_1341 = arith.constant 0 : i32
        %add3A_1342 = arith.addi %mul3A_1340, %add3A_1341 : i32
        %dma_start3A_1343 = arith.constant 5 : i32
        %dma_start3A_1344 = arith.constant 5 : i32
        %dma_start3A_1345 = arith.constant 0 : i32
        %dma_start3A_1346 = arith.constant 0 : i32
        %dma_start3A_1347 = tpu.memref_slice %arg7[%dma_start3A_1343, %dma_start3A_1345, %dma_start3A_1346] : memref<12x64x128xf32, #tpu.memory_space<vmem>> -> memref<1x64x128xf32, #tpu.memory_space<vmem>>
        %dma_start3A_1348 = tpu.memref_squeeze %dma_start3A_1347 : memref<1x64x128xf32, #tpu.memory_space<vmem>> -> memref<64x128xf32, #tpu.memory_space<vmem>>
        %dma_start3A_1349 = tpu.memref_slice %arg6[%add3A_1342] : memref<25600xi32, #tpu.memory_space<vmem>> -> memref<64xi32, #tpu.memory_space<vmem>>
        %dma_start3A_1350 = arith.constant 0 : i32
        %dma_start3A_1351 = arith.constant 0 : i32
        %dma_start3A_1352 = tpu.memref_slice %arg5[%dma_start3A_1350, %dma_start3A_1351] : memref<512x128xf32, #tpu.memory_space<vmem_shared>> -> memref<512x128xf32, #tpu.memory_space<vmem_shared>>
        %dma_start3A_1353 = tpu.memref_slice %arg9[%dma_start3A_1344] : memref<12x!tpu.dma_semaphore, #tpu.memory_space<semaphore_mem>> -> memref<1x!tpu.dma_semaphore, #tpu.memory_space<semaphore_mem>>
        %dma_start3A_1354 = tpu.memref_squeeze %dma_start3A_1353 : memref<1x!tpu.dma_semaphore, #tpu.memory_space<semaphore_mem>> -> memref<!tpu.dma_semaphore, #tpu.memory_space<semaphore_mem>>
        tpu.enqueue_indirect_dma source(%dma_start3A_1352 : memref<512x128xf32, #tpu.memory_space<vmem_shared>>) target(%dma_start3A_1348 : memref<64x128xf32, #tpu.memory_space<vmem>>) offsets(%dma_start3A_1349 : memref<64xi32, #tpu.memory_space<vmem>>) semaphore(%dma_start3A_1354 : memref<!tpu.dma_semaphore, #tpu.memory_space<semaphore_mem>>)
        %add3A_1355 = arith.constant 6 : i32
        %add3A_1356 = arith.addi %mul3A_634, %add3A_1355 : i32
        %mul3A_1357 = arith.constant 64 : i32
        %mul3A_1358 = arith.muli %add3A_1356, %mul3A_1357 : i32
        %add3A_1359 = arith.addi %mul3A_2, %mul3A_1358 : i32
        %dma_wait3A_1360 = arith.constant 6 : i32
        %dma_wait3A_1361 = arith.constant 6 : i32
        %dma_wait3A_1362 = arith.constant 0 : i32
        %dma_wait3A_1363 = arith.constant 0 : i32
        %dma_wait3A_1364 = tpu.memref_slice %arg7[%dma_wait3A_1360, %dma_wait3A_1362, %dma_wait3A_1363] : memref<12x64x128xf32, #tpu.memory_space<vmem>> -> memref<1x64x128xf32, #tpu.memory_space<vmem>>
        %dma_wait3A_1365 = tpu.memref_squeeze %dma_wait3A_1364 : memref<1x64x128xf32, #tpu.memory_space<vmem>> -> memref<64x128xf32, #tpu.memory_space<vmem>>
        %dma_wait3A_1366 = arith.constant 0 : i32
        %dma_wait3A_1367 = tpu.memref_slice %arg4[%add3A_1359, %dma_wait3A_1366] : memref<819200x128xf32, #tpu.memory_space<hbm>> -> memref<64x128xf32, #tpu.memory_space<hbm>>
        %dma_wait3A_1368 = tpu.memref_slice %arg10[%dma_wait3A_1361] : memref<12x!tpu.dma_semaphore, #tpu.memory_space<semaphore_mem>> -> memref<1x!tpu.dma_semaphore, #tpu.memory_space<semaphore_mem>>
        %dma_wait3A_1369 = tpu.memref_squeeze %dma_wait3A_1368 : memref<1x!tpu.dma_semaphore, #tpu.memory_space<semaphore_mem>> -> memref<!tpu.dma_semaphore, #tpu.memory_space<semaphore_mem>>
        %dma_wait3A_1370 = arith.constant 0 : i32
        %dma_wait3A_1371 = tpu.memref_slice %arg4[%add3A_1359, %dma_wait3A_1370] : memref<819200x128xf32, #tpu.memory_space<hbm>> -> memref<64x128xf32, #tpu.memory_space<hbm>>
        %dma_wait3A_1372 = arith.constant 0 : i32
        %dma_wait3A_1373 = arith.constant 0 : i32
        %dma_wait3A_1374 = tpu.memref_slice %arg7[%dma_wait3A_1360, %dma_wait3A_1372, %dma_wait3A_1373] : memref<12x64x128xf32, #tpu.memory_space<vmem>> -> memref<1x64x128xf32, #tpu.memory_space<vmem>>
        %dma_wait3A_1375 = tpu.memref_squeeze %dma_wait3A_1374 : memref<1x64x128xf32, #tpu.memory_space<vmem>> -> memref<64x128xf32, #tpu.memory_space<vmem>>
        tpu.wait_dma2 semaphore(%dma_wait3A_1369 : memref<!tpu.dma_semaphore, #tpu.memory_space<semaphore_mem>>) src(%dma_wait3A_1375 : memref<64x128xf32, #tpu.memory_space<vmem>>) dst(%dma_wait3A_1371 : memref<64x128xf32, #tpu.memory_space<hbm>>)
        %add3A_1376 = arith.constant 12 : i32
        %add3A_1377 = arith.addi %mul3A_634, %add3A_1376 : i32
        %add3A_1378 = arith.constant 6 : i32
        %add3A_1379 = arith.addi %add3A_1377, %add3A_1378 : i32
        %mul3A_1380 = arith.constant 64 : i32
        %mul3A_1381 = arith.muli %add3A_1379, %mul3A_1380 : i32
        %add3A_1382 = arith.constant 0 : i32
        %add3A_1383 = arith.addi %mul3A_1381, %add3A_1382 : i32
        %dma_start3A_1384 = arith.constant 6 : i32
        %dma_start3A_1385 = arith.constant 6 : i32
        %dma_start3A_1386 = arith.constant 0 : i32
        %dma_start3A_1387 = arith.constant 0 : i32
        %dma_start3A_1388 = tpu.memref_slice %arg7[%dma_start3A_1384, %dma_start3A_1386, %dma_start3A_1387] : memref<12x64x128xf32, #tpu.memory_space<vmem>> -> memref<1x64x128xf32, #tpu.memory_space<vmem>>
        %dma_start3A_1389 = tpu.memref_squeeze %dma_start3A_1388 : memref<1x64x128xf32, #tpu.memory_space<vmem>> -> memref<64x128xf32, #tpu.memory_space<vmem>>
        %dma_start3A_1390 = tpu.memref_slice %arg6[%add3A_1383] : memref<25600xi32, #tpu.memory_space<vmem>> -> memref<64xi32, #tpu.memory_space<vmem>>
        %dma_start3A_1391 = arith.constant 0 : i32
        %dma_start3A_1392 = arith.constant 0 : i32
        %dma_start3A_1393 = tpu.memref_slice %arg5[%dma_start3A_1391, %dma_start3A_1392] : memref<512x128xf32, #tpu.memory_space<vmem_shared>> -> memref<512x128xf32, #tpu.memory_space<vmem_shared>>
        %dma_start3A_1394 = tpu.memref_slice %arg9[%dma_start3A_1385] : memref<12x!tpu.dma_semaphore, #tpu.memory_space<semaphore_mem>> -> memref<1x!tpu.dma_semaphore, #tpu.memory_space<semaphore_mem>>
        %dma_start3A_1395 = tpu.memref_squeeze %dma_start3A_1394 : memref<1x!tpu.dma_semaphore, #tpu.memory_space<semaphore_mem>> -> memref<!tpu.dma_semaphore, #tpu.memory_space<semaphore_mem>>
        tpu.enqueue_indirect_dma source(%dma_start3A_1393 : memref<512x128xf32, #tpu.memory_space<vmem_shared>>) target(%dma_start3A_1389 : memref<64x128xf32, #tpu.memory_space<vmem>>) offsets(%dma_start3A_1390 : memref<64xi32, #tpu.memory_space<vmem>>) semaphore(%dma_start3A_1395 : memref<!tpu.dma_semaphore, #tpu.memory_space<semaphore_mem>>)
        %add3A_1396 = arith.constant 7 : i32
        %add3A_1397 = arith.addi %mul3A_634, %add3A_1396 : i32
        %mul3A_1398 = arith.constant 64 : i32
        %mul3A_1399 = arith.muli %add3A_1397, %mul3A_1398 : i32
        %add3A_1400 = arith.addi %mul3A_2, %mul3A_1399 : i32
        %dma_wait3A_1401 = arith.constant 7 : i32
        %dma_wait3A_1402 = arith.constant 7 : i32
        %dma_wait3A_1403 = arith.constant 0 : i32
        %dma_wait3A_1404 = arith.constant 0 : i32
        %dma_wait3A_1405 = tpu.memref_slice %arg7[%dma_wait3A_1401, %dma_wait3A_1403, %dma_wait3A_1404] : memref<12x64x128xf32, #tpu.memory_space<vmem>> -> memref<1x64x128xf32, #tpu.memory_space<vmem>>
        %dma_wait3A_1406 = tpu.memref_squeeze %dma_wait3A_1405 : memref<1x64x128xf32, #tpu.memory_space<vmem>> -> memref<64x128xf32, #tpu.memory_space<vmem>>
        %dma_wait3A_1407 = arith.constant 0 : i32
        %dma_wait3A_1408 = tpu.memref_slice %arg4[%add3A_1400, %dma_wait3A_1407] : memref<819200x128xf32, #tpu.memory_space<hbm>> -> memref<64x128xf32, #tpu.memory_space<hbm>>
        %dma_wait3A_1409 = tpu.memref_slice %arg10[%dma_wait3A_1402] : memref<12x!tpu.dma_semaphore, #tpu.memory_space<semaphore_mem>> -> memref<1x!tpu.dma_semaphore, #tpu.memory_space<semaphore_mem>>
        %dma_wait3A_1410 = tpu.memref_squeeze %dma_wait3A_1409 : memref<1x!tpu.dma_semaphore, #tpu.memory_space<semaphore_mem>> -> memref<!tpu.dma_semaphore, #tpu.memory_space<semaphore_mem>>
        %dma_wait3A_1411 = arith.constant 0 : i32
        %dma_wait3A_1412 = tpu.memref_slice %arg4[%add3A_1400, %dma_wait3A_1411] : memref<819200x128xf32, #tpu.memory_space<hbm>> -> memref<64x128xf32, #tpu.memory_space<hbm>>
        %dma_wait3A_1413 = arith.constant 0 : i32
        %dma_wait3A_1414 = arith.constant 0 : i32
        %dma_wait3A_1415 = tpu.memref_slice %arg7[%dma_wait3A_1401, %dma_wait3A_1413, %dma_wait3A_1414] : memref<12x64x128xf32, #tpu.memory_space<vmem>> -> memref<1x64x128xf32, #tpu.memory_space<vmem>>
        %dma_wait3A_1416 = tpu.memref_squeeze %dma_wait3A_1415 : memref<1x64x128xf32, #tpu.memory_space<vmem>> -> memref<64x128xf32, #tpu.memory_space<vmem>>
        tpu.wait_dma2 semaphore(%dma_wait3A_1410 : memref<!tpu.dma_semaphore, #tpu.memory_space<semaphore_mem>>) src(%dma_wait3A_1416 : memref<64x128xf32, #tpu.memory_space<vmem>>) dst(%dma_wait3A_1412 : memref<64x128xf32, #tpu.memory_space<hbm>>)
        %add3A_1417 = arith.constant 12 : i32
        %add3A_1418 = arith.addi %mul3A_634, %add3A_1417 : i32
        %add3A_1419 = arith.constant 7 : i32
        %add3A_1420 = arith.addi %add3A_1418, %add3A_1419 : i32
        %mul3A_1421 = arith.constant 64 : i32
        %mul3A_1422 = arith.muli %add3A_1420, %mul3A_1421 : i32
        %add3A_1423 = arith.constant 0 : i32
        %add3A_1424 = arith.addi %mul3A_1422, %add3A_1423 : i32
        %dma_start3A_1425 = arith.constant 7 : i32
        %dma_start3A_1426 = arith.constant 7 : i32
        %dma_start3A_1427 = arith.constant 0 : i32
        %dma_start3A_1428 = arith.constant 0 : i32
        %dma_start3A_1429 = tpu.memref_slice %arg7[%dma_start3A_1425, %dma_start3A_1427, %dma_start3A_1428] : memref<12x64x128xf32, #tpu.memory_space<vmem>> -> memref<1x64x128xf32, #tpu.memory_space<vmem>>
        %dma_start3A_1430 = tpu.memref_squeeze %dma_start3A_1429 : memref<1x64x128xf32, #tpu.memory_space<vmem>> -> memref<64x128xf32, #tpu.memory_space<vmem>>
        %dma_start3A_1431 = tpu.memref_slice %arg6[%add3A_1424] : memref<25600xi32, #tpu.memory_space<vmem>> -> memref<64xi32, #tpu.memory_space<vmem>>
        %dma_start3A_1432 = arith.constant 0 : i32
        %dma_start3A_1433 = arith.constant 0 : i32
        %dma_start3A_1434 = tpu.memref_slice %arg5[%dma_start3A_1432, %dma_start3A_1433] : memref<512x128xf32, #tpu.memory_space<vmem_shared>> -> memref<512x128xf32, #tpu.memory_space<vmem_shared>>
        %dma_start3A_1435 = tpu.memref_slice %arg9[%dma_start3A_1426] : memref<12x!tpu.dma_semaphore, #tpu.memory_space<semaphore_mem>> -> memref<1x!tpu.dma_semaphore, #tpu.memory_space<semaphore_mem>>
        %dma_start3A_1436 = tpu.memref_squeeze %dma_start3A_1435 : memref<1x!tpu.dma_semaphore, #tpu.memory_space<semaphore_mem>> -> memref<!tpu.dma_semaphore, #tpu.memory_space<semaphore_mem>>
        tpu.enqueue_indirect_dma source(%dma_start3A_1434 : memref<512x128xf32, #tpu.memory_space<vmem_shared>>) target(%dma_start3A_1430 : memref<64x128xf32, #tpu.memory_space<vmem>>) offsets(%dma_start3A_1431 : memref<64xi32, #tpu.memory_space<vmem>>) semaphore(%dma_start3A_1436 : memref<!tpu.dma_semaphore, #tpu.memory_space<semaphore_mem>>)
        %add3A_1437 = arith.constant 8 : i32
        %add3A_1438 = arith.addi %mul3A_634, %add3A_1437 : i32
        %mul3A_1439 = arith.constant 64 : i32
        %mul3A_1440 = arith.muli %add3A_1438, %mul3A_1439 : i32
        %add3A_1441 = arith.addi %mul3A_2, %mul3A_1440 : i32
        %dma_wait3A_1442 = arith.constant 8 : i32
        %dma_wait3A_1443 = arith.constant 8 : i32
        %dma_wait3A_1444 = arith.constant 0 : i32
        %dma_wait3A_1445 = arith.constant 0 : i32
        %dma_wait3A_1446 = tpu.memref_slice %arg7[%dma_wait3A_1442, %dma_wait3A_1444, %dma_wait3A_1445] : memref<12x64x128xf32, #tpu.memory_space<vmem>> -> memref<1x64x128xf32, #tpu.memory_space<vmem>>
        %dma_wait3A_1447 = tpu.memref_squeeze %dma_wait3A_1446 : memref<1x64x128xf32, #tpu.memory_space<vmem>> -> memref<64x128xf32, #tpu.memory_space<vmem>>
        %dma_wait3A_1448 = arith.constant 0 : i32
        %dma_wait3A_1449 = tpu.memref_slice %arg4[%add3A_1441, %dma_wait3A_1448] : memref<819200x128xf32, #tpu.memory_space<hbm>> -> memref<64x128xf32, #tpu.memory_space<hbm>>
        %dma_wait3A_1450 = tpu.memref_slice %arg10[%dma_wait3A_1443] : memref<12x!tpu.dma_semaphore, #tpu.memory_space<semaphore_mem>> -> memref<1x!tpu.dma_semaphore, #tpu.memory_space<semaphore_mem>>
        %dma_wait3A_1451 = tpu.memref_squeeze %dma_wait3A_1450 : memref<1x!tpu.dma_semaphore, #tpu.memory_space<semaphore_mem>> -> memref<!tpu.dma_semaphore, #tpu.memory_space<semaphore_mem>>
        %dma_wait3A_1452 = arith.constant 0 : i32
        %dma_wait3A_1453 = tpu.memref_slice %arg4[%add3A_1441, %dma_wait3A_1452] : memref<819200x128xf32, #tpu.memory_space<hbm>> -> memref<64x128xf32, #tpu.memory_space<hbm>>
        %dma_wait3A_1454 = arith.constant 0 : i32
        %dma_wait3A_1455 = arith.constant 0 : i32
        %dma_wait3A_1456 = tpu.memref_slice %arg7[%dma_wait3A_1442, %dma_wait3A_1454, %dma_wait3A_1455] : memref<12x64x128xf32, #tpu.memory_space<vmem>> -> memref<1x64x128xf32, #tpu.memory_space<vmem>>
        %dma_wait3A_1457 = tpu.memref_squeeze %dma_wait3A_1456 : memref<1x64x128xf32, #tpu.memory_space<vmem>> -> memref<64x128xf32, #tpu.memory_space<vmem>>
        tpu.wait_dma2 semaphore(%dma_wait3A_1451 : memref<!tpu.dma_semaphore, #tpu.memory_space<semaphore_mem>>) src(%dma_wait3A_1457 : memref<64x128xf32, #tpu.memory_space<vmem>>) dst(%dma_wait3A_1453 : memref<64x128xf32, #tpu.memory_space<hbm>>)
        %add3A_1458 = arith.constant 12 : i32
        %add3A_1459 = arith.addi %mul3A_634, %add3A_1458 : i32
        %add3A_1460 = arith.constant 8 : i32
        %add3A_1461 = arith.addi %add3A_1459, %add3A_1460 : i32
        %mul3A_1462 = arith.constant 64 : i32
        %mul3A_1463 = arith.muli %add3A_1461, %mul3A_1462 : i32
        %add3A_1464 = arith.constant 0 : i32
        %add3A_1465 = arith.addi %mul3A_1463, %add3A_1464 : i32
        %dma_start3A_1466 = arith.constant 8 : i32
        %dma_start3A_1467 = arith.constant 8 : i32
        %dma_start3A_1468 = arith.constant 0 : i32
        %dma_start3A_1469 = arith.constant 0 : i32
        %dma_start3A_1470 = tpu.memref_slice %arg7[%dma_start3A_1466, %dma_start3A_1468, %dma_start3A_1469] : memref<12x64x128xf32, #tpu.memory_space<vmem>> -> memref<1x64x128xf32, #tpu.memory_space<vmem>>
        %dma_start3A_1471 = tpu.memref_squeeze %dma_start3A_1470 : memref<1x64x128xf32, #tpu.memory_space<vmem>> -> memref<64x128xf32, #tpu.memory_space<vmem>>
        %dma_start3A_1472 = tpu.memref_slice %arg6[%add3A_1465] : memref<25600xi32, #tpu.memory_space<vmem>> -> memref<64xi32, #tpu.memory_space<vmem>>
        %dma_start3A_1473 = arith.constant 0 : i32
        %dma_start3A_1474 = arith.constant 0 : i32
        %dma_start3A_1475 = tpu.memref_slice %arg5[%dma_start3A_1473, %dma_start3A_1474] : memref<512x128xf32, #tpu.memory_space<vmem_shared>> -> memref<512x128xf32, #tpu.memory_space<vmem_shared>>
        %dma_start3A_1476 = tpu.memref_slice %arg9[%dma_start3A_1467] : memref<12x!tpu.dma_semaphore, #tpu.memory_space<semaphore_mem>> -> memref<1x!tpu.dma_semaphore, #tpu.memory_space<semaphore_mem>>
        %dma_start3A_1477 = tpu.memref_squeeze %dma_start3A_1476 : memref<1x!tpu.dma_semaphore, #tpu.memory_space<semaphore_mem>> -> memref<!tpu.dma_semaphore, #tpu.memory_space<semaphore_mem>>
        tpu.enqueue_indirect_dma source(%dma_start3A_1475 : memref<512x128xf32, #tpu.memory_space<vmem_shared>>) target(%dma_start3A_1471 : memref<64x128xf32, #tpu.memory_space<vmem>>) offsets(%dma_start3A_1472 : memref<64xi32, #tpu.memory_space<vmem>>) semaphore(%dma_start3A_1477 : memref<!tpu.dma_semaphore, #tpu.memory_space<semaphore_mem>>)
        %add3A_1478 = arith.constant 9 : i32
        %add3A_1479 = arith.addi %mul3A_634, %add3A_1478 : i32
        %mul3A_1480 = arith.constant 64 : i32
        %mul3A_1481 = arith.muli %add3A_1479, %mul3A_1480 : i32
        %add3A_1482 = arith.addi %mul3A_2, %mul3A_1481 : i32
        %dma_wait3A_1483 = arith.constant 9 : i32
        %dma_wait3A_1484 = arith.constant 9 : i32
        %dma_wait3A_1485 = arith.constant 0 : i32
        %dma_wait3A_1486 = arith.constant 0 : i32
        %dma_wait3A_1487 = tpu.memref_slice %arg7[%dma_wait3A_1483, %dma_wait3A_1485, %dma_wait3A_1486] : memref<12x64x128xf32, #tpu.memory_space<vmem>> -> memref<1x64x128xf32, #tpu.memory_space<vmem>>
        %dma_wait3A_1488 = tpu.memref_squeeze %dma_wait3A_1487 : memref<1x64x128xf32, #tpu.memory_space<vmem>> -> memref<64x128xf32, #tpu.memory_space<vmem>>
        %dma_wait3A_1489 = arith.constant 0 : i32
        %dma_wait3A_1490 = tpu.memref_slice %arg4[%add3A_1482, %dma_wait3A_1489] : memref<819200x128xf32, #tpu.memory_space<hbm>> -> memref<64x128xf32, #tpu.memory_space<hbm>>
        %dma_wait3A_1491 = tpu.memref_slice %arg10[%dma_wait3A_1484] : memref<12x!tpu.dma_semaphore, #tpu.memory_space<semaphore_mem>> -> memref<1x!tpu.dma_semaphore, #tpu.memory_space<semaphore_mem>>
        %dma_wait3A_1492 = tpu.memref_squeeze %dma_wait3A_1491 : memref<1x!tpu.dma_semaphore, #tpu.memory_space<semaphore_mem>> -> memref<!tpu.dma_semaphore, #tpu.memory_space<semaphore_mem>>
        %dma_wait3A_1493 = arith.constant 0 : i32
        %dma_wait3A_1494 = tpu.memref_slice %arg4[%add3A_1482, %dma_wait3A_1493] : memref<819200x128xf32, #tpu.memory_space<hbm>> -> memref<64x128xf32, #tpu.memory_space<hbm>>
        %dma_wait3A_1495 = arith.constant 0 : i32
        %dma_wait3A_1496 = arith.constant 0 : i32
        %dma_wait3A_1497 = tpu.memref_slice %arg7[%dma_wait3A_1483, %dma_wait3A_1495, %dma_wait3A_1496] : memref<12x64x128xf32, #tpu.memory_space<vmem>> -> memref<1x64x128xf32, #tpu.memory_space<vmem>>
        %dma_wait3A_1498 = tpu.memref_squeeze %dma_wait3A_1497 : memref<1x64x128xf32, #tpu.memory_space<vmem>> -> memref<64x128xf32, #tpu.memory_space<vmem>>
        tpu.wait_dma2 semaphore(%dma_wait3A_1492 : memref<!tpu.dma_semaphore, #tpu.memory_space<semaphore_mem>>) src(%dma_wait3A_1498 : memref<64x128xf32, #tpu.memory_space<vmem>>) dst(%dma_wait3A_1494 : memref<64x128xf32, #tpu.memory_space<hbm>>)
        %add3A_1499 = arith.constant 12 : i32
        %add3A_1500 = arith.addi %mul3A_634, %add3A_1499 : i32
        %add3A_1501 = arith.constant 9 : i32
        %add3A_1502 = arith.addi %add3A_1500, %add3A_1501 : i32
        %mul3A_1503 = arith.constant 64 : i32
        %mul3A_1504 = arith.muli %add3A_1502, %mul3A_1503 : i32
        %add3A_1505 = arith.constant 0 : i32
        %add3A_1506 = arith.addi %mul3A_1504, %add3A_1505 : i32
        %dma_start3A_1507 = arith.constant 9 : i32
        %dma_start3A_1508 = arith.constant 9 : i32
        %dma_start3A_1509 = arith.constant 0 : i32
        %dma_start3A_1510 = arith.constant 0 : i32
        %dma_start3A_1511 = tpu.memref_slice %arg7[%dma_start3A_1507, %dma_start3A_1509, %dma_start3A_1510] : memref<12x64x128xf32, #tpu.memory_space<vmem>> -> memref<1x64x128xf32, #tpu.memory_space<vmem>>
        %dma_start3A_1512 = tpu.memref_squeeze %dma_start3A_1511 : memref<1x64x128xf32, #tpu.memory_space<vmem>> -> memref<64x128xf32, #tpu.memory_space<vmem>>
        %dma_start3A_1513 = tpu.memref_slice %arg6[%add3A_1506] : memref<25600xi32, #tpu.memory_space<vmem>> -> memref<64xi32, #tpu.memory_space<vmem>>
        %dma_start3A_1514 = arith.constant 0 : i32
        %dma_start3A_1515 = arith.constant 0 : i32
        %dma_start3A_1516 = tpu.memref_slice %arg5[%dma_start3A_1514, %dma_start3A_1515] : memref<512x128xf32, #tpu.memory_space<vmem_shared>> -> memref<512x128xf32, #tpu.memory_space<vmem_shared>>
        %dma_start3A_1517 = tpu.memref_slice %arg9[%dma_start3A_1508] : memref<12x!tpu.dma_semaphore, #tpu.memory_space<semaphore_mem>> -> memref<1x!tpu.dma_semaphore, #tpu.memory_space<semaphore_mem>>
        %dma_start3A_1518 = tpu.memref_squeeze %dma_start3A_1517 : memref<1x!tpu.dma_semaphore, #tpu.memory_space<semaphore_mem>> -> memref<!tpu.dma_semaphore, #tpu.memory_space<semaphore_mem>>
        tpu.enqueue_indirect_dma source(%dma_start3A_1516 : memref<512x128xf32, #tpu.memory_space<vmem_shared>>) target(%dma_start3A_1512 : memref<64x128xf32, #tpu.memory_space<vmem>>) offsets(%dma_start3A_1513 : memref<64xi32, #tpu.memory_space<vmem>>) semaphore(%dma_start3A_1518 : memref<!tpu.dma_semaphore, #tpu.memory_space<semaphore_mem>>)
        %add3A_1519 = arith.constant 10 : i32
        %add3A_1520 = arith.addi %mul3A_634, %add3A_1519 : i32
        %mul3A_1521 = arith.constant 64 : i32
        %mul3A_1522 = arith.muli %add3A_1520, %mul3A_1521 : i32
        %add3A_1523 = arith.addi %mul3A_2, %mul3A_1522 : i32
        %dma_wait3A_1524 = arith.constant 10 : i32
        %dma_wait3A_1525 = arith.constant 10 : i32
        %dma_wait3A_1526 = arith.constant 0 : i32
        %dma_wait3A_1527 = arith.constant 0 : i32
        %dma_wait3A_1528 = tpu.memref_slice %arg7[%dma_wait3A_1524, %dma_wait3A_1526, %dma_wait3A_1527] : memref<12x64x128xf32, #tpu.memory_space<vmem>> -> memref<1x64x128xf32, #tpu.memory_space<vmem>>
        %dma_wait3A_1529 = tpu.memref_squeeze %dma_wait3A_1528 : memref<1x64x128xf32, #tpu.memory_space<vmem>> -> memref<64x128xf32, #tpu.memory_space<vmem>>
        %dma_wait3A_1530 = arith.constant 0 : i32
        %dma_wait3A_1531 = tpu.memref_slice %arg4[%add3A_1523, %dma_wait3A_1530] : memref<819200x128xf32, #tpu.memory_space<hbm>> -> memref<64x128xf32, #tpu.memory_space<hbm>>
        %dma_wait3A_1532 = tpu.memref_slice %arg10[%dma_wait3A_1525] : memref<12x!tpu.dma_semaphore, #tpu.memory_space<semaphore_mem>> -> memref<1x!tpu.dma_semaphore, #tpu.memory_space<semaphore_mem>>
        %dma_wait3A_1533 = tpu.memref_squeeze %dma_wait3A_1532 : memref<1x!tpu.dma_semaphore, #tpu.memory_space<semaphore_mem>> -> memref<!tpu.dma_semaphore, #tpu.memory_space<semaphore_mem>>
        %dma_wait3A_1534 = arith.constant 0 : i32
        %dma_wait3A_1535 = tpu.memref_slice %arg4[%add3A_1523, %dma_wait3A_1534] : memref<819200x128xf32, #tpu.memory_space<hbm>> -> memref<64x128xf32, #tpu.memory_space<hbm>>
        %dma_wait3A_1536 = arith.constant 0 : i32
        %dma_wait3A_1537 = arith.constant 0 : i32
        %dma_wait3A_1538 = tpu.memref_slice %arg7[%dma_wait3A_1524, %dma_wait3A_1536, %dma_wait3A_1537] : memref<12x64x128xf32, #tpu.memory_space<vmem>> -> memref<1x64x128xf32, #tpu.memory_space<vmem>>
        %dma_wait3A_1539 = tpu.memref_squeeze %dma_wait3A_1538 : memref<1x64x128xf32, #tpu.memory_space<vmem>> -> memref<64x128xf32, #tpu.memory_space<vmem>>
        tpu.wait_dma2 semaphore(%dma_wait3A_1533 : memref<!tpu.dma_semaphore, #tpu.memory_space<semaphore_mem>>) src(%dma_wait3A_1539 : memref<64x128xf32, #tpu.memory_space<vmem>>) dst(%dma_wait3A_1535 : memref<64x128xf32, #tpu.memory_space<hbm>>)
        %add3A_1540 = arith.constant 12 : i32
        %add3A_1541 = arith.addi %mul3A_634, %add3A_1540 : i32
        %add3A_1542 = arith.constant 10 : i32
        %add3A_1543 = arith.addi %add3A_1541, %add3A_1542 : i32
        %mul3A_1544 = arith.constant 64 : i32
        %mul3A_1545 = arith.muli %add3A_1543, %mul3A_1544 : i32
        %add3A_1546 = arith.constant 0 : i32
        %add3A_1547 = arith.addi %mul3A_1545, %add3A_1546 : i32
        %dma_start3A_1548 = arith.constant 10 : i32
        %dma_start3A_1549 = arith.constant 10 : i32
        %dma_start3A_1550 = arith.constant 0 : i32
        %dma_start3A_1551 = arith.constant 0 : i32
        %dma_start3A_1552 = tpu.memref_slice %arg7[%dma_start3A_1548, %dma_start3A_1550, %dma_start3A_1551] : memref<12x64x128xf32, #tpu.memory_space<vmem>> -> memref<1x64x128xf32, #tpu.memory_space<vmem>>
        %dma_start3A_1553 = tpu.memref_squeeze %dma_start3A_1552 : memref<1x64x128xf32, #tpu.memory_space<vmem>> -> memref<64x128xf32, #tpu.memory_space<vmem>>
        %dma_start3A_1554 = tpu.memref_slice %arg6[%add3A_1547] : memref<25600xi32, #tpu.memory_space<vmem>> -> memref<64xi32, #tpu.memory_space<vmem>>
        %dma_start3A_1555 = arith.constant 0 : i32
        %dma_start3A_1556 = arith.constant 0 : i32
        %dma_start3A_1557 = tpu.memref_slice %arg5[%dma_start3A_1555, %dma_start3A_1556] : memref<512x128xf32, #tpu.memory_space<vmem_shared>> -> memref<512x128xf32, #tpu.memory_space<vmem_shared>>
        %dma_start3A_1558 = tpu.memref_slice %arg9[%dma_start3A_1549] : memref<12x!tpu.dma_semaphore, #tpu.memory_space<semaphore_mem>> -> memref<1x!tpu.dma_semaphore, #tpu.memory_space<semaphore_mem>>
        %dma_start3A_1559 = tpu.memref_squeeze %dma_start3A_1558 : memref<1x!tpu.dma_semaphore, #tpu.memory_space<semaphore_mem>> -> memref<!tpu.dma_semaphore, #tpu.memory_space<semaphore_mem>>
        tpu.enqueue_indirect_dma source(%dma_start3A_1557 : memref<512x128xf32, #tpu.memory_space<vmem_shared>>) target(%dma_start3A_1553 : memref<64x128xf32, #tpu.memory_space<vmem>>) offsets(%dma_start3A_1554 : memref<64xi32, #tpu.memory_space<vmem>>) semaphore(%dma_start3A_1559 : memref<!tpu.dma_semaphore, #tpu.memory_space<semaphore_mem>>)
        %add3A_1560 = arith.constant 11 : i32
        %add3A_1561 = arith.addi %mul3A_634, %add3A_1560 : i32
        %mul3A_1562 = arith.constant 64 : i32
        %mul3A_1563 = arith.muli %add3A_1561, %mul3A_1562 : i32
        %add3A_1564 = arith.addi %mul3A_2, %mul3A_1563 : i32
        %dma_wait3A_1565 = arith.constant 11 : i32
        %dma_wait3A_1566 = arith.constant 11 : i32
        %dma_wait3A_1567 = arith.constant 0 : i32
        %dma_wait3A_1568 = arith.constant 0 : i32
        %dma_wait3A_1569 = tpu.memref_slice %arg7[%dma_wait3A_1565, %dma_wait3A_1567, %dma_wait3A_1568] : memref<12x64x128xf32, #tpu.memory_space<vmem>> -> memref<1x64x128xf32, #tpu.memory_space<vmem>>
        %dma_wait3A_1570 = tpu.memref_squeeze %dma_wait3A_1569 : memref<1x64x128xf32, #tpu.memory_space<vmem>> -> memref<64x128xf32, #tpu.memory_space<vmem>>
        %dma_wait3A_1571 = arith.constant 0 : i32
        %dma_wait3A_1572 = tpu.memref_slice %arg4[%add3A_1564, %dma_wait3A_1571] : memref<819200x128xf32, #tpu.memory_space<hbm>> -> memref<64x128xf32, #tpu.memory_space<hbm>>
        %dma_wait3A_1573 = tpu.memref_slice %arg10[%dma_wait3A_1566] : memref<12x!tpu.dma_semaphore, #tpu.memory_space<semaphore_mem>> -> memref<1x!tpu.dma_semaphore, #tpu.memory_space<semaphore_mem>>
        %dma_wait3A_1574 = tpu.memref_squeeze %dma_wait3A_1573 : memref<1x!tpu.dma_semaphore, #tpu.memory_space<semaphore_mem>> -> memref<!tpu.dma_semaphore, #tpu.memory_space<semaphore_mem>>
        %dma_wait3A_1575 = arith.constant 0 : i32
        %dma_wait3A_1576 = tpu.memref_slice %arg4[%add3A_1564, %dma_wait3A_1575] : memref<819200x128xf32, #tpu.memory_space<hbm>> -> memref<64x128xf32, #tpu.memory_space<hbm>>
        %dma_wait3A_1577 = arith.constant 0 : i32
        %dma_wait3A_1578 = arith.constant 0 : i32
        %dma_wait3A_1579 = tpu.memref_slice %arg7[%dma_wait3A_1565, %dma_wait3A_1577, %dma_wait3A_1578] : memref<12x64x128xf32, #tpu.memory_space<vmem>> -> memref<1x64x128xf32, #tpu.memory_space<vmem>>
        %dma_wait3A_1580 = tpu.memref_squeeze %dma_wait3A_1579 : memref<1x64x128xf32, #tpu.memory_space<vmem>> -> memref<64x128xf32, #tpu.memory_space<vmem>>
        tpu.wait_dma2 semaphore(%dma_wait3A_1574 : memref<!tpu.dma_semaphore, #tpu.memory_space<semaphore_mem>>) src(%dma_wait3A_1580 : memref<64x128xf32, #tpu.memory_space<vmem>>) dst(%dma_wait3A_1576 : memref<64x128xf32, #tpu.memory_space<hbm>>)
        %add3A_1581 = arith.constant 12 : i32
        %add3A_1582 = arith.addi %mul3A_634, %add3A_1581 : i32
        %add3A_1583 = arith.constant 11 : i32
        %add3A_1584 = arith.addi %add3A_1582, %add3A_1583 : i32
        %mul3A_1585 = arith.constant 64 : i32
        %mul3A_1586 = arith.muli %add3A_1584, %mul3A_1585 : i32
        %add3A_1587 = arith.constant 0 : i32
        %add3A_1588 = arith.addi %mul3A_1586, %add3A_1587 : i32
        %dma_start3A_1589 = arith.constant 11 : i32
        %dma_start3A_1590 = arith.constant 11 : i32
        %dma_start3A_1591 = arith.constant 0 : i32
        %dma_start3A_1592 = arith.constant 0 : i32
        %dma_start3A_1593 = tpu.memref_slice %arg7[%dma_start3A_1589, %dma_start3A_1591, %dma_start3A_1592] : memref<12x64x128xf32, #tpu.memory_space<vmem>> -> memref<1x64x128xf32, #tpu.memory_space<vmem>>
        %dma_start3A_1594 = tpu.memref_squeeze %dma_start3A_1593 : memref<1x64x128xf32, #tpu.memory_space<vmem>> -> memref<64x128xf32, #tpu.memory_space<vmem>>
        %dma_start3A_1595 = tpu.memref_slice %arg6[%add3A_1588] : memref<25600xi32, #tpu.memory_space<vmem>> -> memref<64xi32, #tpu.memory_space<vmem>>
        %dma_start3A_1596 = arith.constant 0 : i32
        %dma_start3A_1597 = arith.constant 0 : i32
        %dma_start3A_1598 = tpu.memref_slice %arg5[%dma_start3A_1596, %dma_start3A_1597] : memref<512x128xf32, #tpu.memory_space<vmem_shared>> -> memref<512x128xf32, #tpu.memory_space<vmem_shared>>
        %dma_start3A_1599 = tpu.memref_slice %arg9[%dma_start3A_1590] : memref<12x!tpu.dma_semaphore, #tpu.memory_space<semaphore_mem>> -> memref<1x!tpu.dma_semaphore, #tpu.memory_space<semaphore_mem>>
        %dma_start3A_1600 = tpu.memref_squeeze %dma_start3A_1599 : memref<1x!tpu.dma_semaphore, #tpu.memory_space<semaphore_mem>> -> memref<!tpu.dma_semaphore, #tpu.memory_space<semaphore_mem>>
        tpu.enqueue_indirect_dma source(%dma_start3A_1598 : memref<512x128xf32, #tpu.memory_space<vmem_shared>>) target(%dma_start3A_1594 : memref<64x128xf32, #tpu.memory_space<vmem>>) offsets(%dma_start3A_1595 : memref<64xi32, #tpu.memory_space<vmem>>) semaphore(%dma_start3A_1600 : memref<!tpu.dma_semaphore, #tpu.memory_space<semaphore_mem>>)
      } else {
      }
    }
    %scan3A_167 = arith.constant 33 : i32
    %add3A_168 = arith.constant 24576 : i32
    %add3A_169 = arith.addi %mul3A_2, %add3A_168 : i32
    %dma_wait3A_170 = arith.constant 0 : i32
    %dma_wait3A_171 = arith.constant 0 : i32
    %dma_wait3A_172 = arith.constant 0 : i32
    %dma_wait3A_173 = arith.constant 0 : i32
    %dma_wait3A_174 = tpu.memref_slice %arg7[%dma_wait3A_170, %dma_wait3A_172, %dma_wait3A_173] : memref<12x64x128xf32, #tpu.memory_space<vmem>> -> memref<1x64x128xf32, #tpu.memory_space<vmem>>
    %dma_wait3A_175 = tpu.memref_squeeze %dma_wait3A_174 : memref<1x64x128xf32, #tpu.memory_space<vmem>> -> memref<64x128xf32, #tpu.memory_space<vmem>>
    %dma_wait3A_176 = arith.constant 0 : i32
    %dma_wait3A_177 = tpu.memref_slice %arg4[%add3A_169, %dma_wait3A_176] : memref<819200x128xf32, #tpu.memory_space<hbm>> -> memref<64x128xf32, #tpu.memory_space<hbm>>
    %dma_wait3A_178 = tpu.memref_slice %arg10[%dma_wait3A_171] : memref<12x!tpu.dma_semaphore, #tpu.memory_space<semaphore_mem>> -> memref<1x!tpu.dma_semaphore, #tpu.memory_space<semaphore_mem>>
    %dma_wait3A_179 = tpu.memref_squeeze %dma_wait3A_178 : memref<1x!tpu.dma_semaphore, #tpu.memory_space<semaphore_mem>> -> memref<!tpu.dma_semaphore, #tpu.memory_space<semaphore_mem>>
    %dma_wait3A_180 = arith.constant 0 : i32
    %dma_wait3A_181 = tpu.memref_slice %arg4[%add3A_169, %dma_wait3A_180] : memref<819200x128xf32, #tpu.memory_space<hbm>> -> memref<64x128xf32, #tpu.memory_space<hbm>>
    %dma_wait3A_182 = arith.constant 0 : i32
    %dma_wait3A_183 = arith.constant 0 : i32
    %dma_wait3A_184 = tpu.memref_slice %arg7[%dma_wait3A_170, %dma_wait3A_182, %dma_wait3A_183] : memref<12x64x128xf32, #tpu.memory_space<vmem>> -> memref<1x64x128xf32, #tpu.memory_space<vmem>>
    %dma_wait3A_185 = tpu.memref_squeeze %dma_wait3A_184 : memref<1x64x128xf32, #tpu.memory_space<vmem>> -> memref<64x128xf32, #tpu.memory_space<vmem>>
    tpu.wait_dma2 semaphore(%dma_wait3A_179 : memref<!tpu.dma_semaphore, #tpu.memory_space<semaphore_mem>>) src(%dma_wait3A_185 : memref<64x128xf32, #tpu.memory_space<vmem>>) dst(%dma_wait3A_181 : memref<64x128xf32, #tpu.memory_space<hbm>>)
    %dma_start3A_186 = arith.constant 0 : i32
    %dma_start3A_187 = arith.constant 0 : i32
    %dma_start3A_188 = arith.constant 0 : i32
    %dma_start3A_189 = arith.constant 0 : i32
    %dma_start3A_190 = tpu.memref_slice %arg7[%dma_start3A_186, %dma_start3A_188, %dma_start3A_189] : memref<12x64x128xf32, #tpu.memory_space<vmem>> -> memref<1x64x128xf32, #tpu.memory_space<vmem>>
    %dma_start3A_191 = tpu.memref_squeeze %dma_start3A_190 : memref<1x64x128xf32, #tpu.memory_space<vmem>> -> memref<64x128xf32, #tpu.memory_space<vmem>>
    %dma_start3A_192 = arith.constant 25344 : i32
    %dma_start3A_193 = tpu.memref_slice %arg6[%dma_start3A_192] : memref<25600xi32, #tpu.memory_space<vmem>> -> memref<64xi32, #tpu.memory_space<vmem>>
    %dma_start3A_194 = arith.constant 0 : i32
    %dma_start3A_195 = arith.constant 0 : i32
    %dma_start3A_196 = tpu.memref_slice %arg5[%dma_start3A_194, %dma_start3A_195] : memref<512x128xf32, #tpu.memory_space<vmem_shared>> -> memref<512x128xf32, #tpu.memory_space<vmem_shared>>
    %dma_start3A_197 = tpu.memref_slice %arg9[%dma_start3A_187] : memref<12x!tpu.dma_semaphore, #tpu.memory_space<semaphore_mem>> -> memref<1x!tpu.dma_semaphore, #tpu.memory_space<semaphore_mem>>
    %dma_start3A_198 = tpu.memref_squeeze %dma_start3A_197 : memref<1x!tpu.dma_semaphore, #tpu.memory_space<semaphore_mem>> -> memref<!tpu.dma_semaphore, #tpu.memory_space<semaphore_mem>>
    tpu.enqueue_indirect_dma source(%dma_start3A_196 : memref<512x128xf32, #tpu.memory_space<vmem_shared>>) target(%dma_start3A_191 : memref<64x128xf32, #tpu.memory_space<vmem>>) offsets(%dma_start3A_193 : memref<64xi32, #tpu.memory_space<vmem>>) semaphore(%dma_start3A_198 : memref<!tpu.dma_semaphore, #tpu.memory_space<semaphore_mem>>)
    %add3A_199 = arith.constant 24640 : i32
    %add3A_200 = arith.addi %mul3A_2, %add3A_199 : i32
    %dma_wait3A_201 = arith.constant 1 : i32
    %dma_wait3A_202 = arith.constant 1 : i32
    %dma_wait3A_203 = arith.constant 0 : i32
    %dma_wait3A_204 = arith.constant 0 : i32
    %dma_wait3A_205 = tpu.memref_slice %arg7[%dma_wait3A_201, %dma_wait3A_203, %dma_wait3A_204] : memref<12x64x128xf32, #tpu.memory_space<vmem>> -> memref<1x64x128xf32, #tpu.memory_space<vmem>>
    %dma_wait3A_206 = tpu.memref_squeeze %dma_wait3A_205 : memref<1x64x128xf32, #tpu.memory_space<vmem>> -> memref<64x128xf32, #tpu.memory_space<vmem>>
    %dma_wait3A_207 = arith.constant 0 : i32
    %dma_wait3A_208 = tpu.memref_slice %arg4[%add3A_200, %dma_wait3A_207] : memref<819200x128xf32, #tpu.memory_space<hbm>> -> memref<64x128xf32, #tpu.memory_space<hbm>>
    %dma_wait3A_209 = tpu.memref_slice %arg10[%dma_wait3A_202] : memref<12x!tpu.dma_semaphore, #tpu.memory_space<semaphore_mem>> -> memref<1x!tpu.dma_semaphore, #tpu.memory_space<semaphore_mem>>
    %dma_wait3A_210 = tpu.memref_squeeze %dma_wait3A_209 : memref<1x!tpu.dma_semaphore, #tpu.memory_space<semaphore_mem>> -> memref<!tpu.dma_semaphore, #tpu.memory_space<semaphore_mem>>
    %dma_wait3A_211 = arith.constant 0 : i32
    %dma_wait3A_212 = tpu.memref_slice %arg4[%add3A_200, %dma_wait3A_211] : memref<819200x128xf32, #tpu.memory_space<hbm>> -> memref<64x128xf32, #tpu.memory_space<hbm>>
    %dma_wait3A_213 = arith.constant 0 : i32
    %dma_wait3A_214 = arith.constant 0 : i32
    %dma_wait3A_215 = tpu.memref_slice %arg7[%dma_wait3A_201, %dma_wait3A_213, %dma_wait3A_214] : memref<12x64x128xf32, #tpu.memory_space<vmem>> -> memref<1x64x128xf32, #tpu.memory_space<vmem>>
    %dma_wait3A_216 = tpu.memref_squeeze %dma_wait3A_215 : memref<1x64x128xf32, #tpu.memory_space<vmem>> -> memref<64x128xf32, #tpu.memory_space<vmem>>
    tpu.wait_dma2 semaphore(%dma_wait3A_210 : memref<!tpu.dma_semaphore, #tpu.memory_space<semaphore_mem>>) src(%dma_wait3A_216 : memref<64x128xf32, #tpu.memory_space<vmem>>) dst(%dma_wait3A_212 : memref<64x128xf32, #tpu.memory_space<hbm>>)
    %dma_start3A_217 = arith.constant 1 : i32
    %dma_start3A_218 = arith.constant 1 : i32
    %dma_start3A_219 = arith.constant 0 : i32
    %dma_start3A_220 = arith.constant 0 : i32
    %dma_start3A_221 = tpu.memref_slice %arg7[%dma_start3A_217, %dma_start3A_219, %dma_start3A_220] : memref<12x64x128xf32, #tpu.memory_space<vmem>> -> memref<1x64x128xf32, #tpu.memory_space<vmem>>
    %dma_start3A_222 = tpu.memref_squeeze %dma_start3A_221 : memref<1x64x128xf32, #tpu.memory_space<vmem>> -> memref<64x128xf32, #tpu.memory_space<vmem>>
    %dma_start3A_223 = arith.constant 25408 : i32
    %dma_start3A_224 = tpu.memref_slice %arg6[%dma_start3A_223] : memref<25600xi32, #tpu.memory_space<vmem>> -> memref<64xi32, #tpu.memory_space<vmem>>
    %dma_start3A_225 = arith.constant 0 : i32
    %dma_start3A_226 = arith.constant 0 : i32
    %dma_start3A_227 = tpu.memref_slice %arg5[%dma_start3A_225, %dma_start3A_226] : memref<512x128xf32, #tpu.memory_space<vmem_shared>> -> memref<512x128xf32, #tpu.memory_space<vmem_shared>>
    %dma_start3A_228 = tpu.memref_slice %arg9[%dma_start3A_218] : memref<12x!tpu.dma_semaphore, #tpu.memory_space<semaphore_mem>> -> memref<1x!tpu.dma_semaphore, #tpu.memory_space<semaphore_mem>>
    %dma_start3A_229 = tpu.memref_squeeze %dma_start3A_228 : memref<1x!tpu.dma_semaphore, #tpu.memory_space<semaphore_mem>> -> memref<!tpu.dma_semaphore, #tpu.memory_space<semaphore_mem>>
    tpu.enqueue_indirect_dma source(%dma_start3A_227 : memref<512x128xf32, #tpu.memory_space<vmem_shared>>) target(%dma_start3A_222 : memref<64x128xf32, #tpu.memory_space<vmem>>) offsets(%dma_start3A_224 : memref<64xi32, #tpu.memory_space<vmem>>) semaphore(%dma_start3A_229 : memref<!tpu.dma_semaphore, #tpu.memory_space<semaphore_mem>>)
    %add3A_230 = arith.constant 24704 : i32
    %add3A_231 = arith.addi %mul3A_2, %add3A_230 : i32
    %dma_wait3A_232 = arith.constant 2 : i32
    %dma_wait3A_233 = arith.constant 2 : i32
    %dma_wait3A_234 = arith.constant 0 : i32
    %dma_wait3A_235 = arith.constant 0 : i32
    %dma_wait3A_236 = tpu.memref_slice %arg7[%dma_wait3A_232, %dma_wait3A_234, %dma_wait3A_235] : memref<12x64x128xf32, #tpu.memory_space<vmem>> -> memref<1x64x128xf32, #tpu.memory_space<vmem>>
    %dma_wait3A_237 = tpu.memref_squeeze %dma_wait3A_236 : memref<1x64x128xf32, #tpu.memory_space<vmem>> -> memref<64x128xf32, #tpu.memory_space<vmem>>
    %dma_wait3A_238 = arith.constant 0 : i32
    %dma_wait3A_239 = tpu.memref_slice %arg4[%add3A_231, %dma_wait3A_238] : memref<819200x128xf32, #tpu.memory_space<hbm>> -> memref<64x128xf32, #tpu.memory_space<hbm>>
    %dma_wait3A_240 = tpu.memref_slice %arg10[%dma_wait3A_233] : memref<12x!tpu.dma_semaphore, #tpu.memory_space<semaphore_mem>> -> memref<1x!tpu.dma_semaphore, #tpu.memory_space<semaphore_mem>>
    %dma_wait3A_241 = tpu.memref_squeeze %dma_wait3A_240 : memref<1x!tpu.dma_semaphore, #tpu.memory_space<semaphore_mem>> -> memref<!tpu.dma_semaphore, #tpu.memory_space<semaphore_mem>>
    %dma_wait3A_242 = arith.constant 0 : i32
    %dma_wait3A_243 = tpu.memref_slice %arg4[%add3A_231, %dma_wait3A_242] : memref<819200x128xf32, #tpu.memory_space<hbm>> -> memref<64x128xf32, #tpu.memory_space<hbm>>
    %dma_wait3A_244 = arith.constant 0 : i32
    %dma_wait3A_245 = arith.constant 0 : i32
    %dma_wait3A_246 = tpu.memref_slice %arg7[%dma_wait3A_232, %dma_wait3A_244, %dma_wait3A_245] : memref<12x64x128xf32, #tpu.memory_space<vmem>> -> memref<1x64x128xf32, #tpu.memory_space<vmem>>
    %dma_wait3A_247 = tpu.memref_squeeze %dma_wait3A_246 : memref<1x64x128xf32, #tpu.memory_space<vmem>> -> memref<64x128xf32, #tpu.memory_space<vmem>>
    tpu.wait_dma2 semaphore(%dma_wait3A_241 : memref<!tpu.dma_semaphore, #tpu.memory_space<semaphore_mem>>) src(%dma_wait3A_247 : memref<64x128xf32, #tpu.memory_space<vmem>>) dst(%dma_wait3A_243 : memref<64x128xf32, #tpu.memory_space<hbm>>)
    %dma_start3A_248 = arith.constant 2 : i32
    %dma_start3A_249 = arith.constant 2 : i32
    %dma_start3A_250 = arith.constant 0 : i32
    %dma_start3A_251 = arith.constant 0 : i32
    %dma_start3A_252 = tpu.memref_slice %arg7[%dma_start3A_248, %dma_start3A_250, %dma_start3A_251] : memref<12x64x128xf32, #tpu.memory_space<vmem>> -> memref<1x64x128xf32, #tpu.memory_space<vmem>>
    %dma_start3A_253 = tpu.memref_squeeze %dma_start3A_252 : memref<1x64x128xf32, #tpu.memory_space<vmem>> -> memref<64x128xf32, #tpu.memory_space<vmem>>
    %dma_start3A_254 = arith.constant 25472 : i32
    %dma_start3A_255 = tpu.memref_slice %arg6[%dma_start3A_254] : memref<25600xi32, #tpu.memory_space<vmem>> -> memref<64xi32, #tpu.memory_space<vmem>>
    %dma_start3A_256 = arith.constant 0 : i32
    %dma_start3A_257 = arith.constant 0 : i32
    %dma_start3A_258 = tpu.memref_slice %arg5[%dma_start3A_256, %dma_start3A_257] : memref<512x128xf32, #tpu.memory_space<vmem_shared>> -> memref<512x128xf32, #tpu.memory_space<vmem_shared>>
    %dma_start3A_259 = tpu.memref_slice %arg9[%dma_start3A_249] : memref<12x!tpu.dma_semaphore, #tpu.memory_space<semaphore_mem>> -> memref<1x!tpu.dma_semaphore, #tpu.memory_space<semaphore_mem>>
    %dma_start3A_260 = tpu.memref_squeeze %dma_start3A_259 : memref<1x!tpu.dma_semaphore, #tpu.memory_space<semaphore_mem>> -> memref<!tpu.dma_semaphore, #tpu.memory_space<semaphore_mem>>
    tpu.enqueue_indirect_dma source(%dma_start3A_258 : memref<512x128xf32, #tpu.memory_space<vmem_shared>>) target(%dma_start3A_253 : memref<64x128xf32, #tpu.memory_space<vmem>>) offsets(%dma_start3A_255 : memref<64xi32, #tpu.memory_space<vmem>>) semaphore(%dma_start3A_260 : memref<!tpu.dma_semaphore, #tpu.memory_space<semaphore_mem>>)
    %add3A_261 = arith.constant 24768 : i32
    %add3A_262 = arith.addi %mul3A_2, %add3A_261 : i32
    %dma_wait3A_263 = arith.constant 3 : i32
    %dma_wait3A_264 = arith.constant 3 : i32
    %dma_wait3A_265 = arith.constant 0 : i32
    %dma_wait3A_266 = arith.constant 0 : i32
    %dma_wait3A_267 = tpu.memref_slice %arg7[%dma_wait3A_263, %dma_wait3A_265, %dma_wait3A_266] : memref<12x64x128xf32, #tpu.memory_space<vmem>> -> memref<1x64x128xf32, #tpu.memory_space<vmem>>
    %dma_wait3A_268 = tpu.memref_squeeze %dma_wait3A_267 : memref<1x64x128xf32, #tpu.memory_space<vmem>> -> memref<64x128xf32, #tpu.memory_space<vmem>>
    %dma_wait3A_269 = arith.constant 0 : i32
    %dma_wait3A_270 = tpu.memref_slice %arg4[%add3A_262, %dma_wait3A_269] : memref<819200x128xf32, #tpu.memory_space<hbm>> -> memref<64x128xf32, #tpu.memory_space<hbm>>
    %dma_wait3A_271 = tpu.memref_slice %arg10[%dma_wait3A_264] : memref<12x!tpu.dma_semaphore, #tpu.memory_space<semaphore_mem>> -> memref<1x!tpu.dma_semaphore, #tpu.memory_space<semaphore_mem>>
    %dma_wait3A_272 = tpu.memref_squeeze %dma_wait3A_271 : memref<1x!tpu.dma_semaphore, #tpu.memory_space<semaphore_mem>> -> memref<!tpu.dma_semaphore, #tpu.memory_space<semaphore_mem>>
    %dma_wait3A_273 = arith.constant 0 : i32
    %dma_wait3A_274 = tpu.memref_slice %arg4[%add3A_262, %dma_wait3A_273] : memref<819200x128xf32, #tpu.memory_space<hbm>> -> memref<64x128xf32, #tpu.memory_space<hbm>>
    %dma_wait3A_275 = arith.constant 0 : i32
    %dma_wait3A_276 = arith.constant 0 : i32
    %dma_wait3A_277 = tpu.memref_slice %arg7[%dma_wait3A_263, %dma_wait3A_275, %dma_wait3A_276] : memref<12x64x128xf32, #tpu.memory_space<vmem>> -> memref<1x64x128xf32, #tpu.memory_space<vmem>>
    %dma_wait3A_278 = tpu.memref_squeeze %dma_wait3A_277 : memref<1x64x128xf32, #tpu.memory_space<vmem>> -> memref<64x128xf32, #tpu.memory_space<vmem>>
    tpu.wait_dma2 semaphore(%dma_wait3A_272 : memref<!tpu.dma_semaphore, #tpu.memory_space<semaphore_mem>>) src(%dma_wait3A_278 : memref<64x128xf32, #tpu.memory_space<vmem>>) dst(%dma_wait3A_274 : memref<64x128xf32, #tpu.memory_space<hbm>>)
    %dma_start3A_279 = arith.constant 3 : i32
    %dma_start3A_280 = arith.constant 3 : i32
    %dma_start3A_281 = arith.constant 0 : i32
    %dma_start3A_282 = arith.constant 0 : i32
    %dma_start3A_283 = tpu.memref_slice %arg7[%dma_start3A_279, %dma_start3A_281, %dma_start3A_282] : memref<12x64x128xf32, #tpu.memory_space<vmem>> -> memref<1x64x128xf32, #tpu.memory_space<vmem>>
    %dma_start3A_284 = tpu.memref_squeeze %dma_start3A_283 : memref<1x64x128xf32, #tpu.memory_space<vmem>> -> memref<64x128xf32, #tpu.memory_space<vmem>>
    %dma_start3A_285 = arith.constant 25536 : i32
    %dma_start3A_286 = tpu.memref_slice %arg6[%dma_start3A_285] : memref<25600xi32, #tpu.memory_space<vmem>> -> memref<64xi32, #tpu.memory_space<vmem>>
    %dma_start3A_287 = arith.constant 0 : i32
    %dma_start3A_288 = arith.constant 0 : i32
    %dma_start3A_289 = tpu.memref_slice %arg5[%dma_start3A_287, %dma_start3A_288] : memref<512x128xf32, #tpu.memory_space<vmem_shared>> -> memref<512x128xf32, #tpu.memory_space<vmem_shared>>
    %dma_start3A_290 = tpu.memref_slice %arg9[%dma_start3A_280] : memref<12x!tpu.dma_semaphore, #tpu.memory_space<semaphore_mem>> -> memref<1x!tpu.dma_semaphore, #tpu.memory_space<semaphore_mem>>
    %dma_start3A_291 = tpu.memref_squeeze %dma_start3A_290 : memref<1x!tpu.dma_semaphore, #tpu.memory_space<semaphore_mem>> -> memref<!tpu.dma_semaphore, #tpu.memory_space<semaphore_mem>>
    tpu.enqueue_indirect_dma source(%dma_start3A_289 : memref<512x128xf32, #tpu.memory_space<vmem_shared>>) target(%dma_start3A_284 : memref<64x128xf32, #tpu.memory_space<vmem>>) offsets(%dma_start3A_286 : memref<64xi32, #tpu.memory_space<vmem>>) semaphore(%dma_start3A_291 : memref<!tpu.dma_semaphore, #tpu.memory_space<semaphore_mem>>)
    %dma_wait3A_292 = arith.constant 0 : i32
    %dma_wait3A_293 = arith.constant 0 : i32
    %dma_wait3A_294 = arith.constant 0 : i32
    %dma_wait3A_295 = arith.constant 0 : i32
    %dma_wait3A_296 = tpu.memref_slice %arg7[%dma_wait3A_292, %dma_wait3A_294, %dma_wait3A_295] : memref<12x64x128xf32, #tpu.memory_space<vmem>> -> memref<1x64x128xf32, #tpu.memory_space<vmem>>
    %dma_wait3A_297 = tpu.memref_squeeze %dma_wait3A_296 : memref<1x64x128xf32, #tpu.memory_space<vmem>> -> memref<64x128xf32, #tpu.memory_space<vmem>>
    %dma_wait3A_298 = arith.constant 25344 : i32
    %dma_wait3A_299 = tpu.memref_slice %arg6[%dma_wait3A_298] : memref<25600xi32, #tpu.memory_space<vmem>> -> memref<64xi32, #tpu.memory_space<vmem>>
    %dma_wait3A_300 = arith.constant 0 : i32
    %dma_wait3A_301 = arith.constant 0 : i32
    %dma_wait3A_302 = tpu.memref_slice %arg5[%dma_wait3A_300, %dma_wait3A_301] : memref<512x128xf32, #tpu.memory_space<vmem_shared>> -> memref<512x128xf32, #tpu.memory_space<vmem_shared>>
    %dma_wait3A_303 = tpu.memref_slice %arg9[%dma_wait3A_293] : memref<12x!tpu.dma_semaphore, #tpu.memory_space<semaphore_mem>> -> memref<1x!tpu.dma_semaphore, #tpu.memory_space<semaphore_mem>>
    %dma_wait3A_304 = tpu.memref_squeeze %dma_wait3A_303 : memref<1x!tpu.dma_semaphore, #tpu.memory_space<semaphore_mem>> -> memref<!tpu.dma_semaphore, #tpu.memory_space<semaphore_mem>>
    tpu.wait_indirect_dma semaphore(%dma_wait3A_304 : memref<!tpu.dma_semaphore, #tpu.memory_space<semaphore_mem>>) src(%dma_wait3A_302 : memref<512x128xf32, #tpu.memory_space<vmem_shared>>) dst(%dma_wait3A_297 : memref<64x128xf32, #tpu.memory_space<vmem>>)
    %add3A_305 = arith.constant 25344 : i32
    %add3A_306 = arith.addi %mul3A_2, %add3A_305 : i32
    %dma_start3A_307 = arith.constant 0 : i32
    %dma_start3A_308 = arith.constant 0 : i32
    %dma_start3A_309 = arith.constant 0 : i32
    %dma_start3A_310 = arith.constant 0 : i32
    %dma_start3A_311 = tpu.memref_slice %arg7[%dma_start3A_307, %dma_start3A_309, %dma_start3A_310] : memref<12x64x128xf32, #tpu.memory_space<vmem>> -> memref<1x64x128xf32, #tpu.memory_space<vmem>>
    %dma_start3A_312 = tpu.memref_squeeze %dma_start3A_311 : memref<1x64x128xf32, #tpu.memory_space<vmem>> -> memref<64x128xf32, #tpu.memory_space<vmem>>
    %dma_start3A_313 = arith.constant 0 : i32
    %dma_start3A_314 = tpu.memref_slice %arg4[%add3A_306, %dma_start3A_313] : memref<819200x128xf32, #tpu.memory_space<hbm>> -> memref<64x128xf32, #tpu.memory_space<hbm>>
    %dma_start3A_315 = tpu.memref_slice %arg10[%dma_start3A_308] : memref<12x!tpu.dma_semaphore, #tpu.memory_space<semaphore_mem>> -> memref<1x!tpu.dma_semaphore, #tpu.memory_space<semaphore_mem>>
    %dma_start3A_316 = tpu.memref_squeeze %dma_start3A_315 : memref<1x!tpu.dma_semaphore, #tpu.memory_space<semaphore_mem>> -> memref<!tpu.dma_semaphore, #tpu.memory_space<semaphore_mem>>
    %dma_start3A_317 = arith.constant 0 : i32
    %dma_start3A_318 = tpu.memref_slice %arg4[%add3A_306, %dma_start3A_317] : memref<819200x128xf32, #tpu.memory_space<hbm>> -> memref<64x128xf32, #tpu.memory_space<hbm>>
    %dma_start3A_319 = arith.constant 0 : i32
    %dma_start3A_320 = arith.constant 0 : i32
    %dma_start3A_321 = tpu.memref_slice %arg7[%dma_start3A_307, %dma_start3A_319, %dma_start3A_320] : memref<12x64x128xf32, #tpu.memory_space<vmem>> -> memref<1x64x128xf32, #tpu.memory_space<vmem>>
    %dma_start3A_322 = tpu.memref_squeeze %dma_start3A_321 : memref<1x64x128xf32, #tpu.memory_space<vmem>> -> memref<64x128xf32, #tpu.memory_space<vmem>>
    tpu.enqueue_dma source(%dma_start3A_322 : memref<64x128xf32, #tpu.memory_space<vmem>>) target(%dma_start3A_318 : memref<64x128xf32, #tpu.memory_space<hbm>>) target_semaphore(%dma_start3A_316 : memref<!tpu.dma_semaphore, #tpu.memory_space<semaphore_mem>>)
    %dma_wait3A_323 = arith.constant 1 : i32
    %dma_wait3A_324 = arith.constant 1 : i32
    %dma_wait3A_325 = arith.constant 0 : i32
    %dma_wait3A_326 = arith.constant 0 : i32
    %dma_wait3A_327 = tpu.memref_slice %arg7[%dma_wait3A_323, %dma_wait3A_325, %dma_wait3A_326] : memref<12x64x128xf32, #tpu.memory_space<vmem>> -> memref<1x64x128xf32, #tpu.memory_space<vmem>>
    %dma_wait3A_328 = tpu.memref_squeeze %dma_wait3A_327 : memref<1x64x128xf32, #tpu.memory_space<vmem>> -> memref<64x128xf32, #tpu.memory_space<vmem>>
    %dma_wait3A_329 = arith.constant 25408 : i32
    %dma_wait3A_330 = tpu.memref_slice %arg6[%dma_wait3A_329] : memref<25600xi32, #tpu.memory_space<vmem>> -> memref<64xi32, #tpu.memory_space<vmem>>
    %dma_wait3A_331 = arith.constant 0 : i32
    %dma_wait3A_332 = arith.constant 0 : i32
    %dma_wait3A_333 = tpu.memref_slice %arg5[%dma_wait3A_331, %dma_wait3A_332] : memref<512x128xf32, #tpu.memory_space<vmem_shared>> -> memref<512x128xf32, #tpu.memory_space<vmem_shared>>
    %dma_wait3A_334 = tpu.memref_slice %arg9[%dma_wait3A_324] : memref<12x!tpu.dma_semaphore, #tpu.memory_space<semaphore_mem>> -> memref<1x!tpu.dma_semaphore, #tpu.memory_space<semaphore_mem>>
    %dma_wait3A_335 = tpu.memref_squeeze %dma_wait3A_334 : memref<1x!tpu.dma_semaphore, #tpu.memory_space<semaphore_mem>> -> memref<!tpu.dma_semaphore, #tpu.memory_space<semaphore_mem>>
    tpu.wait_indirect_dma semaphore(%dma_wait3A_335 : memref<!tpu.dma_semaphore, #tpu.memory_space<semaphore_mem>>) src(%dma_wait3A_333 : memref<512x128xf32, #tpu.memory_space<vmem_shared>>) dst(%dma_wait3A_328 : memref<64x128xf32, #tpu.memory_space<vmem>>)
    %add3A_336 = arith.constant 25408 : i32
    %add3A_337 = arith.addi %mul3A_2, %add3A_336 : i32
    %dma_start3A_338 = arith.constant 1 : i32
    %dma_start3A_339 = arith.constant 1 : i32
    %dma_start3A_340 = arith.constant 0 : i32
    %dma_start3A_341 = arith.constant 0 : i32
    %dma_start3A_342 = tpu.memref_slice %arg7[%dma_start3A_338, %dma_start3A_340, %dma_start3A_341] : memref<12x64x128xf32, #tpu.memory_space<vmem>> -> memref<1x64x128xf32, #tpu.memory_space<vmem>>
    %dma_start3A_343 = tpu.memref_squeeze %dma_start3A_342 : memref<1x64x128xf32, #tpu.memory_space<vmem>> -> memref<64x128xf32, #tpu.memory_space<vmem>>
    %dma_start3A_344 = arith.constant 0 : i32
    %dma_start3A_345 = tpu.memref_slice %arg4[%add3A_337, %dma_start3A_344] : memref<819200x128xf32, #tpu.memory_space<hbm>> -> memref<64x128xf32, #tpu.memory_space<hbm>>
    %dma_start3A_346 = tpu.memref_slice %arg10[%dma_start3A_339] : memref<12x!tpu.dma_semaphore, #tpu.memory_space<semaphore_mem>> -> memref<1x!tpu.dma_semaphore, #tpu.memory_space<semaphore_mem>>
    %dma_start3A_347 = tpu.memref_squeeze %dma_start3A_346 : memref<1x!tpu.dma_semaphore, #tpu.memory_space<semaphore_mem>> -> memref<!tpu.dma_semaphore, #tpu.memory_space<semaphore_mem>>
    %dma_start3A_348 = arith.constant 0 : i32
    %dma_start3A_349 = tpu.memref_slice %arg4[%add3A_337, %dma_start3A_348] : memref<819200x128xf32, #tpu.memory_space<hbm>> -> memref<64x128xf32, #tpu.memory_space<hbm>>
    %dma_start3A_350 = arith.constant 0 : i32
    %dma_start3A_351 = arith.constant 0 : i32
    %dma_start3A_352 = tpu.memref_slice %arg7[%dma_start3A_338, %dma_start3A_350, %dma_start3A_351] : memref<12x64x128xf32, #tpu.memory_space<vmem>> -> memref<1x64x128xf32, #tpu.memory_space<vmem>>
    %dma_start3A_353 = tpu.memref_squeeze %dma_start3A_352 : memref<1x64x128xf32, #tpu.memory_space<vmem>> -> memref<64x128xf32, #tpu.memory_space<vmem>>
    tpu.enqueue_dma source(%dma_start3A_353 : memref<64x128xf32, #tpu.memory_space<vmem>>) target(%dma_start3A_349 : memref<64x128xf32, #tpu.memory_space<hbm>>) target_semaphore(%dma_start3A_347 : memref<!tpu.dma_semaphore, #tpu.memory_space<semaphore_mem>>)
    %dma_wait3A_354 = arith.constant 2 : i32
    %dma_wait3A_355 = arith.constant 2 : i32
    %dma_wait3A_356 = arith.constant 0 : i32
    %dma_wait3A_357 = arith.constant 0 : i32
    %dma_wait3A_358 = tpu.memref_slice %arg7[%dma_wait3A_354, %dma_wait3A_356, %dma_wait3A_357] : memref<12x64x128xf32, #tpu.memory_space<vmem>> -> memref<1x64x128xf32, #tpu.memory_space<vmem>>
    %dma_wait3A_359 = tpu.memref_squeeze %dma_wait3A_358 : memref<1x64x128xf32, #tpu.memory_space<vmem>> -> memref<64x128xf32, #tpu.memory_space<vmem>>
    %dma_wait3A_360 = arith.constant 25472 : i32
    %dma_wait3A_361 = tpu.memref_slice %arg6[%dma_wait3A_360] : memref<25600xi32, #tpu.memory_space<vmem>> -> memref<64xi32, #tpu.memory_space<vmem>>
    %dma_wait3A_362 = arith.constant 0 : i32
    %dma_wait3A_363 = arith.constant 0 : i32
    %dma_wait3A_364 = tpu.memref_slice %arg5[%dma_wait3A_362, %dma_wait3A_363] : memref<512x128xf32, #tpu.memory_space<vmem_shared>> -> memref<512x128xf32, #tpu.memory_space<vmem_shared>>
    %dma_wait3A_365 = tpu.memref_slice %arg9[%dma_wait3A_355] : memref<12x!tpu.dma_semaphore, #tpu.memory_space<semaphore_mem>> -> memref<1x!tpu.dma_semaphore, #tpu.memory_space<semaphore_mem>>
    %dma_wait3A_366 = tpu.memref_squeeze %dma_wait3A_365 : memref<1x!tpu.dma_semaphore, #tpu.memory_space<semaphore_mem>> -> memref<!tpu.dma_semaphore, #tpu.memory_space<semaphore_mem>>
    tpu.wait_indirect_dma semaphore(%dma_wait3A_366 : memref<!tpu.dma_semaphore, #tpu.memory_space<semaphore_mem>>) src(%dma_wait3A_364 : memref<512x128xf32, #tpu.memory_space<vmem_shared>>) dst(%dma_wait3A_359 : memref<64x128xf32, #tpu.memory_space<vmem>>)
    %add3A_367 = arith.constant 25472 : i32
    %add3A_368 = arith.addi %mul3A_2, %add3A_367 : i32
    %dma_start3A_369 = arith.constant 2 : i32
    %dma_start3A_370 = arith.constant 2 : i32
    %dma_start3A_371 = arith.constant 0 : i32
    %dma_start3A_372 = arith.constant 0 : i32
    %dma_start3A_373 = tpu.memref_slice %arg7[%dma_start3A_369, %dma_start3A_371, %dma_start3A_372] : memref<12x64x128xf32, #tpu.memory_space<vmem>> -> memref<1x64x128xf32, #tpu.memory_space<vmem>>
    %dma_start3A_374 = tpu.memref_squeeze %dma_start3A_373 : memref<1x64x128xf32, #tpu.memory_space<vmem>> -> memref<64x128xf32, #tpu.memory_space<vmem>>
    %dma_start3A_375 = arith.constant 0 : i32
    %dma_start3A_376 = tpu.memref_slice %arg4[%add3A_368, %dma_start3A_375] : memref<819200x128xf32, #tpu.memory_space<hbm>> -> memref<64x128xf32, #tpu.memory_space<hbm>>
    %dma_start3A_377 = tpu.memref_slice %arg10[%dma_start3A_370] : memref<12x!tpu.dma_semaphore, #tpu.memory_space<semaphore_mem>> -> memref<1x!tpu.dma_semaphore, #tpu.memory_space<semaphore_mem>>
    %dma_start3A_378 = tpu.memref_squeeze %dma_start3A_377 : memref<1x!tpu.dma_semaphore, #tpu.memory_space<semaphore_mem>> -> memref<!tpu.dma_semaphore, #tpu.memory_space<semaphore_mem>>
    %dma_start3A_379 = arith.constant 0 : i32
    %dma_start3A_380 = tpu.memref_slice %arg4[%add3A_368, %dma_start3A_379] : memref<819200x128xf32, #tpu.memory_space<hbm>> -> memref<64x128xf32, #tpu.memory_space<hbm>>
    %dma_start3A_381 = arith.constant 0 : i32
    %dma_start3A_382 = arith.constant 0 : i32
    %dma_start3A_383 = tpu.memref_slice %arg7[%dma_start3A_369, %dma_start3A_381, %dma_start3A_382] : memref<12x64x128xf32, #tpu.memory_space<vmem>> -> memref<1x64x128xf32, #tpu.memory_space<vmem>>
    %dma_start3A_384 = tpu.memref_squeeze %dma_start3A_383 : memref<1x64x128xf32, #tpu.memory_space<vmem>> -> memref<64x128xf32, #tpu.memory_space<vmem>>
    tpu.enqueue_dma source(%dma_start3A_384 : memref<64x128xf32, #tpu.memory_space<vmem>>) target(%dma_start3A_380 : memref<64x128xf32, #tpu.memory_space<hbm>>) target_semaphore(%dma_start3A_378 : memref<!tpu.dma_semaphore, #tpu.memory_space<semaphore_mem>>)
    %dma_wait3A_385 = arith.constant 3 : i32
    %dma_wait3A_386 = arith.constant 3 : i32
    %dma_wait3A_387 = arith.constant 0 : i32
    %dma_wait3A_388 = arith.constant 0 : i32
    %dma_wait3A_389 = tpu.memref_slice %arg7[%dma_wait3A_385, %dma_wait3A_387, %dma_wait3A_388] : memref<12x64x128xf32, #tpu.memory_space<vmem>> -> memref<1x64x128xf32, #tpu.memory_space<vmem>>
    %dma_wait3A_390 = tpu.memref_squeeze %dma_wait3A_389 : memref<1x64x128xf32, #tpu.memory_space<vmem>> -> memref<64x128xf32, #tpu.memory_space<vmem>>
    %dma_wait3A_391 = arith.constant 25536 : i32
    %dma_wait3A_392 = tpu.memref_slice %arg6[%dma_wait3A_391] : memref<25600xi32, #tpu.memory_space<vmem>> -> memref<64xi32, #tpu.memory_space<vmem>>
    %dma_wait3A_393 = arith.constant 0 : i32
    %dma_wait3A_394 = arith.constant 0 : i32
    %dma_wait3A_395 = tpu.memref_slice %arg5[%dma_wait3A_393, %dma_wait3A_394] : memref<512x128xf32, #tpu.memory_space<vmem_shared>> -> memref<512x128xf32, #tpu.memory_space<vmem_shared>>
    %dma_wait3A_396 = tpu.memref_slice %arg9[%dma_wait3A_386] : memref<12x!tpu.dma_semaphore, #tpu.memory_space<semaphore_mem>> -> memref<1x!tpu.dma_semaphore, #tpu.memory_space<semaphore_mem>>
    %dma_wait3A_397 = tpu.memref_squeeze %dma_wait3A_396 : memref<1x!tpu.dma_semaphore, #tpu.memory_space<semaphore_mem>> -> memref<!tpu.dma_semaphore, #tpu.memory_space<semaphore_mem>>
    tpu.wait_indirect_dma semaphore(%dma_wait3A_397 : memref<!tpu.dma_semaphore, #tpu.memory_space<semaphore_mem>>) src(%dma_wait3A_395 : memref<512x128xf32, #tpu.memory_space<vmem_shared>>) dst(%dma_wait3A_390 : memref<64x128xf32, #tpu.memory_space<vmem>>)
    %add3A_398 = arith.constant 25536 : i32
    %add3A_399 = arith.addi %mul3A_2, %add3A_398 : i32
    %dma_start3A_400 = arith.constant 3 : i32
    %dma_start3A_401 = arith.constant 3 : i32
    %dma_start3A_402 = arith.constant 0 : i32
    %dma_start3A_403 = arith.constant 0 : i32
    %dma_start3A_404 = tpu.memref_slice %arg7[%dma_start3A_400, %dma_start3A_402, %dma_start3A_403] : memref<12x64x128xf32, #tpu.memory_space<vmem>> -> memref<1x64x128xf32, #tpu.memory_space<vmem>>
    %dma_start3A_405 = tpu.memref_squeeze %dma_start3A_404 : memref<1x64x128xf32, #tpu.memory_space<vmem>> -> memref<64x128xf32, #tpu.memory_space<vmem>>
    %dma_start3A_406 = arith.constant 0 : i32
    %dma_start3A_407 = tpu.memref_slice %arg4[%add3A_399, %dma_start3A_406] : memref<819200x128xf32, #tpu.memory_space<hbm>> -> memref<64x128xf32, #tpu.memory_space<hbm>>
    %dma_start3A_408 = tpu.memref_slice %arg10[%dma_start3A_401] : memref<12x!tpu.dma_semaphore, #tpu.memory_space<semaphore_mem>> -> memref<1x!tpu.dma_semaphore, #tpu.memory_space<semaphore_mem>>
    %dma_start3A_409 = tpu.memref_squeeze %dma_start3A_408 : memref<1x!tpu.dma_semaphore, #tpu.memory_space<semaphore_mem>> -> memref<!tpu.dma_semaphore, #tpu.memory_space<semaphore_mem>>
    %dma_start3A_410 = arith.constant 0 : i32
    %dma_start3A_411 = tpu.memref_slice %arg4[%add3A_399, %dma_start3A_410] : memref<819200x128xf32, #tpu.memory_space<hbm>> -> memref<64x128xf32, #tpu.memory_space<hbm>>
    %dma_start3A_412 = arith.constant 0 : i32
    %dma_start3A_413 = arith.constant 0 : i32
    %dma_start3A_414 = tpu.memref_slice %arg7[%dma_start3A_400, %dma_start3A_412, %dma_start3A_413] : memref<12x64x128xf32, #tpu.memory_space<vmem>> -> memref<1x64x128xf32, #tpu.memory_space<vmem>>
    %dma_start3A_415 = tpu.memref_squeeze %dma_start3A_414 : memref<1x64x128xf32, #tpu.memory_space<vmem>> -> memref<64x128xf32, #tpu.memory_space<vmem>>
    tpu.enqueue_dma source(%dma_start3A_415 : memref<64x128xf32, #tpu.memory_space<vmem>>) target(%dma_start3A_411 : memref<64x128xf32, #tpu.memory_space<hbm>>) target_semaphore(%dma_start3A_409 : memref<!tpu.dma_semaphore, #tpu.memory_space<semaphore_mem>>)
    %add3A_416 = arith.constant 24832 : i32
    %add3A_417 = arith.addi %mul3A_2, %add3A_416 : i32
    %dma_wait3A_418 = arith.constant 4 : i32
    %dma_wait3A_419 = arith.constant 4 : i32
    %dma_wait3A_420 = arith.constant 0 : i32
    %dma_wait3A_421 = arith.constant 0 : i32
    %dma_wait3A_422 = tpu.memref_slice %arg7[%dma_wait3A_418, %dma_wait3A_420, %dma_wait3A_421] : memref<12x64x128xf32, #tpu.memory_space<vmem>> -> memref<1x64x128xf32, #tpu.memory_space<vmem>>
    %dma_wait3A_423 = tpu.memref_squeeze %dma_wait3A_422 : memref<1x64x128xf32, #tpu.memory_space<vmem>> -> memref<64x128xf32, #tpu.memory_space<vmem>>
    %dma_wait3A_424 = arith.constant 0 : i32
    %dma_wait3A_425 = tpu.memref_slice %arg4[%add3A_417, %dma_wait3A_424] : memref<819200x128xf32, #tpu.memory_space<hbm>> -> memref<64x128xf32, #tpu.memory_space<hbm>>
    %dma_wait3A_426 = tpu.memref_slice %arg10[%dma_wait3A_419] : memref<12x!tpu.dma_semaphore, #tpu.memory_space<semaphore_mem>> -> memref<1x!tpu.dma_semaphore, #tpu.memory_space<semaphore_mem>>
    %dma_wait3A_427 = tpu.memref_squeeze %dma_wait3A_426 : memref<1x!tpu.dma_semaphore, #tpu.memory_space<semaphore_mem>> -> memref<!tpu.dma_semaphore, #tpu.memory_space<semaphore_mem>>
    %dma_wait3A_428 = arith.constant 0 : i32
    %dma_wait3A_429 = tpu.memref_slice %arg4[%add3A_417, %dma_wait3A_428] : memref<819200x128xf32, #tpu.memory_space<hbm>> -> memref<64x128xf32, #tpu.memory_space<hbm>>
    %dma_wait3A_430 = arith.constant 0 : i32
    %dma_wait3A_431 = arith.constant 0 : i32
    %dma_wait3A_432 = tpu.memref_slice %arg7[%dma_wait3A_418, %dma_wait3A_430, %dma_wait3A_431] : memref<12x64x128xf32, #tpu.memory_space<vmem>> -> memref<1x64x128xf32, #tpu.memory_space<vmem>>
    %dma_wait3A_433 = tpu.memref_squeeze %dma_wait3A_432 : memref<1x64x128xf32, #tpu.memory_space<vmem>> -> memref<64x128xf32, #tpu.memory_space<vmem>>
    tpu.wait_dma2 semaphore(%dma_wait3A_427 : memref<!tpu.dma_semaphore, #tpu.memory_space<semaphore_mem>>) src(%dma_wait3A_433 : memref<64x128xf32, #tpu.memory_space<vmem>>) dst(%dma_wait3A_429 : memref<64x128xf32, #tpu.memory_space<hbm>>)
    %add3A_434 = arith.constant 24896 : i32
    %add3A_435 = arith.addi %mul3A_2, %add3A_434 : i32
    %dma_wait3A_436 = arith.constant 5 : i32
    %dma_wait3A_437 = arith.constant 5 : i32
    %dma_wait3A_438 = arith.constant 0 : i32
    %dma_wait3A_439 = arith.constant 0 : i32
    %dma_wait3A_440 = tpu.memref_slice %arg7[%dma_wait3A_436, %dma_wait3A_438, %dma_wait3A_439] : memref<12x64x128xf32, #tpu.memory_space<vmem>> -> memref<1x64x128xf32, #tpu.memory_space<vmem>>
    %dma_wait3A_441 = tpu.memref_squeeze %dma_wait3A_440 : memref<1x64x128xf32, #tpu.memory_space<vmem>> -> memref<64x128xf32, #tpu.memory_space<vmem>>
    %dma_wait3A_442 = arith.constant 0 : i32
    %dma_wait3A_443 = tpu.memref_slice %arg4[%add3A_435, %dma_wait3A_442] : memref<819200x128xf32, #tpu.memory_space<hbm>> -> memref<64x128xf32, #tpu.memory_space<hbm>>
    %dma_wait3A_444 = tpu.memref_slice %arg10[%dma_wait3A_437] : memref<12x!tpu.dma_semaphore, #tpu.memory_space<semaphore_mem>> -> memref<1x!tpu.dma_semaphore, #tpu.memory_space<semaphore_mem>>
    %dma_wait3A_445 = tpu.memref_squeeze %dma_wait3A_444 : memref<1x!tpu.dma_semaphore, #tpu.memory_space<semaphore_mem>> -> memref<!tpu.dma_semaphore, #tpu.memory_space<semaphore_mem>>
    %dma_wait3A_446 = arith.constant 0 : i32
    %dma_wait3A_447 = tpu.memref_slice %arg4[%add3A_435, %dma_wait3A_446] : memref<819200x128xf32, #tpu.memory_space<hbm>> -> memref<64x128xf32, #tpu.memory_space<hbm>>
    %dma_wait3A_448 = arith.constant 0 : i32
    %dma_wait3A_449 = arith.constant 0 : i32
    %dma_wait3A_450 = tpu.memref_slice %arg7[%dma_wait3A_436, %dma_wait3A_448, %dma_wait3A_449] : memref<12x64x128xf32, #tpu.memory_space<vmem>> -> memref<1x64x128xf32, #tpu.memory_space<vmem>>
    %dma_wait3A_451 = tpu.memref_squeeze %dma_wait3A_450 : memref<1x64x128xf32, #tpu.memory_space<vmem>> -> memref<64x128xf32, #tpu.memory_space<vmem>>
    tpu.wait_dma2 semaphore(%dma_wait3A_445 : memref<!tpu.dma_semaphore, #tpu.memory_space<semaphore_mem>>) src(%dma_wait3A_451 : memref<64x128xf32, #tpu.memory_space<vmem>>) dst(%dma_wait3A_447 : memref<64x128xf32, #tpu.memory_space<hbm>>)
    %add3A_452 = arith.constant 24960 : i32
    %add3A_453 = arith.addi %mul3A_2, %add3A_452 : i32
    %dma_wait3A_454 = arith.constant 6 : i32
    %dma_wait3A_455 = arith.constant 6 : i32
    %dma_wait3A_456 = arith.constant 0 : i32
    %dma_wait3A_457 = arith.constant 0 : i32
    %dma_wait3A_458 = tpu.memref_slice %arg7[%dma_wait3A_454, %dma_wait3A_456, %dma_wait3A_457] : memref<12x64x128xf32, #tpu.memory_space<vmem>> -> memref<1x64x128xf32, #tpu.memory_space<vmem>>
    %dma_wait3A_459 = tpu.memref_squeeze %dma_wait3A_458 : memref<1x64x128xf32, #tpu.memory_space<vmem>> -> memref<64x128xf32, #tpu.memory_space<vmem>>
    %dma_wait3A_460 = arith.constant 0 : i32
    %dma_wait3A_461 = tpu.memref_slice %arg4[%add3A_453, %dma_wait3A_460] : memref<819200x128xf32, #tpu.memory_space<hbm>> -> memref<64x128xf32, #tpu.memory_space<hbm>>
    %dma_wait3A_462 = tpu.memref_slice %arg10[%dma_wait3A_455] : memref<12x!tpu.dma_semaphore, #tpu.memory_space<semaphore_mem>> -> memref<1x!tpu.dma_semaphore, #tpu.memory_space<semaphore_mem>>
    %dma_wait3A_463 = tpu.memref_squeeze %dma_wait3A_462 : memref<1x!tpu.dma_semaphore, #tpu.memory_space<semaphore_mem>> -> memref<!tpu.dma_semaphore, #tpu.memory_space<semaphore_mem>>
    %dma_wait3A_464 = arith.constant 0 : i32
    %dma_wait3A_465 = tpu.memref_slice %arg4[%add3A_453, %dma_wait3A_464] : memref<819200x128xf32, #tpu.memory_space<hbm>> -> memref<64x128xf32, #tpu.memory_space<hbm>>
    %dma_wait3A_466 = arith.constant 0 : i32
    %dma_wait3A_467 = arith.constant 0 : i32
    %dma_wait3A_468 = tpu.memref_slice %arg7[%dma_wait3A_454, %dma_wait3A_466, %dma_wait3A_467] : memref<12x64x128xf32, #tpu.memory_space<vmem>> -> memref<1x64x128xf32, #tpu.memory_space<vmem>>
    %dma_wait3A_469 = tpu.memref_squeeze %dma_wait3A_468 : memref<1x64x128xf32, #tpu.memory_space<vmem>> -> memref<64x128xf32, #tpu.memory_space<vmem>>
    tpu.wait_dma2 semaphore(%dma_wait3A_463 : memref<!tpu.dma_semaphore, #tpu.memory_space<semaphore_mem>>) src(%dma_wait3A_469 : memref<64x128xf32, #tpu.memory_space<vmem>>) dst(%dma_wait3A_465 : memref<64x128xf32, #tpu.memory_space<hbm>>)
    %add3A_470 = arith.constant 25024 : i32
    %add3A_471 = arith.addi %mul3A_2, %add3A_470 : i32
    %dma_wait3A_472 = arith.constant 7 : i32
    %dma_wait3A_473 = arith.constant 7 : i32
    %dma_wait3A_474 = arith.constant 0 : i32
    %dma_wait3A_475 = arith.constant 0 : i32
    %dma_wait3A_476 = tpu.memref_slice %arg7[%dma_wait3A_472, %dma_wait3A_474, %dma_wait3A_475] : memref<12x64x128xf32, #tpu.memory_space<vmem>> -> memref<1x64x128xf32, #tpu.memory_space<vmem>>
    %dma_wait3A_477 = tpu.memref_squeeze %dma_wait3A_476 : memref<1x64x128xf32, #tpu.memory_space<vmem>> -> memref<64x128xf32, #tpu.memory_space<vmem>>
    %dma_wait3A_478 = arith.constant 0 : i32
    %dma_wait3A_479 = tpu.memref_slice %arg4[%add3A_471, %dma_wait3A_478] : memref<819200x128xf32, #tpu.memory_space<hbm>> -> memref<64x128xf32, #tpu.memory_space<hbm>>
    %dma_wait3A_480 = tpu.memref_slice %arg10[%dma_wait3A_473] : memref<12x!tpu.dma_semaphore, #tpu.memory_space<semaphore_mem>> -> memref<1x!tpu.dma_semaphore, #tpu.memory_space<semaphore_mem>>
    %dma_wait3A_481 = tpu.memref_squeeze %dma_wait3A_480 : memref<1x!tpu.dma_semaphore, #tpu.memory_space<semaphore_mem>> -> memref<!tpu.dma_semaphore, #tpu.memory_space<semaphore_mem>>
    %dma_wait3A_482 = arith.constant 0 : i32
    %dma_wait3A_483 = tpu.memref_slice %arg4[%add3A_471, %dma_wait3A_482] : memref<819200x128xf32, #tpu.memory_space<hbm>> -> memref<64x128xf32, #tpu.memory_space<hbm>>
    %dma_wait3A_484 = arith.constant 0 : i32
    %dma_wait3A_485 = arith.constant 0 : i32
    %dma_wait3A_486 = tpu.memref_slice %arg7[%dma_wait3A_472, %dma_wait3A_484, %dma_wait3A_485] : memref<12x64x128xf32, #tpu.memory_space<vmem>> -> memref<1x64x128xf32, #tpu.memory_space<vmem>>
    %dma_wait3A_487 = tpu.memref_squeeze %dma_wait3A_486 : memref<1x64x128xf32, #tpu.memory_space<vmem>> -> memref<64x128xf32, #tpu.memory_space<vmem>>
    tpu.wait_dma2 semaphore(%dma_wait3A_481 : memref<!tpu.dma_semaphore, #tpu.memory_space<semaphore_mem>>) src(%dma_wait3A_487 : memref<64x128xf32, #tpu.memory_space<vmem>>) dst(%dma_wait3A_483 : memref<64x128xf32, #tpu.memory_space<hbm>>)
    %add3A_488 = arith.constant 25088 : i32
    %add3A_489 = arith.addi %mul3A_2, %add3A_488 : i32
    %dma_wait3A_490 = arith.constant 8 : i32
    %dma_wait3A_491 = arith.constant 8 : i32
    %dma_wait3A_492 = arith.constant 0 : i32
    %dma_wait3A_493 = arith.constant 0 : i32
    %dma_wait3A_494 = tpu.memref_slice %arg7[%dma_wait3A_490, %dma_wait3A_492, %dma_wait3A_493] : memref<12x64x128xf32, #tpu.memory_space<vmem>> -> memref<1x64x128xf32, #tpu.memory_space<vmem>>
    %dma_wait3A_495 = tpu.memref_squeeze %dma_wait3A_494 : memref<1x64x128xf32, #tpu.memory_space<vmem>> -> memref<64x128xf32, #tpu.memory_space<vmem>>
    %dma_wait3A_496 = arith.constant 0 : i32
    %dma_wait3A_497 = tpu.memref_slice %arg4[%add3A_489, %dma_wait3A_496] : memref<819200x128xf32, #tpu.memory_space<hbm>> -> memref<64x128xf32, #tpu.memory_space<hbm>>
    %dma_wait3A_498 = tpu.memref_slice %arg10[%dma_wait3A_491] : memref<12x!tpu.dma_semaphore, #tpu.memory_space<semaphore_mem>> -> memref<1x!tpu.dma_semaphore, #tpu.memory_space<semaphore_mem>>
    %dma_wait3A_499 = tpu.memref_squeeze %dma_wait3A_498 : memref<1x!tpu.dma_semaphore, #tpu.memory_space<semaphore_mem>> -> memref<!tpu.dma_semaphore, #tpu.memory_space<semaphore_mem>>
    %dma_wait3A_500 = arith.constant 0 : i32
    %dma_wait3A_501 = tpu.memref_slice %arg4[%add3A_489, %dma_wait3A_500] : memref<819200x128xf32, #tpu.memory_space<hbm>> -> memref<64x128xf32, #tpu.memory_space<hbm>>
    %dma_wait3A_502 = arith.constant 0 : i32
    %dma_wait3A_503 = arith.constant 0 : i32
    %dma_wait3A_504 = tpu.memref_slice %arg7[%dma_wait3A_490, %dma_wait3A_502, %dma_wait3A_503] : memref<12x64x128xf32, #tpu.memory_space<vmem>> -> memref<1x64x128xf32, #tpu.memory_space<vmem>>
    %dma_wait3A_505 = tpu.memref_squeeze %dma_wait3A_504 : memref<1x64x128xf32, #tpu.memory_space<vmem>> -> memref<64x128xf32, #tpu.memory_space<vmem>>
    tpu.wait_dma2 semaphore(%dma_wait3A_499 : memref<!tpu.dma_semaphore, #tpu.memory_space<semaphore_mem>>) src(%dma_wait3A_505 : memref<64x128xf32, #tpu.memory_space<vmem>>) dst(%dma_wait3A_501 : memref<64x128xf32, #tpu.memory_space<hbm>>)
    %add3A_506 = arith.constant 25152 : i32
    %add3A_507 = arith.addi %mul3A_2, %add3A_506 : i32
    %dma_wait3A_508 = arith.constant 9 : i32
    %dma_wait3A_509 = arith.constant 9 : i32
    %dma_wait3A_510 = arith.constant 0 : i32
    %dma_wait3A_511 = arith.constant 0 : i32
    %dma_wait3A_512 = tpu.memref_slice %arg7[%dma_wait3A_508, %dma_wait3A_510, %dma_wait3A_511] : memref<12x64x128xf32, #tpu.memory_space<vmem>> -> memref<1x64x128xf32, #tpu.memory_space<vmem>>
    %dma_wait3A_513 = tpu.memref_squeeze %dma_wait3A_512 : memref<1x64x128xf32, #tpu.memory_space<vmem>> -> memref<64x128xf32, #tpu.memory_space<vmem>>
    %dma_wait3A_514 = arith.constant 0 : i32
    %dma_wait3A_515 = tpu.memref_slice %arg4[%add3A_507, %dma_wait3A_514] : memref<819200x128xf32, #tpu.memory_space<hbm>> -> memref<64x128xf32, #tpu.memory_space<hbm>>
    %dma_wait3A_516 = tpu.memref_slice %arg10[%dma_wait3A_509] : memref<12x!tpu.dma_semaphore, #tpu.memory_space<semaphore_mem>> -> memref<1x!tpu.dma_semaphore, #tpu.memory_space<semaphore_mem>>
    %dma_wait3A_517 = tpu.memref_squeeze %dma_wait3A_516 : memref<1x!tpu.dma_semaphore, #tpu.memory_space<semaphore_mem>> -> memref<!tpu.dma_semaphore, #tpu.memory_space<semaphore_mem>>
    %dma_wait3A_518 = arith.constant 0 : i32
    %dma_wait3A_519 = tpu.memref_slice %arg4[%add3A_507, %dma_wait3A_518] : memref<819200x128xf32, #tpu.memory_space<hbm>> -> memref<64x128xf32, #tpu.memory_space<hbm>>
    %dma_wait3A_520 = arith.constant 0 : i32
    %dma_wait3A_521 = arith.constant 0 : i32
    %dma_wait3A_522 = tpu.memref_slice %arg7[%dma_wait3A_508, %dma_wait3A_520, %dma_wait3A_521] : memref<12x64x128xf32, #tpu.memory_space<vmem>> -> memref<1x64x128xf32, #tpu.memory_space<vmem>>
    %dma_wait3A_523 = tpu.memref_squeeze %dma_wait3A_522 : memref<1x64x128xf32, #tpu.memory_space<vmem>> -> memref<64x128xf32, #tpu.memory_space<vmem>>
    tpu.wait_dma2 semaphore(%dma_wait3A_517 : memref<!tpu.dma_semaphore, #tpu.memory_space<semaphore_mem>>) src(%dma_wait3A_523 : memref<64x128xf32, #tpu.memory_space<vmem>>) dst(%dma_wait3A_519 : memref<64x128xf32, #tpu.memory_space<hbm>>)
    %add3A_524 = arith.constant 25216 : i32
    %add3A_525 = arith.addi %mul3A_2, %add3A_524 : i32
    %dma_wait3A_526 = arith.constant 10 : i32
    %dma_wait3A_527 = arith.constant 10 : i32
    %dma_wait3A_528 = arith.constant 0 : i32
    %dma_wait3A_529 = arith.constant 0 : i32
    %dma_wait3A_530 = tpu.memref_slice %arg7[%dma_wait3A_526, %dma_wait3A_528, %dma_wait3A_529] : memref<12x64x128xf32, #tpu.memory_space<vmem>> -> memref<1x64x128xf32, #tpu.memory_space<vmem>>
    %dma_wait3A_531 = tpu.memref_squeeze %dma_wait3A_530 : memref<1x64x128xf32, #tpu.memory_space<vmem>> -> memref<64x128xf32, #tpu.memory_space<vmem>>
    %dma_wait3A_532 = arith.constant 0 : i32
    %dma_wait3A_533 = tpu.memref_slice %arg4[%add3A_525, %dma_wait3A_532] : memref<819200x128xf32, #tpu.memory_space<hbm>> -> memref<64x128xf32, #tpu.memory_space<hbm>>
    %dma_wait3A_534 = tpu.memref_slice %arg10[%dma_wait3A_527] : memref<12x!tpu.dma_semaphore, #tpu.memory_space<semaphore_mem>> -> memref<1x!tpu.dma_semaphore, #tpu.memory_space<semaphore_mem>>
    %dma_wait3A_535 = tpu.memref_squeeze %dma_wait3A_534 : memref<1x!tpu.dma_semaphore, #tpu.memory_space<semaphore_mem>> -> memref<!tpu.dma_semaphore, #tpu.memory_space<semaphore_mem>>
    %dma_wait3A_536 = arith.constant 0 : i32
    %dma_wait3A_537 = tpu.memref_slice %arg4[%add3A_525, %dma_wait3A_536] : memref<819200x128xf32, #tpu.memory_space<hbm>> -> memref<64x128xf32, #tpu.memory_space<hbm>>
    %dma_wait3A_538 = arith.constant 0 : i32
    %dma_wait3A_539 = arith.constant 0 : i32
    %dma_wait3A_540 = tpu.memref_slice %arg7[%dma_wait3A_526, %dma_wait3A_538, %dma_wait3A_539] : memref<12x64x128xf32, #tpu.memory_space<vmem>> -> memref<1x64x128xf32, #tpu.memory_space<vmem>>
    %dma_wait3A_541 = tpu.memref_squeeze %dma_wait3A_540 : memref<1x64x128xf32, #tpu.memory_space<vmem>> -> memref<64x128xf32, #tpu.memory_space<vmem>>
    tpu.wait_dma2 semaphore(%dma_wait3A_535 : memref<!tpu.dma_semaphore, #tpu.memory_space<semaphore_mem>>) src(%dma_wait3A_541 : memref<64x128xf32, #tpu.memory_space<vmem>>) dst(%dma_wait3A_537 : memref<64x128xf32, #tpu.memory_space<hbm>>)
    %add3A_542 = arith.constant 25280 : i32
    %add3A_543 = arith.addi %mul3A_2, %add3A_542 : i32
    %dma_wait3A_544 = arith.constant 11 : i32
    %dma_wait3A_545 = arith.constant 11 : i32
    %dma_wait3A_546 = arith.constant 0 : i32
    %dma_wait3A_547 = arith.constant 0 : i32
    %dma_wait3A_548 = tpu.memref_slice %arg7[%dma_wait3A_544, %dma_wait3A_546, %dma_wait3A_547] : memref<12x64x128xf32, #tpu.memory_space<vmem>> -> memref<1x64x128xf32, #tpu.memory_space<vmem>>
    %dma_wait3A_549 = tpu.memref_squeeze %dma_wait3A_548 : memref<1x64x128xf32, #tpu.memory_space<vmem>> -> memref<64x128xf32, #tpu.memory_space<vmem>>
    %dma_wait3A_550 = arith.constant 0 : i32
    %dma_wait3A_551 = tpu.memref_slice %arg4[%add3A_543, %dma_wait3A_550] : memref<819200x128xf32, #tpu.memory_space<hbm>> -> memref<64x128xf32, #tpu.memory_space<hbm>>
    %dma_wait3A_552 = tpu.memref_slice %arg10[%dma_wait3A_545] : memref<12x!tpu.dma_semaphore, #tpu.memory_space<semaphore_mem>> -> memref<1x!tpu.dma_semaphore, #tpu.memory_space<semaphore_mem>>
    %dma_wait3A_553 = tpu.memref_squeeze %dma_wait3A_552 : memref<1x!tpu.dma_semaphore, #tpu.memory_space<semaphore_mem>> -> memref<!tpu.dma_semaphore, #tpu.memory_space<semaphore_mem>>
    %dma_wait3A_554 = arith.constant 0 : i32
    %dma_wait3A_555 = tpu.memref_slice %arg4[%add3A_543, %dma_wait3A_554] : memref<819200x128xf32, #tpu.memory_space<hbm>> -> memref<64x128xf32, #tpu.memory_space<hbm>>
    %dma_wait3A_556 = arith.constant 0 : i32
    %dma_wait3A_557 = arith.constant 0 : i32
    %dma_wait3A_558 = tpu.memref_slice %arg7[%dma_wait3A_544, %dma_wait3A_556, %dma_wait3A_557] : memref<12x64x128xf32, #tpu.memory_space<vmem>> -> memref<1x64x128xf32, #tpu.memory_space<vmem>>
    %dma_wait3A_559 = tpu.memref_squeeze %dma_wait3A_558 : memref<1x64x128xf32, #tpu.memory_space<vmem>> -> memref<64x128xf32, #tpu.memory_space<vmem>>
    tpu.wait_dma2 semaphore(%dma_wait3A_553 : memref<!tpu.dma_semaphore, #tpu.memory_space<semaphore_mem>>) src(%dma_wait3A_559 : memref<64x128xf32, #tpu.memory_space<vmem>>) dst(%dma_wait3A_555 : memref<64x128xf32, #tpu.memory_space<hbm>>)
    %add3A_560 = arith.constant 25344 : i32
    %add3A_561 = arith.addi %mul3A_2, %add3A_560 : i32
    %dma_wait3A_562 = arith.constant 0 : i32
    %dma_wait3A_563 = arith.constant 0 : i32
    %dma_wait3A_564 = arith.constant 0 : i32
    %dma_wait3A_565 = arith.constant 0 : i32
    %dma_wait3A_566 = tpu.memref_slice %arg7[%dma_wait3A_562, %dma_wait3A_564, %dma_wait3A_565] : memref<12x64x128xf32, #tpu.memory_space<vmem>> -> memref<1x64x128xf32, #tpu.memory_space<vmem>>
    %dma_wait3A_567 = tpu.memref_squeeze %dma_wait3A_566 : memref<1x64x128xf32, #tpu.memory_space<vmem>> -> memref<64x128xf32, #tpu.memory_space<vmem>>
    %dma_wait3A_568 = arith.constant 0 : i32
    %dma_wait3A_569 = tpu.memref_slice %arg4[%add3A_561, %dma_wait3A_568] : memref<819200x128xf32, #tpu.memory_space<hbm>> -> memref<64x128xf32, #tpu.memory_space<hbm>>
    %dma_wait3A_570 = tpu.memref_slice %arg10[%dma_wait3A_563] : memref<12x!tpu.dma_semaphore, #tpu.memory_space<semaphore_mem>> -> memref<1x!tpu.dma_semaphore, #tpu.memory_space<semaphore_mem>>
    %dma_wait3A_571 = tpu.memref_squeeze %dma_wait3A_570 : memref<1x!tpu.dma_semaphore, #tpu.memory_space<semaphore_mem>> -> memref<!tpu.dma_semaphore, #tpu.memory_space<semaphore_mem>>
    %dma_wait3A_572 = arith.constant 0 : i32
    %dma_wait3A_573 = tpu.memref_slice %arg4[%add3A_561, %dma_wait3A_572] : memref<819200x128xf32, #tpu.memory_space<hbm>> -> memref<64x128xf32, #tpu.memory_space<hbm>>
    %dma_wait3A_574 = arith.constant 0 : i32
    %dma_wait3A_575 = arith.constant 0 : i32
    %dma_wait3A_576 = tpu.memref_slice %arg7[%dma_wait3A_562, %dma_wait3A_574, %dma_wait3A_575] : memref<12x64x128xf32, #tpu.memory_space<vmem>> -> memref<1x64x128xf32, #tpu.memory_space<vmem>>
    %dma_wait3A_577 = tpu.memref_squeeze %dma_wait3A_576 : memref<1x64x128xf32, #tpu.memory_space<vmem>> -> memref<64x128xf32, #tpu.memory_space<vmem>>
    tpu.wait_dma2 semaphore(%dma_wait3A_571 : memref<!tpu.dma_semaphore, #tpu.memory_space<semaphore_mem>>) src(%dma_wait3A_577 : memref<64x128xf32, #tpu.memory_space<vmem>>) dst(%dma_wait3A_573 : memref<64x128xf32, #tpu.memory_space<hbm>>)
    %add3A_578 = arith.constant 25408 : i32
    %add3A_579 = arith.addi %mul3A_2, %add3A_578 : i32
    %dma_wait3A_580 = arith.constant 1 : i32
    %dma_wait3A_581 = arith.constant 1 : i32
    %dma_wait3A_582 = arith.constant 0 : i32
    %dma_wait3A_583 = arith.constant 0 : i32
    %dma_wait3A_584 = tpu.memref_slice %arg7[%dma_wait3A_580, %dma_wait3A_582, %dma_wait3A_583] : memref<12x64x128xf32, #tpu.memory_space<vmem>> -> memref<1x64x128xf32, #tpu.memory_space<vmem>>
    %dma_wait3A_585 = tpu.memref_squeeze %dma_wait3A_584 : memref<1x64x128xf32, #tpu.memory_space<vmem>> -> memref<64x128xf32, #tpu.memory_space<vmem>>
    %dma_wait3A_586 = arith.constant 0 : i32
    %dma_wait3A_587 = tpu.memref_slice %arg4[%add3A_579, %dma_wait3A_586] : memref<819200x128xf32, #tpu.memory_space<hbm>> -> memref<64x128xf32, #tpu.memory_space<hbm>>
    %dma_wait3A_588 = tpu.memref_slice %arg10[%dma_wait3A_581] : memref<12x!tpu.dma_semaphore, #tpu.memory_space<semaphore_mem>> -> memref<1x!tpu.dma_semaphore, #tpu.memory_space<semaphore_mem>>
    %dma_wait3A_589 = tpu.memref_squeeze %dma_wait3A_588 : memref<1x!tpu.dma_semaphore, #tpu.memory_space<semaphore_mem>> -> memref<!tpu.dma_semaphore, #tpu.memory_space<semaphore_mem>>
    %dma_wait3A_590 = arith.constant 0 : i32
    %dma_wait3A_591 = tpu.memref_slice %arg4[%add3A_579, %dma_wait3A_590] : memref<819200x128xf32, #tpu.memory_space<hbm>> -> memref<64x128xf32, #tpu.memory_space<hbm>>
    %dma_wait3A_592 = arith.constant 0 : i32
    %dma_wait3A_593 = arith.constant 0 : i32
    %dma_wait3A_594 = tpu.memref_slice %arg7[%dma_wait3A_580, %dma_wait3A_592, %dma_wait3A_593] : memref<12x64x128xf32, #tpu.memory_space<vmem>> -> memref<1x64x128xf32, #tpu.memory_space<vmem>>
    %dma_wait3A_595 = tpu.memref_squeeze %dma_wait3A_594 : memref<1x64x128xf32, #tpu.memory_space<vmem>> -> memref<64x128xf32, #tpu.memory_space<vmem>>
    tpu.wait_dma2 semaphore(%dma_wait3A_589 : memref<!tpu.dma_semaphore, #tpu.memory_space<semaphore_mem>>) src(%dma_wait3A_595 : memref<64x128xf32, #tpu.memory_space<vmem>>) dst(%dma_wait3A_591 : memref<64x128xf32, #tpu.memory_space<hbm>>)
    %add3A_596 = arith.constant 25472 : i32
    %add3A_597 = arith.addi %mul3A_2, %add3A_596 : i32
    %dma_wait3A_598 = arith.constant 2 : i32
    %dma_wait3A_599 = arith.constant 2 : i32
    %dma_wait3A_600 = arith.constant 0 : i32
    %dma_wait3A_601 = arith.constant 0 : i32
    %dma_wait3A_602 = tpu.memref_slice %arg7[%dma_wait3A_598, %dma_wait3A_600, %dma_wait3A_601] : memref<12x64x128xf32, #tpu.memory_space<vmem>> -> memref<1x64x128xf32, #tpu.memory_space<vmem>>
    %dma_wait3A_603 = tpu.memref_squeeze %dma_wait3A_602 : memref<1x64x128xf32, #tpu.memory_space<vmem>> -> memref<64x128xf32, #tpu.memory_space<vmem>>
    %dma_wait3A_604 = arith.constant 0 : i32
    %dma_wait3A_605 = tpu.memref_slice %arg4[%add3A_597, %dma_wait3A_604] : memref<819200x128xf32, #tpu.memory_space<hbm>> -> memref<64x128xf32, #tpu.memory_space<hbm>>
    %dma_wait3A_606 = tpu.memref_slice %arg10[%dma_wait3A_599] : memref<12x!tpu.dma_semaphore, #tpu.memory_space<semaphore_mem>> -> memref<1x!tpu.dma_semaphore, #tpu.memory_space<semaphore_mem>>
    %dma_wait3A_607 = tpu.memref_squeeze %dma_wait3A_606 : memref<1x!tpu.dma_semaphore, #tpu.memory_space<semaphore_mem>> -> memref<!tpu.dma_semaphore, #tpu.memory_space<semaphore_mem>>
    %dma_wait3A_608 = arith.constant 0 : i32
    %dma_wait3A_609 = tpu.memref_slice %arg4[%add3A_597, %dma_wait3A_608] : memref<819200x128xf32, #tpu.memory_space<hbm>> -> memref<64x128xf32, #tpu.memory_space<hbm>>
    %dma_wait3A_610 = arith.constant 0 : i32
    %dma_wait3A_611 = arith.constant 0 : i32
    %dma_wait3A_612 = tpu.memref_slice %arg7[%dma_wait3A_598, %dma_wait3A_610, %dma_wait3A_611] : memref<12x64x128xf32, #tpu.memory_space<vmem>> -> memref<1x64x128xf32, #tpu.memory_space<vmem>>
    %dma_wait3A_613 = tpu.memref_squeeze %dma_wait3A_612 : memref<1x64x128xf32, #tpu.memory_space<vmem>> -> memref<64x128xf32, #tpu.memory_space<vmem>>
    tpu.wait_dma2 semaphore(%dma_wait3A_607 : memref<!tpu.dma_semaphore, #tpu.memory_space<semaphore_mem>>) src(%dma_wait3A_613 : memref<64x128xf32, #tpu.memory_space<vmem>>) dst(%dma_wait3A_609 : memref<64x128xf32, #tpu.memory_space<hbm>>)
    %add3A_614 = arith.constant 25536 : i32
    %add3A_615 = arith.addi %mul3A_2, %add3A_614 : i32
    %dma_wait3A_616 = arith.constant 3 : i32
    %dma_wait3A_617 = arith.constant 3 : i32
    %dma_wait3A_618 = arith.constant 0 : i32
    %dma_wait3A_619 = arith.constant 0 : i32
    %dma_wait3A_620 = tpu.memref_slice %arg7[%dma_wait3A_616, %dma_wait3A_618, %dma_wait3A_619] : memref<12x64x128xf32, #tpu.memory_space<vmem>> -> memref<1x64x128xf32, #tpu.memory_space<vmem>>
    %dma_wait3A_621 = tpu.memref_squeeze %dma_wait3A_620 : memref<1x64x128xf32, #tpu.memory_space<vmem>> -> memref<64x128xf32, #tpu.memory_space<vmem>>
    %dma_wait3A_622 = arith.constant 0 : i32
    %dma_wait3A_623 = tpu.memref_slice %arg4[%add3A_615, %dma_wait3A_622] : memref<819200x128xf32, #tpu.memory_space<hbm>> -> memref<64x128xf32, #tpu.memory_space<hbm>>
    %dma_wait3A_624 = tpu.memref_slice %arg10[%dma_wait3A_617] : memref<12x!tpu.dma_semaphore, #tpu.memory_space<semaphore_mem>> -> memref<1x!tpu.dma_semaphore, #tpu.memory_space<semaphore_mem>>
    %dma_wait3A_625 = tpu.memref_squeeze %dma_wait3A_624 : memref<1x!tpu.dma_semaphore, #tpu.memory_space<semaphore_mem>> -> memref<!tpu.dma_semaphore, #tpu.memory_space<semaphore_mem>>
    %dma_wait3A_626 = arith.constant 0 : i32
    %dma_wait3A_627 = tpu.memref_slice %arg4[%add3A_615, %dma_wait3A_626] : memref<819200x128xf32, #tpu.memory_space<hbm>> -> memref<64x128xf32, #tpu.memory_space<hbm>>
    %dma_wait3A_628 = arith.constant 0 : i32
    %dma_wait3A_629 = arith.constant 0 : i32
    %dma_wait3A_630 = tpu.memref_slice %arg7[%dma_wait3A_616, %dma_wait3A_628, %dma_wait3A_629] : memref<12x64x128xf32, #tpu.memory_space<vmem>> -> memref<1x64x128xf32, #tpu.memory_space<vmem>>
    %dma_wait3A_631 = tpu.memref_squeeze %dma_wait3A_630 : memref<1x64x128xf32, #tpu.memory_space<vmem>> -> memref<64x128xf32, #tpu.memory_space<vmem>>
    tpu.wait_dma2 semaphore(%dma_wait3A_625 : memref<!tpu.dma_semaphore, #tpu.memory_space<semaphore_mem>>) src(%dma_wait3A_631 : memref<64x128xf32, #tpu.memory_space<vmem>>) dst(%dma_wait3A_627 : memref<64x128xf32, #tpu.memory_space<hbm>>)
    return
  }
}

</mosaic_0001>

<sc_bundles>
// kernel: kernel.3.cloned.1.call-start
scs
__scs_entry_jumppad:
0x0: {  	(pc) =	sbr.rel $0x88, $3  }
0x1: {  	(tag) =	ssettag $0x0;
	lr =	simm.s32 $0x1  }
0x2: {  	[smem:$0x3F9F] =	sst lr;
	_ =	strace $0xD0000000  }
0x3: {  	_ = 	snop  }
0x4: {  	_ = 	snop  }
0x5: {  	_ = 	snop  }
0x6: {  	_ = 	snop  }
0x7: {  	_ = 	snop  }
__scs_overlays_trampoline_lowered:
0x8: {  	[smem:$0x3FAE] =	sst s0  }
0x9: {  	[smem:$0x3FAF] =	sst s1  }
0xa: {  	[smem:$0x3FB0] =	sst s2  }
0xb: {  	[smem:$0x3FB1] =	sst s3  }
0xc: {  	[smem:$0x3FB2] =	sst s4  }
0xd: {  	[smem:$0x3FB3] =	sst s5  }
0xe: {  	[smem:$0x3FB4] =	sst s6  }
0xf: {  	[smem:$0x3FB5] =	sst s7  }
0x10: {  	[smem:$0x3FB6] =	sst s8  }
0x11: {  	[smem:$0x3FB7] =	sst s9;
	s0 =	simm.s32 @!p0 $0x0  }
0x12: {  	s1 =	sld [smem:$0x3F9D];
	s0 =	simm.s32 @p0 $0x1  }
0x13: {  	[smem:$0x3FB8] =	sst s0;
	s0 =	simm.s32 @!p1 $0x0  }
0x14: {  	s2 =	sld [smem:$0x3F9C];
	s0 =	simm.s32 @p1 $0x1  }
0x15: {  	[smem:$0x3FB9] =	sst s0;
	s0 =	simm.s32 @!p2 $0x0  }
0x16: {  	s3 =	sld [smem:$0x3FDB];
	s0 =	simm.s32 @p2 $0x1  }
0x17: {  	s4 =	simm.s32 $0x1BF5;
	[smem:$0x3FBB] =	sst s0  }
0x18: {  	s0 =	sld [smem:$0x3F9E];
	_ =	swait.ge [sflag:s4], $0x0  }
0x19: {  	s7 =	sld [smem:$0x3F9F]  }
0x1a: {  	s8 =	sadd.s32 $0xFFFFE003, lr  }
0x1b: {  	s9 =	sadd.s32 $0xFFFFFEF7, lr;
	s5 =	simm.s32 $0xFFFFFFFF;
	p2 =	slt.u32 s8, $0xFFFFF086  }
0x1c: {  	p1 =	slt.u32 s9, $0xF7A;
	s5 =	simm.s32 @!p2 $0x0  }
0x1d: {  	s5 =	simm.s32 @p1 $0x1;
	p0 =	seq.s32 s7, s2  }
0x1e: {  	s7 =	smul.u32 @!p0 $0xF7A, s2;
	p2 =	seq.s32 @!p0 s5, $0x0  }
0x1f: {  	s9 =	smul.u32 $0xF7A, s1;
	s8 =	simm.s32 @!p0 $0x1BF5;
	p2 =	por !p2, p0  }
0x20: {  	[sflag:s8] =	ssyncset.s32 @!p0 $0xFFFFF086;
	s6 =	sadd.s32 @!p0 s3, s7;
	s7 =	simm.s32 @!p0 $0x108  }
0x21: {  	s3 =	sadd.s32 s3, s9;
	s6 =	sadd.s32 @!p0 $0x88, s6;
	s7 =	simm.s32 @p2 $0x1082  }
0x22: {  	[simem:s7], [sflag:s8] =	dma.local @!p0 [hbm:s6], $0xF7A  }
0x23: {  	s9 =	sor.u32 $0xD0000000, s2;
	s6 =	simm.s32 $0x108;
	_ =	swait.ge @!p0 [sflag:s8], $0x0  }
0x24: {  	s3 =	sadd.s32 $0x88, s3;
	s6 =	simm.s32 @!p1 $0x1082;
	[sflag:s4] =	ssyncset.s32 $0xFFFFF086  }
0x25: {  	[simem:s6], [sflag:s4] =	dma.local [hbm:s3], $0xF7A  }
0x26: {  	[smem:$0x3F9F] =	sst s1;
	(tag) =	ssettag s2;
	_ =	strace s9  }
0x27: {  	s1 =	sld [smem:$0x3FAF]  }
0x28: {  	s2 =	sld [smem:$0x3FB0]  }
0x29: {  	s4 =	sld [smem:$0x3FB2]  }
0x2a: {  	p0 =	seq.s32 s5, $0x0;
	s5 =	sld [smem:$0x3FB3]  }
0x2b: {  	s6 =	sld [smem:$0x3FB4]  }
0x2c: {  	s7 =	sld [smem:$0x3FB5]  }
0x2d: {  	s3 =	simm.s32 $0x108;
	s8 =	sld [smem:$0x3FB6]  }
0x2e: {  	s3 =	simm.s32 @!p0 $0x1082;
	s9 =	sld [smem:$0x3FB7]  }
0x2f: {  	lr =	sadd.s32 s0, s3;
	s0 =	sld [smem:$0x3FAE]  }
0x30: {  	s3 =	sld [smem:$0x3FB1]  }
0x31: {  	[smem:$0x3FBA] =	sst s10  }
0x32: {  	s10 =	sld [smem:$0x3FB8];
	_ =	sdelay $0x3  }
0x33: {  	p0 =	seq.s32 s10, $0x1;
	s10 =	sld [smem:$0x3FBA];
	_ =	sdelay $0x3  }
0x34: {  	[smem:$0x3FBA] =	sst s10  }
0x35: {  	s10 =	sld [smem:$0x3FB9];
	_ =	sdelay $0x3  }
0x36: {  	p1 =	seq.s32 s10, $0x1;
	s10 =	sld [smem:$0x3FBA];
	_ =	sdelay $0x3  }
0x37: {  	[smem:$0x3FBA] =	sst s10  }
0x38: {  	s10 =	sld [smem:$0x3FBB]  }
0x39: {  	_ = 	snop;
	(pc) =	sbr.ind lr, $3  }
0x3a: {  	_ = 	snop  }
0x3b: {  	_ = 	snop  }
0x3c: {  	p2 =	seq.s32 s10, $0x1;
	s10 =	sld [smem:$0x3FBA]  }
0x3d: {  	_ =	shalt  }
0x3e: {  	_ =	shalt  }
0x3f: {  	_ =	shalt  }
0x40: {  	_ =	shalt  }
0x41: {  	_ =	shalt  }
0x42: {  	_ =	shalt  }
0x43: {  	_ =	shalt  }
0x44: {  	_ =	shalt  }
0x45: {  	_ =	shalt  }
0x46: {  	_ =	shalt  }
0x47: {  	_ =	shalt  }
0x48: {  	_ =	shalt  }
0x49: {  	_ =	shalt  }
0x4a: {  	_ =	shalt  }
0x4b: {  	_ =	shalt  }
0x4c: {  	_ =	shalt  }
0x4d: {  	_ =	shalt  }
0x4e: {  	_ =	shalt  }
0x4f: {  	_ =	shalt  }
0x50: {  	_ =	shalt  }
0x51: {  	_ =	shalt  }
0x52: {  	_ =	shalt  }
0x53: {  	_ =	shalt  }
0x54: {  	_ =	shalt  }
0x55: {  	_ =	shalt  }
0x56: {  	_ =	shalt  }
0x57: {  	_ =	shalt  }
0x58: {  	_ =	shalt  }
0x59: {  	_ =	shalt  }
0x5a: {  	_ =	shalt  }
0x5b: {  	_ =	shalt  }
0x5c: {  	_ =	shalt  }
0x5d: {  	_ =	shalt  }
0x5e: {  	_ =	shalt  }
0x5f: {  	_ =	shalt  }
0x60: {  	_ =	shalt  }
0x61: {  	_ =	shalt  }
0x62: {  	_ =	shalt  }
0x63: {  	_ =	shalt  }
0x64: {  	_ =	shalt  }
0x65: {  	_ =	shalt  }
0x66: {  	_ =	shalt  }
0x67: {  	_ =	shalt  }
0x68: {  	_ =	shalt  }
0x69: {  	_ =	shalt  }
0x6a: {  	_ =	shalt  }
0x6b: {  	_ =	shalt  }
0x6c: {  	_ =	shalt  }
0x6d: {  	_ =	shalt  }
0x6e: {  	_ =	shalt  }
0x6f: {  	_ =	shalt  }
0x70: {  	_ =	shalt  }
0x71: {  	_ =	shalt  }
0x72: {  	_ =	shalt  }
0x73: {  	_ =	shalt  }
0x74: {  	_ =	shalt  }
0x75: {  	_ =	shalt  }
0x76: {  	_ =	shalt  }
0x77: {  	_ =	shalt  }
0x78: {  	_ =	shalt  }
0x79: {  	_ =	shalt  }
0x7a: {  	_ =	shalt  }
0x7b: {  	_ =	shalt  }
0x7c: {  	_ =	shalt  }
0x7d: {  	_ =	shalt  }
0x7e: {  	_ =	shalt  }
0x7f: {  	_ =	shalt  }
0x80: {  	_ =	shalt  }
0x81: {  	_ =	shalt  }
0x82: {  	_ =	shalt  }
0x83: {  	_ =	shalt  }
0x84: {  	_ =	shalt  }
0x85: {  	_ =	shalt  }
0x86: {  	_ =	shalt  }
0x87: {  	_ =	shalt  }
.Lfunc_end0:
.L_simem_size_0:
called_computation_lowered:
.L_overlay_start_0:
0x88: {  	s2 =	sld [smem:$0x3FD9]  }
0x89: {  	s3 =	sld [smem:$0x3FFE];
	_ =	sdelay $0x1  }
0x8a: {  	s1 =	srdreg.scid  }
0x8b: {  	s0 =	sand.u32 $0x1, s1  }
0x8c: {  	s17 =	sshll.u32 s0, $0xA;
	s2 =	sadd.s32 s3, s2  }
0x8d: {  	s2 =	sadd.s32 s2, s17  }
0x8e: {  	[smem:$0x3FC6] =	sst s2  }
0x8f: {  	_ = 	snop  }
0x90: {  	s2 =	sld [smem:$0x3FC8]  }
0x91: {  	s18 =	sld [smem:$0x3FD0];
	(tm) =	ssettm $0x1  }
0x92: {  	s4 =	sld [smem:$0x3FFB];
	_ =	sdelay $0x3  }
0x93: {  	_ =	strace s4  }
0x94: {  	s4 =	sld [smem:$0x3FFC];
	_ =	sdelay $0x3  }
0x95: {  	_ =	strace s4  }
0x96: {  	s4 =	sld [smem:$0x3FFD];
	_ =	sdelay $0x3  }
0x97: {  	_ =	strace s4  }
0x98: {  	_ =	strace $0x8FFFFFFF  }
0x99: {  	s19 =	sld [smem:$0x3FDB];
	_ =	sdelay $0x1  }
0x9a: {  	s5 =	simm.s32 $_scs_section_size  }
0x9b: {  	s6 =	simm.s32 $_size__tile_overlayer_lowered;
	s7 =	simm.s32 $_tile_overlayer_lowered  }
0x9c: {  	s22 =	simm.s32 $0x1BFF;
	s21 =	sshll.u32 s7, $0x1;
	s4 =	sadd.s32 s5, s19  }
0x9d: {  	s8 =	simm.s32 $0x0;
	s20 =	sshll.u32 s6, $0x1;
	s6 =	sadd.s32 s21, s4  }
0x9e: {  	[timem:s8], [sflag:s22] =	dma.local [hbm:s6], s20  }
0x9f: {  	_ =	swait.ge [sflag:s22], s20  }
0xa0: {  	s5 =	ssub.s32 $0x0, s20;
	[sflag:s22] =	ssyncset.done $0x0  }
0xa1: {  	[sflag:s22] =	ssyncadd.s32 s5;
	_ =	sdelay $0x1  }
0xa2: {  	s23 =	simm.s32 $0x1B8B  }
0xa3: {  	_ =	swait.ge [sflag:s23], $0x1  }
0xa4: {  	[sflag:s23] =	ssyncset.done $0x0  }
0xa5: {  	s25 =	simm.s32 $0x1B8E;
	s24 =	sld [smem:$0x3FFE];
	[sflag:s23] =	ssyncadd.s32 $0xFFFFFFFF  }
0xa6: {  	s26 =	simm.s32 $execute0_lowered;
	[smem:$0x3FD2] =	sst s25  }
0xa7: {  	s6 =	sshll.u32 s26, $0x1;
	_ =	strace $0x80000046;
	[dreg:$0x1] =	wrdreg $0xFFFFFFFF  }
0xa8: {  	s28 =	simm.s32 $_size_execute0_lowered;
	s4 =	sadd.s32 s4, s6;
	[dreg:$0x0] =	wrdreg $0x0  }
0xa9: {  	s6 =	sshll.u32 s28, $0x1;
	[dreg:$0x2] =	wrdreg s4  }
0xaa: {  	[dreg:$0x3] =	wrdreg s6  }
0xab: {  	[dreg:$0x4] =	wrdreg $0xC0  }
0xac: {  	_ =	task [dreg:s8], $0x5FFFF  }
0xad: {  	[dreg:$0x1] =	wrdreg $0xFFFFFFFF  }
0xae: {  	[dreg:$0x0] =	wrdreg $0x60  }
0xaf: {  	[dreg:$0x2] =	wrdreg s24  }
0xb0: {  	[dreg:$0x3] =	wrdreg s2  }
0xb1: {  	[dreg:$0x4] =	wrdreg s18  }
0xb2: {  	[dreg:$0x5] =	wrdreg $0x0  }
0xb3: {  	[dreg:$0x6] =	wrdreg $0x9  }
0xb4: {  	_ =	task.clear_ibuf [dreg:s8], $0x7FFFF;
	_ =	strace $0x90000046  }
0xb5: {  	s29 =	simm.s32 $0x9;
	_ =	strace $0x80000048  }
0xb6: {  	_ =	swait.ge [sflag:s29], $0x1  }
0xb7: {  	[sflag:s29] =	ssyncadd.s32 $0xFFFFFFFF  }
0xb8: {  	_ =	strace $0x90000048  }
0xb9: {  	_ =	sfence  }
0xba: {  	s30 =	sld [smem:$0x0];
	_ =	sdelay $0x2  }
0xbb: {  	s31 =	sshll.u32 s1, $0xD;
	s1 =	sshrl.u32 s1, $0x2  }
0xbc: {  	s3 =	sand.u32 $0x4000, s31;
	s1 =	sadd.s32 s1, s30  }
0xbd: {  	s0 =	sor.u32 s3, s0;
	s1 =	sshll.u32 s1, $0x11  }
0xbe: {  	s0 =	sor.u32 s1, s0  }
0xbf: {  	s0 =	sadd.s32 $0x8F2B, s0  }
0xc0: {  	[sflag:s0] =	ssyncadd.remote.s32 $0x1  }
0xc1: {  	_ =	sfence.sel $0xFFFF  }
0xc2: {  	[dreg:$0x0] =	wrdreg $0xFFFFFFFF;
	(pc) =	sbr.abs _section_cstart, $3  }
0xc3: {  	[dreg:$0x1] =	wrdreg $0xFFFFFFFF  }
0xc4: {  	_ =	task.clear_ibuf [dreg:s8], $0x2FFFF;
	_ =	strace $0x9FFFFFFF  }
0xc5: {  	(tm) =	ssettm $0x7FFFFFFF  }
tec
execute0_lowered:
.L_overlay_start_1:
0x0: {  	(tag) =	ssettag $0x1  }
0x1: {  	s0 =	rddreg [dreg:$0x0];
	s1 =	srdreg.scid  }
0x2: {  	s4 =	stileid.u32;
	s5 =	rddreg [dreg:$0x2]  }
0x3: {  	s2 =	rddreg [dreg:$0x3];
	s14 =	simm.s32 $0x40;
	s15 =	simm.s32 $0x7400  }
0x4: {  	s17 =	simm.s32 $0x9400;
	s28 =	simm.s32 $0x13400;
	s30 =	simm.s32 $0x15400  }
0x5: {  	s16 =	simm.s32 $0x19400;
	s29 =	simm.s32 $0x3;
	s31 =	simm.s32 $0x4  }
0x6: {  	s18 =	simm.s32 $0x6;
	s11 =	simm.s32 $0xD;
	s12 =	simm.s32 $0x0  }
0x7: {  	s1 =	sand.u32 $0x1, s1;
	s3 =	sshll.u32 s4, $0x1;
	s21 =	smul.u32 $0xC8000, s4  }
0x8: {  	s6 =	sor.u32 s1, s3;
	s8 =	ssub.s32 $0x2, s1;
	s1 =	smul.u32 $0x64000, s1  }
0x9: {  	p0 =	sne.s32 s4, $0x0;
	s3 =	simm.s32 $0x0;
	s7 =	smul.u32 $0x6400, s6  }
0xa: {  	s4 =	simm.s32 $0x8;
	[smem:$0x7FF] =	sst s3;
	s6 =	smul.u32 $0x320000, s6  }
0xb: {  	s9 =	sshrl.u32 s8, $0x1;
	s25 =	sadd.s32 s21, s5;
	s21 =	simm.s32 $0xD400  }
0xc: {  	_ =	strace $0x80000047;
	s19 =	ssub.s32 s8, s9;
	s8 =	simm.s32 $0xC  }
0xd: {  	s7 =	sshrl.u32 s7, $0x3;
	s6 =	sshrl.u32 s6, $0x3;
	s26 =	smax.u32 s19, $0x1  }
0xe: {  	s19 =	simm.s32 $0xB400;
	s0 =	sadd.s32 s7, s0;
	s20 =	sadd.s32 s5, s6  }
0xf: {  	[dreg:$0xa] =	wrdreg s26;
	s26 =	simm.s32 $0x2;
	s0 =	sadd.s32 $0x400, s0  }
0x10: {  	s5 =	simm.s32 $0x9;
	s22 =	sadd.s32 $0x63000, s20;
	[dreg:$0x5] =	wrdreg s0  }
0x11: {  	s6 =	simm.s32 $0xA;
	s23 =	sadd.s32 $0x63400, s20;
	[dreg:$0x6] =	wrdreg s22  }
0x12: {  	s7 =	simm.s32 $0xB;
	s24 =	sadd.s32 $0x63800, s20;
	[dreg:$0x7] =	wrdreg s23  }
0x13: {  	[dreg:$0x8] =	wrdreg s24;
	s0 =	sadd.s32 $0x63C00, s20;
	s23 =	simm.s32 $0xF400  }
0x14: {  	s20 =	simm.s32 $0x1B400;
	[dreg:$0x9] =	wrdreg s0;
	s0 =	sadd.s32 s1, s25  }
0x15: {  	s24 =	simm.s32 $0x1D400;
	s22 =	simm.s32 $0x7;
	s0 =	sadd.s32 $0x2C00, s0  }
0x16: {  	s25 =	simm.s32 $0x11400;
	[dreg:$0xb] =	wrdreg s0;
	s0 =	sshrl.u32 @!p0 s2, $0x3  }
0x17: {  	s1 =	simm.s32 $0x17400;
	[dreg:$0xc] =	wrdreg s0;
	s0 =	simm.s32 $0x5  }
.LBB2_1:
0x18: {  	[dreg:$0xd] =	wrdreg s12  }
0x19: {  	s9 =	rddreg [dreg:$0x5]  }
0x1a: {  	s12 =	simm.s32 $0x1000;
	s13 =	rddreg [dreg:$0xc]  }
0x1b: {  	[tilespmem:s12], [sflag:$0x1] =	stream.linear.gather [hbm4b:s9+s3], $0x6400, $0x38;
	[tilespmem:$0x1F400] =	vst v63  }
0x1c: {  	s10 =	simm.s32 @!p0 $0x1C1A;
	s9 =	rddreg [dreg:$0x1]  }
0x1d: {  	[spmem:s13], [sflag:s10] =	dma.local @!p0 [hbm:s9], $0x2000  }
0x1e: {  	s10 =	simm.s32 @!p0 $0x1A  }
0x1f: {  	_ =	swait.ge @!p0 [sflag:s10], $0x2000  }
0x20: {  	[sflag:s10] =	ssyncset.done @!p0 $0x0  }
0x21: {  	[sflag:s10] =	ssyncadd.s32 @!p0 $0xFFFFE000  }
0x22: {  	s10 =	simm.s32 $0x1;
	[bflag:$0x0] =	sbarrier.arrive $0xFFFF  }
0x23: {  	_ =	swait.ge [sflag:s10], $0x6400  }
0x24: {  	[sflag:s10] =	ssyncset.done $0x0  }
0x25: {  	[sflag:s10] =	ssyncadd.s32 $0xFFFF9C00  }
0x26: {  	[tilespmem:s15], [sflag:$0x2] =	stream.indirect.gather [spmem:s2], $0x80, s12, s14, $0xb8;
	[tilespmem:$0x1F400] =	vst v63  }
0x27: {  	s12 =	simm.s32 $0x1040  }
0x28: {  	[tilespmem:s17], [sflag:$0x3] =	stream.indirect.gather [spmem:s2], $0x80, s12, s14, $0xb8;
	[tilespmem:$0x1F400] =	vst v63  }
0x29: {  	s13 =	simm.s32 $0x1080  }
0x2a: {  	[tilespmem:s19], [sflag:$0x4] =	stream.indirect.gather [spmem:s2], $0x80, s13, s14, $0xb8;
	[tilespmem:$0x1F400] =	vst v63  }
0x2b: {  	s10 =	simm.s32 $0x10C0  }
0x2c: {  	[tilespmem:s21], [sflag:$0x5] =	stream.indirect.gather [spmem:s2], $0x80, s10, s14, $0xb8;
	[tilespmem:$0x1F400] =	vst v63  }
0x2d: {  	s12 =	simm.s32 $0x1100  }
0x2e: {  	[tilespmem:s23], [sflag:$0x6] =	stream.indirect.gather [spmem:s2], $0x80, s12, s14, $0xb8;
	[tilespmem:$0x1F400] =	vst v63  }
0x2f: {  	s13 =	simm.s32 $0x1140  }
0x30: {  	[tilespmem:s25], [sflag:$0x7] =	stream.indirect.gather [spmem:s2], $0x80, s13, s14, $0xb8;
	[tilespmem:$0x1F400] =	vst v63  }
0x31: {  	s10 =	simm.s32 $0x1180  }
0x32: {  	[tilespmem:s28], [sflag:$0x8] =	stream.indirect.gather [spmem:s2], $0x80, s10, s14, $0xb8;
	[tilespmem:$0x1F400] =	vst v63  }
0x33: {  	s12 =	simm.s32 $0x11C0  }
0x34: {  	[tilespmem:s30], [sflag:$0x9] =	stream.indirect.gather [spmem:s2], $0x80, s12, s14, $0xb8;
	[tilespmem:$0x1F400] =	vst v63  }
0x35: {  	s13 =	simm.s32 $0x1200  }
0x36: {  	[tilespmem:s1], [sflag:$0xA] =	stream.indirect.gather [spmem:s2], $0x80, s13, s14, $0xb8;
	[tilespmem:$0x1F400] =	vst v63  }
0x37: {  	s10 =	simm.s32 $0x1240  }
0x38: {  	[tilespmem:s16], [sflag:$0xB] =	stream.indirect.gather [spmem:s2], $0x80, s10, s14, $0xb8;
	[tilespmem:$0x1F400] =	vst v63  }
0x39: {  	s12 =	simm.s32 $0x1280  }
0x3a: {  	[tilespmem:s20], [sflag:$0xC] =	stream.indirect.gather [spmem:s2], $0x80, s12, s14, $0xb8;
	[tilespmem:$0x1F400] =	vst v63  }
0x3b: {  	s13 =	simm.s32 $0x12C0;
	s10 =	simm.s32 $0x0;
	s12 =	rddreg [dreg:$0xb]  }
0x3c: {  	[tilespmem:s24], [sflag:$0xD] =	stream.indirect.gather [spmem:s2], $0x80, s13, s14, $0xb8;
	[tilespmem:$0x1F400] =	vst v63  }
.LBB2_2:
0x3d: {  	_ =	swait.ge [sflag:s26], $0x2000  }
0x3e: {  	[sflag:s26] =	ssyncset.done $0x0  }
0x3f: {  	s13 =	sadd.s32 $0xFFFFD400, s12;
	[sflag:s26] =	ssyncadd.s32 $0xFFFFE000  }
0x40: {  	[hbm4b:s13+s3] =	stream.linear.scatter [tilespmem:s15], [sflag:$0xE], $0x2000, $0x38;
	[tilespmem:$0x1F400] =	vst v63  }
0x41: {  	_ =	swait.ge [sflag:s29], $0x2000  }
0x42: {  	[sflag:s29] =	ssyncset.done $0x0  }
0x43: {  	s9 =	sadd.s32 $0xFFFFD800, s12;
	[sflag:s29] =	ssyncadd.s32 $0xFFFFE000  }
0x44: {  	[hbm4b:s9+s3] =	stream.linear.scatter [tilespmem:s17], [sflag:$0xF], $0x2000, $0x38;
	[tilespmem:$0x1F400] =	vst v63  }
0x45: {  	_ =	swait.ge [sflag:s31], $0x2000  }
0x46: {  	[sflag:s31] =	ssyncset.done $0x0  }
0x47: {  	s14 =	sadd.s32 $0xFFFFDC00, s12;
	[sflag:s31] =	ssyncadd.s32 $0xFFFFE000  }
0x48: {  	[hbm4b:s14+s3] =	stream.linear.scatter [tilespmem:s19], [sflag:$0x10], $0x2000, $0x38;
	[tilespmem:$0x1F400] =	vst v63  }
0x49: {  	_ =	swait.ge [sflag:s0], $0x2000  }
0x4a: {  	[sflag:s0] =	ssyncset.done $0x0  }
0x4b: {  	s9 =	sadd.s32 $0xFFFFE000, s12;
	[sflag:s0] =	ssyncadd.s32 $0xFFFFE000  }
0x4c: {  	[hbm4b:s9+s3] =	stream.linear.scatter [tilespmem:s21], [sflag:$0x11], $0x2000, $0x38;
	[tilespmem:$0x1F400] =	vst v63  }
0x4d: {  	_ =	swait.ge [sflag:s18], $0x2000  }
0x4e: {  	[sflag:s18] =	ssyncset.done $0x0  }
0x4f: {  	s14 =	sadd.s32 $0xFFFFE400, s12;
	[sflag:s18] =	ssyncadd.s32 $0xFFFFE000  }
0x50: {  	[hbm4b:s14+s3] =	stream.linear.scatter [tilespmem:s23], [sflag:$0x12], $0x2000, $0x38;
	[tilespmem:$0x1F400] =	vst v63  }
0x51: {  	_ =	swait.ge [sflag:s22], $0x2000  }
0x52: {  	[sflag:s22] =	ssyncset.done $0x0  }
0x53: {  	s9 =	sadd.s32 $0xFFFFE800, s12;
	[sflag:s22] =	ssyncadd.s32 $0xFFFFE000  }
0x54: {  	[hbm4b:s9+s3] =	stream.linear.scatter [tilespmem:s25], [sflag:$0x13], $0x2000, $0x38;
	[tilespmem:$0x1F400] =	vst v63  }
0x55: {  	_ =	swait.ge [sflag:s4], $0x2000  }
0x56: {  	[sflag:s4] =	ssyncset.done $0x0  }
0x57: {  	s14 =	sadd.s32 $0xFFFFEC00, s12;
	[sflag:s4] =	ssyncadd.s32 $0xFFFFE000  }
0x58: {  	[hbm4b:s14+s3] =	stream.linear.scatter [tilespmem:s28], [sflag:$0x14], $0x2000, $0x38;
	[tilespmem:$0x1F400] =	vst v63  }
0x59: {  	_ =	swait.ge [sflag:s5], $0x2000  }
0x5a: {  	[sflag:s5] =	ssyncset.done $0x0  }
0x5b: {  	s23 =	sadd.s32 $0xFFFFF000, s12;
	[sflag:s5] =	ssyncadd.s32 $0xFFFFE000  }
0x5c: {  	[hbm4b:s23+s3] =	stream.linear.scatter [tilespmem:s30], [sflag:$0x15], $0x2000, $0x38;
	[tilespmem:$0x1F400] =	vst v63  }
0x5d: {  	_ =	swait.ge [sflag:s6], $0x2000  }
0x5e: {  	[sflag:s6] =	ssyncset.done $0x0  }
0x5f: {  	s9 =	sadd.s32 $0xFFFFF400, s12;
	[sflag:s6] =	ssyncadd.s32 $0xFFFFE000  }
0x60: {  	[hbm4b:s9+s3] =	stream.linear.scatter [tilespmem:s1], [sflag:$0x16], $0x2000, $0x38;
	[tilespmem:$0x1F400] =	vst v63  }
0x61: {  	_ =	swait.ge [sflag:s7], $0x2000  }
0x62: {  	[sflag:s7] =	ssyncset.done $0x0  }
0x63: {  	s14 =	sadd.s32 $0xFFFFF800, s12;
	[sflag:s7] =	ssyncadd.s32 $0xFFFFE000  }
0x64: {  	[hbm4b:s14+s3] =	stream.linear.scatter [tilespmem:s16], [sflag:$0x17], $0x2000, $0x38;
	[tilespmem:$0x1F400] =	vst v63  }
0x65: {  	_ =	swait.ge [sflag:s8], $0x2000  }
0x66: {  	[sflag:s8] =	ssyncset.done $0x0  }
0x67: {  	s23 =	sadd.s32 $0xFFFFFC00, s12;
	[sflag:s8] =	ssyncadd.s32 $0xFFFFE000  }
0x68: {  	[hbm4b:s23+s3] =	stream.linear.scatter [tilespmem:s20], [sflag:$0x18], $0x2000, $0x38;
	[tilespmem:$0x1F400] =	vst v63  }
0x69: {  	_ =	swait.ge [sflag:s11], $0x2000  }
0x6a: {  	p1 =	seq.s32 s10, $0x18000;
	[sflag:s11] =	ssyncset.done $0x0  }
0x6b: {  	s13 =	simm.s32 @!p1 $0xE;
	[sflag:s11] =	ssyncadd.s32 $0xFFFFE000  }
0x6c: {  	[hbm4b:s12+s3] =	stream.linear.scatter [tilespmem:s24], [sflag:$0x19], $0x2000, $0x38;
	[tilespmem:$0x1F400] =	vst v63  }
0x6d: {  	_ =	swait.ge @!p1 [sflag:s13], $0x2000  }
0x6e: {  	[sflag:s13] =	ssyncset.done @!p1 $0x0  }
0x6f: {  	[sflag:s13] =	ssyncadd.s32 @!p1 $0xFFFFE000;
	s13 =	sshra.s32 @!p1 s10, $0x2  }
0x70: {  	s14 =	simm.s32 @!p1 $0x40;
	s23 =	simm.s32 @!p1 $0x7400;
	s9 =	sadd.s32 @!p1 $0x1300, s13  }
0x71: {  	[tilespmem:s23], [sflag:$0x2] =	stream.indirect.gather @!p1 [spmem:s2], $0x80, s9, s14, $0xb8;
	[tilespmem:$0x1F400] =	vst v63  }
0x72: {  	s9 =	simm.s32 @!p1 $0xF  }
0x73: {  	_ =	swait.ge @!p1 [sflag:s9], $0x2000  }
0x74: {  	[sflag:s9] =	ssyncset.done @!p1 $0x0  }
0x75: {  	s23 =	simm.s32 @!p1 $0x9400;
	[sflag:s9] =	ssyncadd.s32 @!p1 $0xFFFFE000;
	s9 =	sadd.s32 @!p1 $0x1340, s13  }
0x76: {  	[tilespmem:s23], [sflag:$0x3] =	stream.indirect.gather @!p1 [spmem:s2], $0x80, s9, s14, $0xb8;
	[tilespmem:$0x1F400] =	vst v63  }
0x77: {  	s9 =	simm.s32 @!p1 $0x10  }
0x78: {  	_ =	swait.ge @!p1 [sflag:s9], $0x2000  }
0x79: {  	[sflag:s9] =	ssyncset.done @!p1 $0x0  }
0x7a: {  	s23 =	simm.s32 @!p1 $0xB400;
	[sflag:s9] =	ssyncadd.s32 @!p1 $0xFFFFE000;
	s9 =	sadd.s32 @!p1 $0x1380, s13  }
0x7b: {  	[tilespmem:s23], [sflag:$0x4] =	stream.indirect.gather @!p1 [spmem:s2], $0x80, s9, s14, $0xb8;
	[tilespmem:$0x1F400] =	vst v63  }
0x7c: {  	s9 =	simm.s32 @!p1 $0x11  }
0x7d: {  	_ =	swait.ge @!p1 [sflag:s9], $0x2000  }
0x7e: {  	[sflag:s9] =	ssyncset.done @!p1 $0x0  }
0x7f: {  	s23 =	simm.s32 @!p1 $0xD400;
	[sflag:s9] =	ssyncadd.s32 @!p1 $0xFFFFE000;
	s9 =	sadd.s32 @!p1 $0x13C0, s13  }
0x80: {  	[tilespmem:s23], [sflag:$0x5] =	stream.indirect.gather @!p1 [spmem:s2], $0x80, s9, s14, $0xb8;
	[tilespmem:$0x1F400] =	vst v63  }
0x81: {  	s9 =	simm.s32 @!p1 $0x12  }
0x82: {  	_ =	swait.ge @!p1 [sflag:s9], $0x2000  }
0x83: {  	[sflag:s9] =	ssyncset.done @!p1 $0x0  }
0x84: {  	s23 =	simm.s32 @!p1 $0xF400;
	[sflag:s9] =	ssyncadd.s32 @!p1 $0xFFFFE000;
	s9 =	sadd.s32 @!p1 $0x1400, s13  }
0x85: {  	[tilespmem:s23], [sflag:$0x6] =	stream.indirect.gather @!p1 [spmem:s2], $0x80, s9, s14, $0xb8;
	[tilespmem:$0x1F400] =	vst v63  }
0x86: {  	s9 =	simm.s32 @!p1 $0x13  }
0x87: {  	_ =	swait.ge @!p1 [sflag:s9], $0x2000  }
0x88: {  	[sflag:s9] =	ssyncset.done @!p1 $0x0  }
0x89: {  	s23 =	simm.s32 @!p1 $0x11400;
	[sflag:s9] =	ssyncadd.s32 @!p1 $0xFFFFE000;
	s9 =	sadd.s32 @!p1 $0x1440, s13  }
0x8a: {  	[tilespmem:s23], [sflag:$0x7] =	stream.indirect.gather @!p1 [spmem:s2], $0x80, s9, s14, $0xb8;
	[tilespmem:$0x1F400] =	vst v63  }
0x8b: {  	s9 =	simm.s32 @!p1 $0x14  }
0x8c: {  	_ =	swait.ge @!p1 [sflag:s9], $0x2000  }
0x8d: {  	[sflag:s9] =	ssyncset.done @!p1 $0x0  }
0x8e: {  	s23 =	simm.s32 @!p1 $0x13400;
	[sflag:s9] =	ssyncadd.s32 @!p1 $0xFFFFE000;
	s9 =	sadd.s32 @!p1 $0x1480, s13  }
0x8f: {  	[tilespmem:s23], [sflag:$0x8] =	stream.indirect.gather @!p1 [spmem:s2], $0x80, s9, s14, $0xb8;
	[tilespmem:$0x1F400] =	vst v63  }
0x90: {  	s9 =	simm.s32 @!p1 $0x15  }
0x91: {  	_ =	swait.ge @!p1 [sflag:s9], $0x2000  }
0x92: {  	[sflag:s9] =	ssyncset.done @!p1 $0x0  }
0x93: {  	s23 =	simm.s32 @!p1 $0x15400;
	[sflag:s9] =	ssyncadd.s32 @!p1 $0xFFFFE000;
	s9 =	sadd.s32 @!p1 $0x14C0, s13  }
0x94: {  	[tilespmem:s23], [sflag:$0x9] =	stream.indirect.gather @!p1 [spmem:s2], $0x80, s9, s14, $0xb8;
	[tilespmem:$0x1F400] =	vst v63  }
0x95: {  	s9 =	simm.s32 @!p1 $0x16  }
0x96: {  	_ =	swait.ge @!p1 [sflag:s9], $0x2000  }
0x97: {  	[sflag:s9] =	ssyncset.done @!p1 $0x0  }
0x98: {  	s23 =	simm.s32 @!p1 $0x17400;
	[sflag:s9] =	ssyncadd.s32 @!p1 $0xFFFFE000;
	s9 =	sadd.s32 @!p1 $0x1500, s13  }
0x99: {  	[tilespmem:s23], [sflag:$0xA] =	stream.indirect.gather @!p1 [spmem:s2], $0x80, s9, s14, $0xb8;
	[tilespmem:$0x1F400] =	vst v63  }
0x9a: {  	s9 =	simm.s32 @!p1 $0x17  }
0x9b: {  	_ =	swait.ge @!p1 [sflag:s9], $0x2000  }
0x9c: {  	[sflag:s9] =	ssyncset.done @!p1 $0x0  }
0x9d: {  	s23 =	simm.s32 @!p1 $0x19400;
	[sflag:s9] =	ssyncadd.s32 @!p1 $0xFFFFE000;
	s9 =	sadd.s32 @!p1 $0x1540, s13  }
0x9e: {  	[tilespmem:s23], [sflag:$0xB] =	stream.indirect.gather @!p1 [spmem:s2], $0x80, s9, s14, $0xb8;
	[tilespmem:$0x1F400] =	vst v63  }
0x9f: {  	s10 =	sadd.s32 @!p1 $0xC00, s10;
	s9 =	simm.s32 @!p1 $0x18  }
0xa0: {  	p2 =	sne.s32 @!p1 s10, $0x18C00;
	_ =	swait.ge @!p1 [sflag:s9], $0x2000  }
0xa1: {  	p2 =	por p1, !p2;
	[sflag:s9] =	ssyncset.done @!p1 $0x0  }
0xa2: {  	s23 =	simm.s32 @!p1 $0x1B400;
	[sflag:s9] =	ssyncadd.s32 @!p1 $0xFFFFE000;
	s9 =	sadd.s32 @!p1 $0x1580, s13  }
0xa3: {  	[tilespmem:s23], [sflag:$0xC] =	stream.indirect.gather @!p1 [spmem:s2], $0x80, s9, s14, $0xb8;
	[tilespmem:$0x1F400] =	vst v63  }
.Ltmp0:
0xa4: {  	s9 =	simm.s32 @!p1 $0x19;
	(pc) =	sbr.rel @!p2 .LBB2_2-.Ltmp0, $4  }
0xa5: {  	_ =	swait.ge @!p1 [sflag:s9], $0x2000  }
0xa6: {  	s12 =	sadd.s32 @!p1 $0x3000, s12;
	s23 =	simm.s32 $0xF400;
	[sflag:s9] =	ssyncset.done @!p1 $0x0  }
0xa7: {  	[sflag:s9] =	ssyncadd.s32 @!p1 $0xFFFFE000;
	s9 =	sadd.s32 @!p1 $0x15C0, s13;
	s13 =	simm.s32 @!p1 $0x1D400  }
0xa8: {  	[tilespmem:s13], [sflag:$0xD] =	stream.indirect.gather @!p1 [spmem:s2], $0x80, s9, s14, $0xb8;
	[tilespmem:$0x1F400] =	vst v63  }
0xa9: {  	s9 =	simm.s32 $0xE  }
0xaa: {  	_ =	swait.ge [sflag:s9], $0x2000  }
0xab: {  	[sflag:s9] =	ssyncset.done $0x0  }
0xac: {  	s14 =	simm.s32 $0x40;
	s12 =	simm.s32 $0x7300;
	[sflag:s9] =	ssyncadd.s32 $0xFFFFE000  }
0xad: {  	[tilespmem:s15], [sflag:$0x2] =	stream.indirect.gather [spmem:s2], $0x80, s12, s14, $0xb8;
	[tilespmem:$0x1F400] =	vst v63  }
0xae: {  	s12 =	simm.s32 $0xF  }
0xaf: {  	_ =	swait.ge [sflag:s12], $0x2000  }
0xb0: {  	[sflag:s12] =	ssyncset.done $0x0  }
0xb1: {  	s13 =	simm.s32 $0x7340;
	[sflag:s12] =	ssyncadd.s32 $0xFFFFE000  }
0xb2: {  	[tilespmem:s17], [sflag:$0x3] =	stream.indirect.gather [spmem:s2], $0x80, s13, s14, $0xb8;
	[tilespmem:$0x1F400] =	vst v63  }
0xb3: {  	s13 =	simm.s32 $0x10  }
0xb4: {  	_ =	swait.ge [sflag:s13], $0x2000  }
0xb5: {  	[sflag:s13] =	ssyncset.done $0x0  }
0xb6: {  	s10 =	simm.s32 $0x7380;
	[sflag:s13] =	ssyncadd.s32 $0xFFFFE000  }
0xb7: {  	[tilespmem:s19], [sflag:$0x4] =	stream.indirect.gather [spmem:s2], $0x80, s10, s14, $0xb8;
	[tilespmem:$0x1F400] =	vst v63  }
0xb8: {  	s10 =	simm.s32 $0x11  }
0xb9: {  	_ =	swait.ge [sflag:s10], $0x2000  }
0xba: {  	[sflag:s10] =	ssyncset.done $0x0  }
0xbb: {  	s9 =	simm.s32 $0x73C0;
	[sflag:s10] =	ssyncadd.s32 $0xFFFFE000  }
0xbc: {  	[tilespmem:s21], [sflag:$0x5] =	stream.indirect.gather [spmem:s2], $0x80, s9, s14, $0xb8;
	[tilespmem:$0x1F400] =	vst v63  }
0xbd: {  	_ =	swait.ge [sflag:s26], $0x2000  }
0xbe: {  	[sflag:s26] =	ssyncset.done $0x0  }
0xbf: {  	s9 =	rddreg [dreg:$0x6];
	[sflag:s26] =	ssyncadd.s32 $0xFFFFE000  }
0xc0: {  	[hbm4b:s9+s3] =	stream.linear.scatter [tilespmem:s15], [sflag:$0xE], $0x2000, $0x38;
	[tilespmem:$0x1F400] =	vst v63  }
0xc1: {  	_ =	swait.ge [sflag:s29], $0x2000  }
0xc2: {  	[sflag:s29] =	ssyncset.done $0x0  }
0xc3: {  	s9 =	rddreg [dreg:$0x7];
	[sflag:s29] =	ssyncadd.s32 $0xFFFFE000  }
0xc4: {  	[hbm4b:s9+s3] =	stream.linear.scatter [tilespmem:s17], [sflag:$0xF], $0x2000, $0x38;
	[tilespmem:$0x1F400] =	vst v63  }
0xc5: {  	_ =	swait.ge [sflag:s31], $0x2000  }
0xc6: {  	[sflag:s31] =	ssyncset.done $0x0  }
0xc7: {  	s9 =	rddreg [dreg:$0x8];
	[sflag:s31] =	ssyncadd.s32 $0xFFFFE000  }
0xc8: {  	[hbm4b:s9+s3] =	stream.linear.scatter [tilespmem:s19], [sflag:$0x10], $0x2000, $0x38;
	[tilespmem:$0x1F400] =	vst v63  }
0xc9: {  	_ =	swait.ge [sflag:s0], $0x2000  }
0xca: {  	[sflag:s0] =	ssyncset.done $0x0  }
0xcb: {  	s9 =	rddreg [dreg:$0x9];
	[sflag:s0] =	ssyncadd.s32 $0xFFFFE000  }
0xcc: {  	[hbm4b:s9+s3] =	stream.linear.scatter [tilespmem:s21], [sflag:$0x11], $0x2000, $0x38;
	[tilespmem:$0x1F400] =	vst v63  }
0xcd: {  	s9 =	simm.s32 $0x12  }
0xce: {  	_ =	swait.ge [sflag:s9], $0x2000  }
0xcf: {  	[sflag:s9] =	ssyncset.done $0x0  }
0xd0: {  	[sflag:s9] =	ssyncadd.s32 $0xFFFFE000;
	s9 =	simm.s32 $0x13  }
0xd1: {  	_ =	swait.ge [sflag:s9], $0x2000  }
0xd2: {  	[sflag:s9] =	ssyncset.done $0x0  }
0xd3: {  	[sflag:s9] =	ssyncadd.s32 $0xFFFFE000;
	s9 =	simm.s32 $0x14  }
0xd4: {  	_ =	swait.ge [sflag:s9], $0x2000  }
0xd5: {  	[sflag:s9] =	ssyncset.done $0x0  }
0xd6: {  	[sflag:s9] =	ssyncadd.s32 $0xFFFFE000;
	s9 =	simm.s32 $0x15  }
0xd7: {  	_ =	swait.ge [sflag:s9], $0x2000  }
0xd8: {  	[sflag:s9] =	ssyncset.done $0x0  }
0xd9: {  	[sflag:s9] =	ssyncadd.s32 $0xFFFFE000;
	s9 =	simm.s32 $0x16  }
0xda: {  	_ =	swait.ge [sflag:s9], $0x2000  }
0xdb: {  	[sflag:s9] =	ssyncset.done $0x0  }
0xdc: {  	[sflag:s9] =	ssyncadd.s32 $0xFFFFE000;
	s9 =	simm.s32 $0x17  }
0xdd: {  	_ =	swait.ge [sflag:s9], $0x2000  }
0xde: {  	[sflag:s9] =	ssyncset.done $0x0  }
0xdf: {  	[sflag:s9] =	ssyncadd.s32 $0xFFFFE000;
	s9 =	simm.s32 $0x18  }
0xe0: {  	_ =	swait.ge [sflag:s9], $0x2000  }
0xe1: {  	[sflag:s9] =	ssyncset.done $0x0  }
0xe2: {  	[sflag:s9] =	ssyncadd.s32 $0xFFFFE000;
	s9 =	simm.s32 $0x19  }
0xe3: {  	_ =	swait.ge [sflag:s9], $0x2000  }
0xe4: {  	[sflag:s9] =	ssyncset.done $0x0  }
0xe5: {  	[sflag:s9] =	ssyncadd.s32 $0xFFFFE000;
	s9 =	simm.s32 $0xE  }
0xe6: {  	_ =	swait.ge [sflag:s9], $0x2000  }
0xe7: {  	[sflag:s9] =	ssyncset.done $0x0  }
0xe8: {  	[sflag:s9] =	ssyncadd.s32 $0xFFFFE000  }
0xe9: {  	_ =	swait.ge [sflag:s12], $0x2000  }
0xea: {  	[sflag:s12] =	ssyncset.done $0x0  }
0xeb: {  	[sflag:s12] =	ssyncadd.s32 $0xFFFFE000  }
0xec: {  	_ =	swait.ge [sflag:s13], $0x2000  }
0xed: {  	[sflag:s13] =	ssyncset.done $0x0  }
0xee: {  	[sflag:s13] =	ssyncadd.s32 $0xFFFFE000  }
0xef: {  	_ =	swait.ge [sflag:s10], $0x2000  }
0xf0: {  	s9 =	rddreg [dreg:$0xd]  }
0xf1: {  	s13 =	rddreg [dreg:$0xa];
	s12 =	sadd.s32 $0x1, s9  }
0xf2: {  	p1 =	sne.s32 s12, s13  }
.Ltmp1:
0xf3: {  	_ = 	snop;
	(pc) =	sbr.rel @p1 .LBB2_1-.Ltmp1, $3  }
0xf4: {  	_ =	sdelay $0x1  }
0xf5: {  	[sflag:s10] =	ssyncset.done $0x0  }
0xf6: {  	[sflag:s10] =	ssyncadd.s32 $0xFFFFE000  }
0xf7: {  	_ =	sfence.sel $0x180000  }
0xf8: {  	[bflag:$0x0] =	sbarrier.arrive $0xFFFF  }
0xf9: {  	_ =	strace $0x90000047  }
0xfa: {  	[bflag:$0x2] =	sbarrier.arrive $0xFFFF  }
0xfb: {  	s0 =	rddreg [dreg:$0x4]  }
0xfc: {  	s0 =	sadd.s32 @!p0 $0x100000, s0  }
0xfd: {  	[sflag:s0] =	ssyncadd.tile.s32 @!p0 $0x1;
	_ =	shalt  }
.Lfunc_end2:
_tile_overlayer_lowered:
.L_overlay_start_2:
0xfe: {  	(tag) =	ssettag $0x2  }
0xff: {  	s0 =	rddreg [dreg:$0x0];
	s2 =	stileid.u32  }
0x100: {  	s1 =	rddreg [dreg:$0x1];
	p0 =	sne.s32 s2, $0x0  }
0x101: {  	s3 =	rddreg [dreg:$0x2];
	[bflag:$0x3] =	sbarrier.arrive $0xFFFF;
	s2 =	simm.s32 @!p0 $0x1C1A  }
0x102: {  	[timem:s3], [sflag:s2] =	dma.local @!p0 [hbm:s0], s1  }
0x103: {  	s0 =	simm.s32 @!p0 $0x1A  }
0x104: {  	_ =	swait.ge @!p0 [sflag:s0], s1  }
0x105: {  	s1 =	ssub.s32 @!p0 $0x0, s1;
	[sflag:s0] =	ssyncset.done @!p0 $0x0  }
0x106: {  	[sflag:s0] =	ssyncadd.s32 @!p0 s1  }
0x107: {  	[bflag:$0x3] =	sbarrier.arrive $0xFFFF  }
0x108: {  	_ =	shalt  }

</sc_bundles>
